<compile_context>
chip_gen: v7x
topology: tpu7x:2x2x1
jax: 0.10.2.dev20260603
libtpu: 0.0.44.dev20260713+nightly
codegen_flags: <defaults>
</compile_context>

<pallas_src>
import functools

import jax
import jax.numpy as jnp
from jax import lax
from jax.experimental import pallas as pl
from jax.experimental.pallas import tpu as pltpu
from jax.experimental.pallas import tpu_sc as plsc

B = 16384
V = 1000
D = 128
NCLS = 3

NCORES = 2
NSUBC = 16
NW = NCORES * NSUBC
ROWS_PER_W = B // NW
SUB = 64
NSUBCHUNK = ROWS_PER_W // SUB


def _tables_body(embed_ref, w1_ref, b1_ref, t0_ref, t1_ref, t2_ref):
    e = embed_ref[...]
    b = b1_ref[...] * (1.0 / 3.0)
    for s, t_ref in enumerate((t0_ref, t1_ref, t2_ref)):
        t_ref[...] = (
            jnp.dot(e, w1_ref[pl.ds(s * D, D), :],
                    preferred_element_type=jnp.float32) + b
        )


def _make_tables(embed, W1, b1):
    return pl.pallas_call(
        _tables_body,
        out_shape=[jax.ShapeDtypeStruct((V, D), jnp.float32)] * 3,
    )(embed, W1, b1.reshape(1, D))


@functools.partial(
    pl.kernel,
    mesh=plsc.VectorSubcoreMesh(core_axis_name="c", subcore_axis_name="s"),
    out_type=jax.ShapeDtypeStruct((B, D), jnp.float32),
    scratch_types=[
        pltpu.VMEM((ROWS_PER_W,), jnp.int32),
        pltpu.VMEM((ROWS_PER_W,), jnp.int32),
        pltpu.VMEM((ROWS_PER_W,), jnp.int32),
        pltpu.VMEM((SUB, D), jnp.float32),
        pltpu.VMEM((SUB, D), jnp.float32),
        pltpu.VMEM((SUB, D), jnp.float32),
        pltpu.VMEM((SUB, D), jnp.float32),
        pltpu.VMEM((SUB, D), jnp.float32),
        pltpu.VMEM((SUB, D), jnp.float32),
        pltpu.VMEM_SHARED((V, D), jnp.float32),
        pltpu.VMEM_SHARED((V, D), jnp.float32),
        pltpu.VMEM_SHARED((V, D), jnp.float32),
        pltpu.SemaphoreType.DMA,
        pltpu.SemaphoreType.DMA,
        pltpu.SemaphoreType.DMA,
        pltpu.SemaphoreType.DMA,
    ],
)
def _sc_lookup(t0, t1, t2, x0, x1, x2, out,
               i0a, i1a, i2a, ra0, ra1, ra2, rb0, rb1, rb2,
               s0, s1, s2, semi, semg0, semg1, semo):
    sid = lax.axis_index("s")
    wid = sid * NCORES + lax.axis_index("c")
    base = wid * ROWS_PER_W

    ci = [pltpu.async_copy(x.at[pl.ds(base, ROWS_PER_W)], ia, semi)
          for x, ia in ((x0, i0a), (x1, i1a), (x2, i2a))]

    srcs = (t0, t1, t2)
    dsts = (s0, s1, s2)
    for j in range(24):
        tbl, part, tid = j // 8, j % 8, j % 16

        rows = 128 if part < 7 else V - 7 * 128

        @pl.when(sid == tid)
        def _stage(tbl=tbl, part=part, rows=rows):
            pltpu.sync_copy(srcs[tbl].at[pl.ds(part * 128, rows), :],
                            dsts[tbl].at[pl.ds(part * 128, rows), :])

    plsc.subcore_barrier()
    for c in ci:
        c.wait()

    sets = ((ra0, ra1, ra2, semg0), (rb0, rb1, rb2, semg1))

    def _fire(k):
        b0, b1, b2, sg = sets[k % 2]
        sl = pl.ds(k * SUB, SUB)
        return (pltpu.async_copy(s0.at[i0a.at[sl]], b0, sg),
                pltpu.async_copy(s1.at[i1a.at[sl]], b1, sg),
                pltpu.async_copy(s2.at[i2a.at[sl]], b2, sg))

    gath = {0: _fire(0)}
    outc = {}
    for k in range(NSUBCHUNK):
        if k + 1 < NSUBCHUNK:
            if k >= 1:
                outc[k - 1].wait()
            gath[k + 1] = _fire(k + 1)
        for c in gath[k]:
            c.wait()
        b0, b1, b2, _ = sets[k % 2]

        def _add_row(i, _):
            for j in range(D // 16):
                sl = pl.ds(j * 16, 16)
                plsc.addupdate(b0.at[i, sl], b1[i, sl] + b2[i, sl])
            return 0

        lax.fori_loop(0, SUB, _add_row, 0)
        outc[k] = pltpu.async_copy(
            b0, out.at[pl.ds(base + k * SUB, SUB)], semo)
    outc[NSUBCHUNK - 2].wait()
    outc[NSUBCHUNK - 1].wait()


def _mlp_body(p_ref, w2t_ref, b2t_ref, o_ref):
    h = jnp.tanh(p_ref[...])
    o_ref[...] = (
        lax.dot_general(w2t_ref[...], h, (((1,), (1,)), ((), ())),
                        preferred_element_type=jnp.float32)
        + b2t_ref[...]
    )


def _mlp_t(preact, W2, b2):
    grid = 2
    blk = B // grid
    return pl.pallas_call(
        _mlp_body,
        grid=(grid,),
        in_specs=[
            pl.BlockSpec((blk, D), lambda i: (i, 0)),
            pl.BlockSpec((NCLS, D), lambda i: (0, 0)),
            pl.BlockSpec((NCLS, 1), lambda i: (0, 0)),
        ],
        out_specs=pl.BlockSpec((NCLS, blk), lambda i: (0, i)),
        out_shape=jax.ShapeDtypeStruct((NCLS, B), jnp.float32),
    )(preact, W2.T, b2.reshape(NCLS, 1))


def kernel(X, embed, W1, b1, W2, b2):
    t0, t1, t2 = _make_tables(embed, W1, b1)
    X = X.astype(jnp.int32)
    preact = _sc_lookup(t0, t1, t2, X[:, 0], X[:, 1], X[:, 2])
    return _mlp_t(preact, W2, b2).T

# --- scband reference (transcript-rebuilt; emitter-appended) ---
"""Pipeline reference for scband-base-model-59004260712742 (READ-ONLY COPY).

The authoritative reference and input builder live on the scoring server;
editing this copy changes nothing except your own understanding.
"""

import jax, jax.numpy as jnp
import numpy as np

B = 16384
V = 1000
D = 128
NC = 3

def setup_inputs(seed: int = 0):
    key = jax.random.key(seed)
    ks = jax.random.split(key, 6)
    X = jax.random.randint(ks[0], (B, 3), 0, 950)
    embed = jax.random.normal(ks[1], (V, D), dtype=jnp.float32)
    W1 = jax.random.normal(ks[2], (3 * D, D), dtype=jnp.float32) * 0.05
    b1 = jnp.zeros((D,), dtype=jnp.float32)
    W2 = jax.random.normal(ks[3], (D, NC), dtype=jnp.float32) * 0.05
    b2 = jnp.zeros((NC,), dtype=jnp.float32)
    return {"X": X, "embed": embed, "W1": W1, "b1": b1, "W2": W2, "b2": b2}

def reference(X, embed, W1, b1, W2, b2):
    e = jnp.take(embed, X, axis=0)          # [B, 3, D] embedding gather
    flat = e.reshape(e.shape[0], -1)         # [B, 3*D]
    h = jnp.tanh(flat @ W1 + b1)             # Linear(3D -> D) + Tanh
    out = h @ W2 + b2                        # Linear(D -> n_class)
    return out

if __name__ == "__main__":
    import jax
    _d = setup_inputs()
    print(jax.jit(kernel)(*tuple(_d.values())))

</pallas_src>

<mosaic_0001>
#map = affine_map<(d0, d1) -> (0, 0)>
#map1 = affine_map<(d0, d1) -> (0)>
module attributes {stable_mosaic.version = 14 : i64} {
  func.func @_sc_lookup(%arg0: i32, %arg1: i32, %arg2: memref<1000x128xf32, #tpu.memory_space<hbm>>, %arg3: memref<1000x128xf32, #tpu.memory_space<hbm>>, %arg4: memref<1000x128xf32, #tpu.memory_space<hbm>>, %arg5: memref<16384xi32, #tpu.memory_space<hbm>>, %arg6: memref<16384xi32, #tpu.memory_space<hbm>>, %arg7: memref<16384xi32, #tpu.memory_space<hbm>>, %arg8: memref<16384x128xf32, #tpu.memory_space<hbm>>, %arg9: memref<512xi32, #tpu.memory_space<vmem>>, %arg10: memref<512xi32, #tpu.memory_space<vmem>>, %arg11: memref<512xi32, #tpu.memory_space<vmem>>, %arg12: memref<64x128xf32, #tpu.memory_space<vmem>>, %arg13: memref<64x128xf32, #tpu.memory_space<vmem>>, %arg14: memref<64x128xf32, #tpu.memory_space<vmem>>, %arg15: memref<64x128xf32, #tpu.memory_space<vmem>>, %arg16: memref<64x128xf32, #tpu.memory_space<vmem>>, %arg17: memref<64x128xf32, #tpu.memory_space<vmem>>, %arg18: memref<1000x128xf32, #tpu.memory_space<vmem_shared>>, %arg19: memref<1000x128xf32, #tpu.memory_space<vmem_shared>>, %arg20: memref<1000x128xf32, #tpu.memory_space<vmem_shared>>, %arg21: memref<!tpu.dma_semaphore, #tpu.memory_space<semaphore_mem>>, %arg22: memref<!tpu.dma_semaphore, #tpu.memory_space<semaphore_mem>>, %arg23: memref<!tpu.dma_semaphore, #tpu.memory_space<semaphore_mem>>, %arg24: memref<!tpu.dma_semaphore, #tpu.memory_space<semaphore_mem>>) attributes {dimension_semantics = [#tpu.dimension_semantics<core_parallel>, #tpu.dimension_semantics<subcore_parallel>], iteration_bounds = array<i64: 2, 16>, scalar_prefetch = 0 : i64, scratch_operands = 16 : i64, tpu.core_type = #tpu.core_type<sc_vector_subcore>, window_params = [{transform_indices = #map}, {transform_indices = #map}, {transform_indices = #map}, {transform_indices = #map1}, {transform_indices = #map1}, {transform_indices = #map1}, {transform_indices = #map}]} {
    %mul3A = arith.constant 2 : i32
    %mul3A_0 = arith.muli %arg1, %mul3A : i32
    %add3A = arith.addi %mul3A_0, %arg0 : i32
    %mul3A_1 = arith.constant 512 : i32
    %mul3A_2 = arith.muli %add3A, %mul3A_1 : i32
    %dma_start3A = tpu.memref_slice %arg5[%mul3A_2] : memref<16384xi32, #tpu.memory_space<hbm>> -> memref<512xi32, #tpu.memory_space<hbm>>
    %dma_start3A_3 = tpu.memref_slice %arg5[%mul3A_2] : memref<16384xi32, #tpu.memory_space<hbm>> -> memref<512xi32, #tpu.memory_space<hbm>>
    tpu.enqueue_dma source(%dma_start3A_3 : memref<512xi32, #tpu.memory_space<hbm>>) target(%arg9 : memref<512xi32, #tpu.memory_space<vmem>>) target_semaphore(%arg21 : memref<!tpu.dma_semaphore, #tpu.memory_space<semaphore_mem>>)
    %dma_start3A_4 = tpu.memref_slice %arg6[%mul3A_2] : memref<16384xi32, #tpu.memory_space<hbm>> -> memref<512xi32, #tpu.memory_space<hbm>>
    %dma_start3A_5 = tpu.memref_slice %arg6[%mul3A_2] : memref<16384xi32, #tpu.memory_space<hbm>> -> memref<512xi32, #tpu.memory_space<hbm>>
    tpu.enqueue_dma source(%dma_start3A_5 : memref<512xi32, #tpu.memory_space<hbm>>) target(%arg10 : memref<512xi32, #tpu.memory_space<vmem>>) target_semaphore(%arg21 : memref<!tpu.dma_semaphore, #tpu.memory_space<semaphore_mem>>)
    %dma_start3A_6 = tpu.memref_slice %arg7[%mul3A_2] : memref<16384xi32, #tpu.memory_space<hbm>> -> memref<512xi32, #tpu.memory_space<hbm>>
    %dma_start3A_7 = tpu.memref_slice %arg7[%mul3A_2] : memref<16384xi32, #tpu.memory_space<hbm>> -> memref<512xi32, #tpu.memory_space<hbm>>
    tpu.enqueue_dma source(%dma_start3A_7 : memref<512xi32, #tpu.memory_space<hbm>>) target(%arg11 : memref<512xi32, #tpu.memory_space<vmem>>) target_semaphore(%arg21 : memref<!tpu.dma_semaphore, #tpu.memory_space<semaphore_mem>>)
    %eq3A = arith.constant 0 : i32
    %eq3A_8 = arith.cmpi eq, %arg1, %eq3A : i32
    %convert_element_type3A = arith.extui %eq3A_8 : i1 to i32
    %cond3A = arith.constant 0 : i32
    %cond3A_9 = arith.cmpi ne, %convert_element_type3A, %cond3A : i32
    scf.if %cond3A_9 {
      "tpu.region"() ({
        %run_scoped3A = tpu.sem_alloc : memref<!tpu.dma_semaphore, #tpu.memory_space<semaphore_mem>>
        %dma_start3A_505 = arith.constant 0 : i32
        %dma_start3A_506 = arith.constant 0 : i32
        %dma_start3A_507 = tpu.memref_slice %arg18[%dma_start3A_505, %dma_start3A_506] : memref<1000x128xf32, #tpu.memory_space<vmem_shared>> -> memref<128x128xf32, #tpu.memory_space<vmem_shared>>
        %dma_start3A_508 = arith.constant 0 : i32
        %dma_start3A_509 = arith.constant 0 : i32
        %dma_start3A_510 = tpu.memref_slice %arg2[%dma_start3A_508, %dma_start3A_509] : memref<1000x128xf32, #tpu.memory_space<hbm>> -> memref<128x128xf32, #tpu.memory_space<hbm>>
        tpu.enqueue_dma source(%dma_start3A_510 : memref<128x128xf32, #tpu.memory_space<hbm>>) target(%dma_start3A_507 : memref<128x128xf32, #tpu.memory_space<vmem_shared>>) target_semaphore(%run_scoped3A : memref<!tpu.dma_semaphore, #tpu.memory_space<semaphore_mem>>)
        %dma_wait3A_511 = arith.constant 0 : i32
        %dma_wait3A_512 = arith.constant 0 : i32
        %dma_wait3A_513 = tpu.memref_slice %arg18[%dma_wait3A_511, %dma_wait3A_512] : memref<1000x128xf32, #tpu.memory_space<vmem_shared>> -> memref<128x128xf32, #tpu.memory_space<vmem_shared>>
        %dma_wait3A_514 = arith.constant 0 : i32
        %dma_wait3A_515 = arith.constant 0 : i32
        %dma_wait3A_516 = tpu.memref_slice %arg2[%dma_wait3A_514, %dma_wait3A_515] : memref<1000x128xf32, #tpu.memory_space<hbm>> -> memref<128x128xf32, #tpu.memory_space<hbm>>
        tpu.wait_dma2 semaphore(%run_scoped3A : memref<!tpu.dma_semaphore, #tpu.memory_space<semaphore_mem>>) src(%dma_wait3A_516 : memref<128x128xf32, #tpu.memory_space<hbm>>) dst(%dma_wait3A_513 : memref<128x128xf32, #tpu.memory_space<vmem_shared>>)
        tpu.yield
      }) : () -> ()
    } else {
    }
    %eq3A_10 = arith.constant 1 : i32
    %eq3A_11 = arith.cmpi eq, %arg1, %eq3A_10 : i32
    %convert_element_type3A_12 = arith.extui %eq3A_11 : i1 to i32
    %cond3A_13 = arith.constant 0 : i32
    %cond3A_14 = arith.cmpi ne, %convert_element_type3A_12, %cond3A_13 : i32
    scf.if %cond3A_14 {
      "tpu.region"() ({
        %run_scoped3A = tpu.sem_alloc : memref<!tpu.dma_semaphore, #tpu.memory_space<semaphore_mem>>
        %dma_start3A_505 = arith.constant 128 : i32
        %dma_start3A_506 = arith.constant 0 : i32
        %dma_start3A_507 = tpu.memref_slice %arg18[%dma_start3A_505, %dma_start3A_506] : memref<1000x128xf32, #tpu.memory_space<vmem_shared>> -> memref<128x128xf32, #tpu.memory_space<vmem_shared>>
        %dma_start3A_508 = arith.constant 128 : i32
        %dma_start3A_509 = arith.constant 0 : i32
        %dma_start3A_510 = tpu.memref_slice %arg2[%dma_start3A_508, %dma_start3A_509] : memref<1000x128xf32, #tpu.memory_space<hbm>> -> memref<128x128xf32, #tpu.memory_space<hbm>>
        tpu.enqueue_dma source(%dma_start3A_510 : memref<128x128xf32, #tpu.memory_space<hbm>>) target(%dma_start3A_507 : memref<128x128xf32, #tpu.memory_space<vmem_shared>>) target_semaphore(%run_scoped3A : memref<!tpu.dma_semaphore, #tpu.memory_space<semaphore_mem>>)
        %dma_wait3A_511 = arith.constant 128 : i32
        %dma_wait3A_512 = arith.constant 0 : i32
        %dma_wait3A_513 = tpu.memref_slice %arg18[%dma_wait3A_511, %dma_wait3A_512] : memref<1000x128xf32, #tpu.memory_space<vmem_shared>> -> memref<128x128xf32, #tpu.memory_space<vmem_shared>>
        %dma_wait3A_514 = arith.constant 128 : i32
        %dma_wait3A_515 = arith.constant 0 : i32
        %dma_wait3A_516 = tpu.memref_slice %arg2[%dma_wait3A_514, %dma_wait3A_515] : memref<1000x128xf32, #tpu.memory_space<hbm>> -> memref<128x128xf32, #tpu.memory_space<hbm>>
        tpu.wait_dma2 semaphore(%run_scoped3A : memref<!tpu.dma_semaphore, #tpu.memory_space<semaphore_mem>>) src(%dma_wait3A_516 : memref<128x128xf32, #tpu.memory_space<hbm>>) dst(%dma_wait3A_513 : memref<128x128xf32, #tpu.memory_space<vmem_shared>>)
        tpu.yield
      }) : () -> ()
    } else {
    }
    %eq3A_15 = arith.constant 2 : i32
    %eq3A_16 = arith.cmpi eq, %arg1, %eq3A_15 : i32
    %convert_element_type3A_17 = arith.extui %eq3A_16 : i1 to i32
    %cond3A_18 = arith.constant 0 : i32
    %cond3A_19 = arith.cmpi ne, %convert_element_type3A_17, %cond3A_18 : i32
    scf.if %cond3A_19 {
      "tpu.region"() ({
        %run_scoped3A = tpu.sem_alloc : memref<!tpu.dma_semaphore, #tpu.memory_space<semaphore_mem>>
        %dma_start3A_505 = arith.constant 256 : i32
        %dma_start3A_506 = arith.constant 0 : i32
        %dma_start3A_507 = tpu.memref_slice %arg18[%dma_start3A_505, %dma_start3A_506] : memref<1000x128xf32, #tpu.memory_space<vmem_shared>> -> memref<128x128xf32, #tpu.memory_space<vmem_shared>>
        %dma_start3A_508 = arith.constant 256 : i32
        %dma_start3A_509 = arith.constant 0 : i32
        %dma_start3A_510 = tpu.memref_slice %arg2[%dma_start3A_508, %dma_start3A_509] : memref<1000x128xf32, #tpu.memory_space<hbm>> -> memref<128x128xf32, #tpu.memory_space<hbm>>
        tpu.enqueue_dma source(%dma_start3A_510 : memref<128x128xf32, #tpu.memory_space<hbm>>) target(%dma_start3A_507 : memref<128x128xf32, #tpu.memory_space<vmem_shared>>) target_semaphore(%run_scoped3A : memref<!tpu.dma_semaphore, #tpu.memory_space<semaphore_mem>>)
        %dma_wait3A_511 = arith.constant 256 : i32
        %dma_wait3A_512 = arith.constant 0 : i32
        %dma_wait3A_513 = tpu.memref_slice %arg18[%dma_wait3A_511, %dma_wait3A_512] : memref<1000x128xf32, #tpu.memory_space<vmem_shared>> -> memref<128x128xf32, #tpu.memory_space<vmem_shared>>
        %dma_wait3A_514 = arith.constant 256 : i32
        %dma_wait3A_515 = arith.constant 0 : i32
        %dma_wait3A_516 = tpu.memref_slice %arg2[%dma_wait3A_514, %dma_wait3A_515] : memref<1000x128xf32, #tpu.memory_space<hbm>> -> memref<128x128xf32, #tpu.memory_space<hbm>>
        tpu.wait_dma2 semaphore(%run_scoped3A : memref<!tpu.dma_semaphore, #tpu.memory_space<semaphore_mem>>) src(%dma_wait3A_516 : memref<128x128xf32, #tpu.memory_space<hbm>>) dst(%dma_wait3A_513 : memref<128x128xf32, #tpu.memory_space<vmem_shared>>)
        tpu.yield
      }) : () -> ()
    } else {
    }
    %eq3A_20 = arith.constant 3 : i32
    %eq3A_21 = arith.cmpi eq, %arg1, %eq3A_20 : i32
    %convert_element_type3A_22 = arith.extui %eq3A_21 : i1 to i32
    %cond3A_23 = arith.constant 0 : i32
    %cond3A_24 = arith.cmpi ne, %convert_element_type3A_22, %cond3A_23 : i32
    scf.if %cond3A_24 {
      "tpu.region"() ({
        %run_scoped3A = tpu.sem_alloc : memref<!tpu.dma_semaphore, #tpu.memory_space<semaphore_mem>>
        %dma_start3A_505 = arith.constant 384 : i32
        %dma_start3A_506 = arith.constant 0 : i32
        %dma_start3A_507 = tpu.memref_slice %arg18[%dma_start3A_505, %dma_start3A_506] : memref<1000x128xf32, #tpu.memory_space<vmem_shared>> -> memref<128x128xf32, #tpu.memory_space<vmem_shared>>
        %dma_start3A_508 = arith.constant 384 : i32
        %dma_start3A_509 = arith.constant 0 : i32
        %dma_start3A_510 = tpu.memref_slice %arg2[%dma_start3A_508, %dma_start3A_509] : memref<1000x128xf32, #tpu.memory_space<hbm>> -> memref<128x128xf32, #tpu.memory_space<hbm>>
        tpu.enqueue_dma source(%dma_start3A_510 : memref<128x128xf32, #tpu.memory_space<hbm>>) target(%dma_start3A_507 : memref<128x128xf32, #tpu.memory_space<vmem_shared>>) target_semaphore(%run_scoped3A : memref<!tpu.dma_semaphore, #tpu.memory_space<semaphore_mem>>)
        %dma_wait3A_511 = arith.constant 384 : i32
        %dma_wait3A_512 = arith.constant 0 : i32
        %dma_wait3A_513 = tpu.memref_slice %arg18[%dma_wait3A_511, %dma_wait3A_512] : memref<1000x128xf32, #tpu.memory_space<vmem_shared>> -> memref<128x128xf32, #tpu.memory_space<vmem_shared>>
        %dma_wait3A_514 = arith.constant 384 : i32
        %dma_wait3A_515 = arith.constant 0 : i32
        %dma_wait3A_516 = tpu.memref_slice %arg2[%dma_wait3A_514, %dma_wait3A_515] : memref<1000x128xf32, #tpu.memory_space<hbm>> -> memref<128x128xf32, #tpu.memory_space<hbm>>
        tpu.wait_dma2 semaphore(%run_scoped3A : memref<!tpu.dma_semaphore, #tpu.memory_space<semaphore_mem>>) src(%dma_wait3A_516 : memref<128x128xf32, #tpu.memory_space<hbm>>) dst(%dma_wait3A_513 : memref<128x128xf32, #tpu.memory_space<vmem_shared>>)
        tpu.yield
      }) : () -> ()
    } else {
    }
    %eq3A_25 = arith.constant 4 : i32
    %eq3A_26 = arith.cmpi eq, %arg1, %eq3A_25 : i32
    %convert_element_type3A_27 = arith.extui %eq3A_26 : i1 to i32
    %cond3A_28 = arith.constant 0 : i32
    %cond3A_29 = arith.cmpi ne, %convert_element_type3A_27, %cond3A_28 : i32
    scf.if %cond3A_29 {
      "tpu.region"() ({
        %run_scoped3A = tpu.sem_alloc : memref<!tpu.dma_semaphore, #tpu.memory_space<semaphore_mem>>
        %dma_start3A_505 = arith.constant 512 : i32
        %dma_start3A_506 = arith.constant 0 : i32
        %dma_start3A_507 = tpu.memref_slice %arg18[%dma_start3A_505, %dma_start3A_506] : memref<1000x128xf32, #tpu.memory_space<vmem_shared>> -> memref<128x128xf32, #tpu.memory_space<vmem_shared>>
        %dma_start3A_508 = arith.constant 512 : i32
        %dma_start3A_509 = arith.constant 0 : i32
        %dma_start3A_510 = tpu.memref_slice %arg2[%dma_start3A_508, %dma_start3A_509] : memref<1000x128xf32, #tpu.memory_space<hbm>> -> memref<128x128xf32, #tpu.memory_space<hbm>>
        tpu.enqueue_dma source(%dma_start3A_510 : memref<128x128xf32, #tpu.memory_space<hbm>>) target(%dma_start3A_507 : memref<128x128xf32, #tpu.memory_space<vmem_shared>>) target_semaphore(%run_scoped3A : memref<!tpu.dma_semaphore, #tpu.memory_space<semaphore_mem>>)
        %dma_wait3A_511 = arith.constant 512 : i32
        %dma_wait3A_512 = arith.constant 0 : i32
        %dma_wait3A_513 = tpu.memref_slice %arg18[%dma_wait3A_511, %dma_wait3A_512] : memref<1000x128xf32, #tpu.memory_space<vmem_shared>> -> memref<128x128xf32, #tpu.memory_space<vmem_shared>>
        %dma_wait3A_514 = arith.constant 512 : i32
        %dma_wait3A_515 = arith.constant 0 : i32
        %dma_wait3A_516 = tpu.memref_slice %arg2[%dma_wait3A_514, %dma_wait3A_515] : memref<1000x128xf32, #tpu.memory_space<hbm>> -> memref<128x128xf32, #tpu.memory_space<hbm>>
        tpu.wait_dma2 semaphore(%run_scoped3A : memref<!tpu.dma_semaphore, #tpu.memory_space<semaphore_mem>>) src(%dma_wait3A_516 : memref<128x128xf32, #tpu.memory_space<hbm>>) dst(%dma_wait3A_513 : memref<128x128xf32, #tpu.memory_space<vmem_shared>>)
        tpu.yield
      }) : () -> ()
    } else {
    }
    %eq3A_30 = arith.constant 5 : i32
    %eq3A_31 = arith.cmpi eq, %arg1, %eq3A_30 : i32
    %convert_element_type3A_32 = arith.extui %eq3A_31 : i1 to i32
    %cond3A_33 = arith.constant 0 : i32
    %cond3A_34 = arith.cmpi ne, %convert_element_type3A_32, %cond3A_33 : i32
    scf.if %cond3A_34 {
      "tpu.region"() ({
        %run_scoped3A = tpu.sem_alloc : memref<!tpu.dma_semaphore, #tpu.memory_space<semaphore_mem>>
        %dma_start3A_505 = arith.constant 640 : i32
        %dma_start3A_506 = arith.constant 0 : i32
        %dma_start3A_507 = tpu.memref_slice %arg18[%dma_start3A_505, %dma_start3A_506] : memref<1000x128xf32, #tpu.memory_space<vmem_shared>> -> memref<128x128xf32, #tpu.memory_space<vmem_shared>>
        %dma_start3A_508 = arith.constant 640 : i32
        %dma_start3A_509 = arith.constant 0 : i32
        %dma_start3A_510 = tpu.memref_slice %arg2[%dma_start3A_508, %dma_start3A_509] : memref<1000x128xf32, #tpu.memory_space<hbm>> -> memref<128x128xf32, #tpu.memory_space<hbm>>
        tpu.enqueue_dma source(%dma_start3A_510 : memref<128x128xf32, #tpu.memory_space<hbm>>) target(%dma_start3A_507 : memref<128x128xf32, #tpu.memory_space<vmem_shared>>) target_semaphore(%run_scoped3A : memref<!tpu.dma_semaphore, #tpu.memory_space<semaphore_mem>>)
        %dma_wait3A_511 = arith.constant 640 : i32
        %dma_wait3A_512 = arith.constant 0 : i32
        %dma_wait3A_513 = tpu.memref_slice %arg18[%dma_wait3A_511, %dma_wait3A_512] : memref<1000x128xf32, #tpu.memory_space<vmem_shared>> -> memref<128x128xf32, #tpu.memory_space<vmem_shared>>
        %dma_wait3A_514 = arith.constant 640 : i32
        %dma_wait3A_515 = arith.constant 0 : i32
        %dma_wait3A_516 = tpu.memref_slice %arg2[%dma_wait3A_514, %dma_wait3A_515] : memref<1000x128xf32, #tpu.memory_space<hbm>> -> memref<128x128xf32, #tpu.memory_space<hbm>>
        tpu.wait_dma2 semaphore(%run_scoped3A : memref<!tpu.dma_semaphore, #tpu.memory_space<semaphore_mem>>) src(%dma_wait3A_516 : memref<128x128xf32, #tpu.memory_space<hbm>>) dst(%dma_wait3A_513 : memref<128x128xf32, #tpu.memory_space<vmem_shared>>)
        tpu.yield
      }) : () -> ()
    } else {
    }
    %eq3A_35 = arith.constant 6 : i32
    %eq3A_36 = arith.cmpi eq, %arg1, %eq3A_35 : i32
    %convert_element_type3A_37 = arith.extui %eq3A_36 : i1 to i32
    %cond3A_38 = arith.constant 0 : i32
    %cond3A_39 = arith.cmpi ne, %convert_element_type3A_37, %cond3A_38 : i32
    scf.if %cond3A_39 {
      "tpu.region"() ({
        %run_scoped3A = tpu.sem_alloc : memref<!tpu.dma_semaphore, #tpu.memory_space<semaphore_mem>>
        %dma_start3A_505 = arith.constant 768 : i32
        %dma_start3A_506 = arith.constant 0 : i32
        %dma_start3A_507 = tpu.memref_slice %arg18[%dma_start3A_505, %dma_start3A_506] : memref<1000x128xf32, #tpu.memory_space<vmem_shared>> -> memref<128x128xf32, #tpu.memory_space<vmem_shared>>
        %dma_start3A_508 = arith.constant 768 : i32
        %dma_start3A_509 = arith.constant 0 : i32
        %dma_start3A_510 = tpu.memref_slice %arg2[%dma_start3A_508, %dma_start3A_509] : memref<1000x128xf32, #tpu.memory_space<hbm>> -> memref<128x128xf32, #tpu.memory_space<hbm>>
        tpu.enqueue_dma source(%dma_start3A_510 : memref<128x128xf32, #tpu.memory_space<hbm>>) target(%dma_start3A_507 : memref<128x128xf32, #tpu.memory_space<vmem_shared>>) target_semaphore(%run_scoped3A : memref<!tpu.dma_semaphore, #tpu.memory_space<semaphore_mem>>)
        %dma_wait3A_511 = arith.constant 768 : i32
        %dma_wait3A_512 = arith.constant 0 : i32
        %dma_wait3A_513 = tpu.memref_slice %arg18[%dma_wait3A_511, %dma_wait3A_512] : memref<1000x128xf32, #tpu.memory_space<vmem_shared>> -> memref<128x128xf32, #tpu.memory_space<vmem_shared>>
        %dma_wait3A_514 = arith.constant 768 : i32
        %dma_wait3A_515 = arith.constant 0 : i32
        %dma_wait3A_516 = tpu.memref_slice %arg2[%dma_wait3A_514, %dma_wait3A_515] : memref<1000x128xf32, #tpu.memory_space<hbm>> -> memref<128x128xf32, #tpu.memory_space<hbm>>
        tpu.wait_dma2 semaphore(%run_scoped3A : memref<!tpu.dma_semaphore, #tpu.memory_space<semaphore_mem>>) src(%dma_wait3A_516 : memref<128x128xf32, #tpu.memory_space<hbm>>) dst(%dma_wait3A_513 : memref<128x128xf32, #tpu.memory_space<vmem_shared>>)
        tpu.yield
      }) : () -> ()
    } else {
    }
    %eq3A_40 = arith.constant 7 : i32
    %eq3A_41 = arith.cmpi eq, %arg1, %eq3A_40 : i32
    %convert_element_type3A_42 = arith.extui %eq3A_41 : i1 to i32
    %cond3A_43 = arith.constant 0 : i32
    %cond3A_44 = arith.cmpi ne, %convert_element_type3A_42, %cond3A_43 : i32
    scf.if %cond3A_44 {
      "tpu.region"() ({
        %run_scoped3A = tpu.sem_alloc : memref<!tpu.dma_semaphore, #tpu.memory_space<semaphore_mem>>
        %dma_start3A_505 = arith.constant 896 : i32
        %dma_start3A_506 = arith.constant 0 : i32
        %dma_start3A_507 = tpu.memref_slice %arg18[%dma_start3A_505, %dma_start3A_506] : memref<1000x128xf32, #tpu.memory_space<vmem_shared>> -> memref<104x128xf32, #tpu.memory_space<vmem_shared>>
        %dma_start3A_508 = arith.constant 896 : i32
        %dma_start3A_509 = arith.constant 0 : i32
        %dma_start3A_510 = tpu.memref_slice %arg2[%dma_start3A_508, %dma_start3A_509] : memref<1000x128xf32, #tpu.memory_space<hbm>> -> memref<104x128xf32, #tpu.memory_space<hbm>>
        tpu.enqueue_dma source(%dma_start3A_510 : memref<104x128xf32, #tpu.memory_space<hbm>>) target(%dma_start3A_507 : memref<104x128xf32, #tpu.memory_space<vmem_shared>>) target_semaphore(%run_scoped3A : memref<!tpu.dma_semaphore, #tpu.memory_space<semaphore_mem>>)
        %dma_wait3A_511 = arith.constant 896 : i32
        %dma_wait3A_512 = arith.constant 0 : i32
        %dma_wait3A_513 = tpu.memref_slice %arg18[%dma_wait3A_511, %dma_wait3A_512] : memref<1000x128xf32, #tpu.memory_space<vmem_shared>> -> memref<104x128xf32, #tpu.memory_space<vmem_shared>>
        %dma_wait3A_514 = arith.constant 896 : i32
        %dma_wait3A_515 = arith.constant 0 : i32
        %dma_wait3A_516 = tpu.memref_slice %arg2[%dma_wait3A_514, %dma_wait3A_515] : memref<1000x128xf32, #tpu.memory_space<hbm>> -> memref<104x128xf32, #tpu.memory_space<hbm>>
        tpu.wait_dma2 semaphore(%run_scoped3A : memref<!tpu.dma_semaphore, #tpu.memory_space<semaphore_mem>>) src(%dma_wait3A_516 : memref<104x128xf32, #tpu.memory_space<hbm>>) dst(%dma_wait3A_513 : memref<104x128xf32, #tpu.memory_space<vmem_shared>>)
        tpu.yield
      }) : () -> ()
    } else {
    }
    %eq3A_45 = arith.constant 8 : i32
    %eq3A_46 = arith.cmpi eq, %arg1, %eq3A_45 : i32
    %convert_element_type3A_47 = arith.extui %eq3A_46 : i1 to i32
    %cond3A_48 = arith.constant 0 : i32
    %cond3A_49 = arith.cmpi ne, %convert_element_type3A_47, %cond3A_48 : i32
    scf.if %cond3A_49 {
      "tpu.region"() ({
        %run_scoped3A = tpu.sem_alloc : memref<!tpu.dma_semaphore, #tpu.memory_space<semaphore_mem>>
        %dma_start3A_505 = arith.constant 0 : i32
        %dma_start3A_506 = arith.constant 0 : i32
        %dma_start3A_507 = tpu.memref_slice %arg19[%dma_start3A_505, %dma_start3A_506] : memref<1000x128xf32, #tpu.memory_space<vmem_shared>> -> memref<128x128xf32, #tpu.memory_space<vmem_shared>>
        %dma_start3A_508 = arith.constant 0 : i32
        %dma_start3A_509 = arith.constant 0 : i32
        %dma_start3A_510 = tpu.memref_slice %arg3[%dma_start3A_508, %dma_start3A_509] : memref<1000x128xf32, #tpu.memory_space<hbm>> -> memref<128x128xf32, #tpu.memory_space<hbm>>
        tpu.enqueue_dma source(%dma_start3A_510 : memref<128x128xf32, #tpu.memory_space<hbm>>) target(%dma_start3A_507 : memref<128x128xf32, #tpu.memory_space<vmem_shared>>) target_semaphore(%run_scoped3A : memref<!tpu.dma_semaphore, #tpu.memory_space<semaphore_mem>>)
        %dma_wait3A_511 = arith.constant 0 : i32
        %dma_wait3A_512 = arith.constant 0 : i32
        %dma_wait3A_513 = tpu.memref_slice %arg19[%dma_wait3A_511, %dma_wait3A_512] : memref<1000x128xf32, #tpu.memory_space<vmem_shared>> -> memref<128x128xf32, #tpu.memory_space<vmem_shared>>
        %dma_wait3A_514 = arith.constant 0 : i32
        %dma_wait3A_515 = arith.constant 0 : i32
        %dma_wait3A_516 = tpu.memref_slice %arg3[%dma_wait3A_514, %dma_wait3A_515] : memref<1000x128xf32, #tpu.memory_space<hbm>> -> memref<128x128xf32, #tpu.memory_space<hbm>>
        tpu.wait_dma2 semaphore(%run_scoped3A : memref<!tpu.dma_semaphore, #tpu.memory_space<semaphore_mem>>) src(%dma_wait3A_516 : memref<128x128xf32, #tpu.memory_space<hbm>>) dst(%dma_wait3A_513 : memref<128x128xf32, #tpu.memory_space<vmem_shared>>)
        tpu.yield
      }) : () -> ()
    } else {
    }
    %eq3A_50 = arith.constant 9 : i32
    %eq3A_51 = arith.cmpi eq, %arg1, %eq3A_50 : i32
    %convert_element_type3A_52 = arith.extui %eq3A_51 : i1 to i32
    %cond3A_53 = arith.constant 0 : i32
    %cond3A_54 = arith.cmpi ne, %convert_element_type3A_52, %cond3A_53 : i32
    scf.if %cond3A_54 {
      "tpu.region"() ({
        %run_scoped3A = tpu.sem_alloc : memref<!tpu.dma_semaphore, #tpu.memory_space<semaphore_mem>>
        %dma_start3A_505 = arith.constant 128 : i32
        %dma_start3A_506 = arith.constant 0 : i32
        %dma_start3A_507 = tpu.memref_slice %arg19[%dma_start3A_505, %dma_start3A_506] : memref<1000x128xf32, #tpu.memory_space<vmem_shared>> -> memref<128x128xf32, #tpu.memory_space<vmem_shared>>
        %dma_start3A_508 = arith.constant 128 : i32
        %dma_start3A_509 = arith.constant 0 : i32
        %dma_start3A_510 = tpu.memref_slice %arg3[%dma_start3A_508, %dma_start3A_509] : memref<1000x128xf32, #tpu.memory_space<hbm>> -> memref<128x128xf32, #tpu.memory_space<hbm>>
        tpu.enqueue_dma source(%dma_start3A_510 : memref<128x128xf32, #tpu.memory_space<hbm>>) target(%dma_start3A_507 : memref<128x128xf32, #tpu.memory_space<vmem_shared>>) target_semaphore(%run_scoped3A : memref<!tpu.dma_semaphore, #tpu.memory_space<semaphore_mem>>)
        %dma_wait3A_511 = arith.constant 128 : i32
        %dma_wait3A_512 = arith.constant 0 : i32
        %dma_wait3A_513 = tpu.memref_slice %arg19[%dma_wait3A_511, %dma_wait3A_512] : memref<1000x128xf32, #tpu.memory_space<vmem_shared>> -> memref<128x128xf32, #tpu.memory_space<vmem_shared>>
        %dma_wait3A_514 = arith.constant 128 : i32
        %dma_wait3A_515 = arith.constant 0 : i32
        %dma_wait3A_516 = tpu.memref_slice %arg3[%dma_wait3A_514, %dma_wait3A_515] : memref<1000x128xf32, #tpu.memory_space<hbm>> -> memref<128x128xf32, #tpu.memory_space<hbm>>
        tpu.wait_dma2 semaphore(%run_scoped3A : memref<!tpu.dma_semaphore, #tpu.memory_space<semaphore_mem>>) src(%dma_wait3A_516 : memref<128x128xf32, #tpu.memory_space<hbm>>) dst(%dma_wait3A_513 : memref<128x128xf32, #tpu.memory_space<vmem_shared>>)
        tpu.yield
      }) : () -> ()
    } else {
    }
    %eq3A_55 = arith.constant 10 : i32
    %eq3A_56 = arith.cmpi eq, %arg1, %eq3A_55 : i32
    %convert_element_type3A_57 = arith.extui %eq3A_56 : i1 to i32
    %cond3A_58 = arith.constant 0 : i32
    %cond3A_59 = arith.cmpi ne, %convert_element_type3A_57, %cond3A_58 : i32
    scf.if %cond3A_59 {
      "tpu.region"() ({
        %run_scoped3A = tpu.sem_alloc : memref<!tpu.dma_semaphore, #tpu.memory_space<semaphore_mem>>
        %dma_start3A_505 = arith.constant 256 : i32
        %dma_start3A_506 = arith.constant 0 : i32
        %dma_start3A_507 = tpu.memref_slice %arg19[%dma_start3A_505, %dma_start3A_506] : memref<1000x128xf32, #tpu.memory_space<vmem_shared>> -> memref<128x128xf32, #tpu.memory_space<vmem_shared>>
        %dma_start3A_508 = arith.constant 256 : i32
        %dma_start3A_509 = arith.constant 0 : i32
        %dma_start3A_510 = tpu.memref_slice %arg3[%dma_start3A_508, %dma_start3A_509] : memref<1000x128xf32, #tpu.memory_space<hbm>> -> memref<128x128xf32, #tpu.memory_space<hbm>>
        tpu.enqueue_dma source(%dma_start3A_510 : memref<128x128xf32, #tpu.memory_space<hbm>>) target(%dma_start3A_507 : memref<128x128xf32, #tpu.memory_space<vmem_shared>>) target_semaphore(%run_scoped3A : memref<!tpu.dma_semaphore, #tpu.memory_space<semaphore_mem>>)
        %dma_wait3A_511 = arith.constant 256 : i32
        %dma_wait3A_512 = arith.constant 0 : i32
        %dma_wait3A_513 = tpu.memref_slice %arg19[%dma_wait3A_511, %dma_wait3A_512] : memref<1000x128xf32, #tpu.memory_space<vmem_shared>> -> memref<128x128xf32, #tpu.memory_space<vmem_shared>>
        %dma_wait3A_514 = arith.constant 256 : i32
        %dma_wait3A_515 = arith.constant 0 : i32
        %dma_wait3A_516 = tpu.memref_slice %arg3[%dma_wait3A_514, %dma_wait3A_515] : memref<1000x128xf32, #tpu.memory_space<hbm>> -> memref<128x128xf32, #tpu.memory_space<hbm>>
        tpu.wait_dma2 semaphore(%run_scoped3A : memref<!tpu.dma_semaphore, #tpu.memory_space<semaphore_mem>>) src(%dma_wait3A_516 : memref<128x128xf32, #tpu.memory_space<hbm>>) dst(%dma_wait3A_513 : memref<128x128xf32, #tpu.memory_space<vmem_shared>>)
        tpu.yield
      }) : () -> ()
    } else {
    }
    %eq3A_60 = arith.constant 11 : i32
    %eq3A_61 = arith.cmpi eq, %arg1, %eq3A_60 : i32
    %convert_element_type3A_62 = arith.extui %eq3A_61 : i1 to i32
    %cond3A_63 = arith.constant 0 : i32
    %cond3A_64 = arith.cmpi ne, %convert_element_type3A_62, %cond3A_63 : i32
    scf.if %cond3A_64 {
      "tpu.region"() ({
        %run_scoped3A = tpu.sem_alloc : memref<!tpu.dma_semaphore, #tpu.memory_space<semaphore_mem>>
        %dma_start3A_505 = arith.constant 384 : i32
        %dma_start3A_506 = arith.constant 0 : i32
        %dma_start3A_507 = tpu.memref_slice %arg19[%dma_start3A_505, %dma_start3A_506] : memref<1000x128xf32, #tpu.memory_space<vmem_shared>> -> memref<128x128xf32, #tpu.memory_space<vmem_shared>>
        %dma_start3A_508 = arith.constant 384 : i32
        %dma_start3A_509 = arith.constant 0 : i32
        %dma_start3A_510 = tpu.memref_slice %arg3[%dma_start3A_508, %dma_start3A_509] : memref<1000x128xf32, #tpu.memory_space<hbm>> -> memref<128x128xf32, #tpu.memory_space<hbm>>
        tpu.enqueue_dma source(%dma_start3A_510 : memref<128x128xf32, #tpu.memory_space<hbm>>) target(%dma_start3A_507 : memref<128x128xf32, #tpu.memory_space<vmem_shared>>) target_semaphore(%run_scoped3A : memref<!tpu.dma_semaphore, #tpu.memory_space<semaphore_mem>>)
        %dma_wait3A_511 = arith.constant 384 : i32
        %dma_wait3A_512 = arith.constant 0 : i32
        %dma_wait3A_513 = tpu.memref_slice %arg19[%dma_wait3A_511, %dma_wait3A_512] : memref<1000x128xf32, #tpu.memory_space<vmem_shared>> -> memref<128x128xf32, #tpu.memory_space<vmem_shared>>
        %dma_wait3A_514 = arith.constant 384 : i32
        %dma_wait3A_515 = arith.constant 0 : i32
        %dma_wait3A_516 = tpu.memref_slice %arg3[%dma_wait3A_514, %dma_wait3A_515] : memref<1000x128xf32, #tpu.memory_space<hbm>> -> memref<128x128xf32, #tpu.memory_space<hbm>>
        tpu.wait_dma2 semaphore(%run_scoped3A : memref<!tpu.dma_semaphore, #tpu.memory_space<semaphore_mem>>) src(%dma_wait3A_516 : memref<128x128xf32, #tpu.memory_space<hbm>>) dst(%dma_wait3A_513 : memref<128x128xf32, #tpu.memory_space<vmem_shared>>)
        tpu.yield
      }) : () -> ()
    } else {
    }
    %eq3A_65 = arith.constant 12 : i32
    %eq3A_66 = arith.cmpi eq, %arg1, %eq3A_65 : i32
    %convert_element_type3A_67 = arith.extui %eq3A_66 : i1 to i32
    %cond3A_68 = arith.constant 0 : i32
    %cond3A_69 = arith.cmpi ne, %convert_element_type3A_67, %cond3A_68 : i32
    scf.if %cond3A_69 {
      "tpu.region"() ({
        %run_scoped3A = tpu.sem_alloc : memref<!tpu.dma_semaphore, #tpu.memory_space<semaphore_mem>>
        %dma_start3A_505 = arith.constant 512 : i32
        %dma_start3A_506 = arith.constant 0 : i32
        %dma_start3A_507 = tpu.memref_slice %arg19[%dma_start3A_505, %dma_start3A_506] : memref<1000x128xf32, #tpu.memory_space<vmem_shared>> -> memref<128x128xf32, #tpu.memory_space<vmem_shared>>
        %dma_start3A_508 = arith.constant 512 : i32
        %dma_start3A_509 = arith.constant 0 : i32
        %dma_start3A_510 = tpu.memref_slice %arg3[%dma_start3A_508, %dma_start3A_509] : memref<1000x128xf32, #tpu.memory_space<hbm>> -> memref<128x128xf32, #tpu.memory_space<hbm>>
        tpu.enqueue_dma source(%dma_start3A_510 : memref<128x128xf32, #tpu.memory_space<hbm>>) target(%dma_start3A_507 : memref<128x128xf32, #tpu.memory_space<vmem_shared>>) target_semaphore(%run_scoped3A : memref<!tpu.dma_semaphore, #tpu.memory_space<semaphore_mem>>)
        %dma_wait3A_511 = arith.constant 512 : i32
        %dma_wait3A_512 = arith.constant 0 : i32
        %dma_wait3A_513 = tpu.memref_slice %arg19[%dma_wait3A_511, %dma_wait3A_512] : memref<1000x128xf32, #tpu.memory_space<vmem_shared>> -> memref<128x128xf32, #tpu.memory_space<vmem_shared>>
        %dma_wait3A_514 = arith.constant 512 : i32
        %dma_wait3A_515 = arith.constant 0 : i32
        %dma_wait3A_516 = tpu.memref_slice %arg3[%dma_wait3A_514, %dma_wait3A_515] : memref<1000x128xf32, #tpu.memory_space<hbm>> -> memref<128x128xf32, #tpu.memory_space<hbm>>
        tpu.wait_dma2 semaphore(%run_scoped3A : memref<!tpu.dma_semaphore, #tpu.memory_space<semaphore_mem>>) src(%dma_wait3A_516 : memref<128x128xf32, #tpu.memory_space<hbm>>) dst(%dma_wait3A_513 : memref<128x128xf32, #tpu.memory_space<vmem_shared>>)
        tpu.yield
      }) : () -> ()
    } else {
    }
    %eq3A_70 = arith.constant 13 : i32
    %eq3A_71 = arith.cmpi eq, %arg1, %eq3A_70 : i32
    %convert_element_type3A_72 = arith.extui %eq3A_71 : i1 to i32
    %cond3A_73 = arith.constant 0 : i32
    %cond3A_74 = arith.cmpi ne, %convert_element_type3A_72, %cond3A_73 : i32
    scf.if %cond3A_74 {
      "tpu.region"() ({
        %run_scoped3A = tpu.sem_alloc : memref<!tpu.dma_semaphore, #tpu.memory_space<semaphore_mem>>
        %dma_start3A_505 = arith.constant 640 : i32
        %dma_start3A_506 = arith.constant 0 : i32
        %dma_start3A_507 = tpu.memref_slice %arg19[%dma_start3A_505, %dma_start3A_506] : memref<1000x128xf32, #tpu.memory_space<vmem_shared>> -> memref<128x128xf32, #tpu.memory_space<vmem_shared>>
        %dma_start3A_508 = arith.constant 640 : i32
        %dma_start3A_509 = arith.constant 0 : i32
        %dma_start3A_510 = tpu.memref_slice %arg3[%dma_start3A_508, %dma_start3A_509] : memref<1000x128xf32, #tpu.memory_space<hbm>> -> memref<128x128xf32, #tpu.memory_space<hbm>>
        tpu.enqueue_dma source(%dma_start3A_510 : memref<128x128xf32, #tpu.memory_space<hbm>>) target(%dma_start3A_507 : memref<128x128xf32, #tpu.memory_space<vmem_shared>>) target_semaphore(%run_scoped3A : memref<!tpu.dma_semaphore, #tpu.memory_space<semaphore_mem>>)
        %dma_wait3A_511 = arith.constant 640 : i32
        %dma_wait3A_512 = arith.constant 0 : i32
        %dma_wait3A_513 = tpu.memref_slice %arg19[%dma_wait3A_511, %dma_wait3A_512] : memref<1000x128xf32, #tpu.memory_space<vmem_shared>> -> memref<128x128xf32, #tpu.memory_space<vmem_shared>>
        %dma_wait3A_514 = arith.constant 640 : i32
        %dma_wait3A_515 = arith.constant 0 : i32
        %dma_wait3A_516 = tpu.memref_slice %arg3[%dma_wait3A_514, %dma_wait3A_515] : memref<1000x128xf32, #tpu.memory_space<hbm>> -> memref<128x128xf32, #tpu.memory_space<hbm>>
        tpu.wait_dma2 semaphore(%run_scoped3A : memref<!tpu.dma_semaphore, #tpu.memory_space<semaphore_mem>>) src(%dma_wait3A_516 : memref<128x128xf32, #tpu.memory_space<hbm>>) dst(%dma_wait3A_513 : memref<128x128xf32, #tpu.memory_space<vmem_shared>>)
        tpu.yield
      }) : () -> ()
    } else {
    }
    %eq3A_75 = arith.constant 14 : i32
    %eq3A_76 = arith.cmpi eq, %arg1, %eq3A_75 : i32
    %convert_element_type3A_77 = arith.extui %eq3A_76 : i1 to i32
    %cond3A_78 = arith.constant 0 : i32
    %cond3A_79 = arith.cmpi ne, %convert_element_type3A_77, %cond3A_78 : i32
    scf.if %cond3A_79 {
      "tpu.region"() ({
        %run_scoped3A = tpu.sem_alloc : memref<!tpu.dma_semaphore, #tpu.memory_space<semaphore_mem>>
        %dma_start3A_505 = arith.constant 768 : i32
        %dma_start3A_506 = arith.constant 0 : i32
        %dma_start3A_507 = tpu.memref_slice %arg19[%dma_start3A_505, %dma_start3A_506] : memref<1000x128xf32, #tpu.memory_space<vmem_shared>> -> memref<128x128xf32, #tpu.memory_space<vmem_shared>>
        %dma_start3A_508 = arith.constant 768 : i32
        %dma_start3A_509 = arith.constant 0 : i32
        %dma_start3A_510 = tpu.memref_slice %arg3[%dma_start3A_508, %dma_start3A_509] : memref<1000x128xf32, #tpu.memory_space<hbm>> -> memref<128x128xf32, #tpu.memory_space<hbm>>
        tpu.enqueue_dma source(%dma_start3A_510 : memref<128x128xf32, #tpu.memory_space<hbm>>) target(%dma_start3A_507 : memref<128x128xf32, #tpu.memory_space<vmem_shared>>) target_semaphore(%run_scoped3A : memref<!tpu.dma_semaphore, #tpu.memory_space<semaphore_mem>>)
        %dma_wait3A_511 = arith.constant 768 : i32
        %dma_wait3A_512 = arith.constant 0 : i32
        %dma_wait3A_513 = tpu.memref_slice %arg19[%dma_wait3A_511, %dma_wait3A_512] : memref<1000x128xf32, #tpu.memory_space<vmem_shared>> -> memref<128x128xf32, #tpu.memory_space<vmem_shared>>
        %dma_wait3A_514 = arith.constant 768 : i32
        %dma_wait3A_515 = arith.constant 0 : i32
        %dma_wait3A_516 = tpu.memref_slice %arg3[%dma_wait3A_514, %dma_wait3A_515] : memref<1000x128xf32, #tpu.memory_space<hbm>> -> memref<128x128xf32, #tpu.memory_space<hbm>>
        tpu.wait_dma2 semaphore(%run_scoped3A : memref<!tpu.dma_semaphore, #tpu.memory_space<semaphore_mem>>) src(%dma_wait3A_516 : memref<128x128xf32, #tpu.memory_space<hbm>>) dst(%dma_wait3A_513 : memref<128x128xf32, #tpu.memory_space<vmem_shared>>)
        tpu.yield
      }) : () -> ()
    } else {
    }
    %eq3A_80 = arith.constant 15 : i32
    %eq3A_81 = arith.cmpi eq, %arg1, %eq3A_80 : i32
    %convert_element_type3A_82 = arith.extui %eq3A_81 : i1 to i32
    %cond3A_83 = arith.constant 0 : i32
    %cond3A_84 = arith.cmpi ne, %convert_element_type3A_82, %cond3A_83 : i32
    scf.if %cond3A_84 {
      "tpu.region"() ({
        %run_scoped3A = tpu.sem_alloc : memref<!tpu.dma_semaphore, #tpu.memory_space<semaphore_mem>>
        %dma_start3A_505 = arith.constant 896 : i32
        %dma_start3A_506 = arith.constant 0 : i32
        %dma_start3A_507 = tpu.memref_slice %arg19[%dma_start3A_505, %dma_start3A_506] : memref<1000x128xf32, #tpu.memory_space<vmem_shared>> -> memref<104x128xf32, #tpu.memory_space<vmem_shared>>
        %dma_start3A_508 = arith.constant 896 : i32
        %dma_start3A_509 = arith.constant 0 : i32
        %dma_start3A_510 = tpu.memref_slice %arg3[%dma_start3A_508, %dma_start3A_509] : memref<1000x128xf32, #tpu.memory_space<hbm>> -> memref<104x128xf32, #tpu.memory_space<hbm>>
        tpu.enqueue_dma source(%dma_start3A_510 : memref<104x128xf32, #tpu.memory_space<hbm>>) target(%dma_start3A_507 : memref<104x128xf32, #tpu.memory_space<vmem_shared>>) target_semaphore(%run_scoped3A : memref<!tpu.dma_semaphore, #tpu.memory_space<semaphore_mem>>)
        %dma_wait3A_511 = arith.constant 896 : i32
        %dma_wait3A_512 = arith.constant 0 : i32
        %dma_wait3A_513 = tpu.memref_slice %arg19[%dma_wait3A_511, %dma_wait3A_512] : memref<1000x128xf32, #tpu.memory_space<vmem_shared>> -> memref<104x128xf32, #tpu.memory_space<vmem_shared>>
        %dma_wait3A_514 = arith.constant 896 : i32
        %dma_wait3A_515 = arith.constant 0 : i32
        %dma_wait3A_516 = tpu.memref_slice %arg3[%dma_wait3A_514, %dma_wait3A_515] : memref<1000x128xf32, #tpu.memory_space<hbm>> -> memref<104x128xf32, #tpu.memory_space<hbm>>
        tpu.wait_dma2 semaphore(%run_scoped3A : memref<!tpu.dma_semaphore, #tpu.memory_space<semaphore_mem>>) src(%dma_wait3A_516 : memref<104x128xf32, #tpu.memory_space<hbm>>) dst(%dma_wait3A_513 : memref<104x128xf32, #tpu.memory_space<vmem_shared>>)
        tpu.yield
      }) : () -> ()
    } else {
    }
    %eq3A_85 = arith.constant 0 : i32
    %eq3A_86 = arith.cmpi eq, %arg1, %eq3A_85 : i32
    %convert_element_type3A_87 = arith.extui %eq3A_86 : i1 to i32
    %cond3A_88 = arith.constant 0 : i32
    %cond3A_89 = arith.cmpi ne, %convert_element_type3A_87, %cond3A_88 : i32
    scf.if %cond3A_89 {
      "tpu.region"() ({
        %run_scoped3A = tpu.sem_alloc : memref<!tpu.dma_semaphore, #tpu.memory_space<semaphore_mem>>
        %dma_start3A_505 = arith.constant 0 : i32
        %dma_start3A_506 = arith.constant 0 : i32
        %dma_start3A_507 = tpu.memref_slice %arg20[%dma_start3A_505, %dma_start3A_506] : memref<1000x128xf32, #tpu.memory_space<vmem_shared>> -> memref<128x128xf32, #tpu.memory_space<vmem_shared>>
        %dma_start3A_508 = arith.constant 0 : i32
        %dma_start3A_509 = arith.constant 0 : i32
        %dma_start3A_510 = tpu.memref_slice %arg4[%dma_start3A_508, %dma_start3A_509] : memref<1000x128xf32, #tpu.memory_space<hbm>> -> memref<128x128xf32, #tpu.memory_space<hbm>>
        tpu.enqueue_dma source(%dma_start3A_510 : memref<128x128xf32, #tpu.memory_space<hbm>>) target(%dma_start3A_507 : memref<128x128xf32, #tpu.memory_space<vmem_shared>>) target_semaphore(%run_scoped3A : memref<!tpu.dma_semaphore, #tpu.memory_space<semaphore_mem>>)
        %dma_wait3A_511 = arith.constant 0 : i32
        %dma_wait3A_512 = arith.constant 0 : i32
        %dma_wait3A_513 = tpu.memref_slice %arg20[%dma_wait3A_511, %dma_wait3A_512] : memref<1000x128xf32, #tpu.memory_space<vmem_shared>> -> memref<128x128xf32, #tpu.memory_space<vmem_shared>>
        %dma_wait3A_514 = arith.constant 0 : i32
        %dma_wait3A_515 = arith.constant 0 : i32
        %dma_wait3A_516 = tpu.memref_slice %arg4[%dma_wait3A_514, %dma_wait3A_515] : memref<1000x128xf32, #tpu.memory_space<hbm>> -> memref<128x128xf32, #tpu.memory_space<hbm>>
        tpu.wait_dma2 semaphore(%run_scoped3A : memref<!tpu.dma_semaphore, #tpu.memory_space<semaphore_mem>>) src(%dma_wait3A_516 : memref<128x128xf32, #tpu.memory_space<hbm>>) dst(%dma_wait3A_513 : memref<128x128xf32, #tpu.memory_space<vmem_shared>>)
        tpu.yield
      }) : () -> ()
    } else {
    }
    %eq3A_90 = arith.constant 1 : i32
    %eq3A_91 = arith.cmpi eq, %arg1, %eq3A_90 : i32
    %convert_element_type3A_92 = arith.extui %eq3A_91 : i1 to i32
    %cond3A_93 = arith.constant 0 : i32
    %cond3A_94 = arith.cmpi ne, %convert_element_type3A_92, %cond3A_93 : i32
    scf.if %cond3A_94 {
      "tpu.region"() ({
        %run_scoped3A = tpu.sem_alloc : memref<!tpu.dma_semaphore, #tpu.memory_space<semaphore_mem>>
        %dma_start3A_505 = arith.constant 128 : i32
        %dma_start3A_506 = arith.constant 0 : i32
        %dma_start3A_507 = tpu.memref_slice %arg20[%dma_start3A_505, %dma_start3A_506] : memref<1000x128xf32, #tpu.memory_space<vmem_shared>> -> memref<128x128xf32, #tpu.memory_space<vmem_shared>>
        %dma_start3A_508 = arith.constant 128 : i32
        %dma_start3A_509 = arith.constant 0 : i32
        %dma_start3A_510 = tpu.memref_slice %arg4[%dma_start3A_508, %dma_start3A_509] : memref<1000x128xf32, #tpu.memory_space<hbm>> -> memref<128x128xf32, #tpu.memory_space<hbm>>
        tpu.enqueue_dma source(%dma_start3A_510 : memref<128x128xf32, #tpu.memory_space<hbm>>) target(%dma_start3A_507 : memref<128x128xf32, #tpu.memory_space<vmem_shared>>) target_semaphore(%run_scoped3A : memref<!tpu.dma_semaphore, #tpu.memory_space<semaphore_mem>>)
        %dma_wait3A_511 = arith.constant 128 : i32
        %dma_wait3A_512 = arith.constant 0 : i32
        %dma_wait3A_513 = tpu.memref_slice %arg20[%dma_wait3A_511, %dma_wait3A_512] : memref<1000x128xf32, #tpu.memory_space<vmem_shared>> -> memref<128x128xf32, #tpu.memory_space<vmem_shared>>
        %dma_wait3A_514 = arith.constant 128 : i32
        %dma_wait3A_515 = arith.constant 0 : i32
        %dma_wait3A_516 = tpu.memref_slice %arg4[%dma_wait3A_514, %dma_wait3A_515] : memref<1000x128xf32, #tpu.memory_space<hbm>> -> memref<128x128xf32, #tpu.memory_space<hbm>>
        tpu.wait_dma2 semaphore(%run_scoped3A : memref<!tpu.dma_semaphore, #tpu.memory_space<semaphore_mem>>) src(%dma_wait3A_516 : memref<128x128xf32, #tpu.memory_space<hbm>>) dst(%dma_wait3A_513 : memref<128x128xf32, #tpu.memory_space<vmem_shared>>)
        tpu.yield
      }) : () -> ()
    } else {
    }
    %eq3A_95 = arith.constant 2 : i32
    %eq3A_96 = arith.cmpi eq, %arg1, %eq3A_95 : i32
    %convert_element_type3A_97 = arith.extui %eq3A_96 : i1 to i32
    %cond3A_98 = arith.constant 0 : i32
    %cond3A_99 = arith.cmpi ne, %convert_element_type3A_97, %cond3A_98 : i32
    scf.if %cond3A_99 {
      "tpu.region"() ({
        %run_scoped3A = tpu.sem_alloc : memref<!tpu.dma_semaphore, #tpu.memory_space<semaphore_mem>>
        %dma_start3A_505 = arith.constant 256 : i32
        %dma_start3A_506 = arith.constant 0 : i32
        %dma_start3A_507 = tpu.memref_slice %arg20[%dma_start3A_505, %dma_start3A_506] : memref<1000x128xf32, #tpu.memory_space<vmem_shared>> -> memref<128x128xf32, #tpu.memory_space<vmem_shared>>
        %dma_start3A_508 = arith.constant 256 : i32
        %dma_start3A_509 = arith.constant 0 : i32
        %dma_start3A_510 = tpu.memref_slice %arg4[%dma_start3A_508, %dma_start3A_509] : memref<1000x128xf32, #tpu.memory_space<hbm>> -> memref<128x128xf32, #tpu.memory_space<hbm>>
        tpu.enqueue_dma source(%dma_start3A_510 : memref<128x128xf32, #tpu.memory_space<hbm>>) target(%dma_start3A_507 : memref<128x128xf32, #tpu.memory_space<vmem_shared>>) target_semaphore(%run_scoped3A : memref<!tpu.dma_semaphore, #tpu.memory_space<semaphore_mem>>)
        %dma_wait3A_511 = arith.constant 256 : i32
        %dma_wait3A_512 = arith.constant 0 : i32
        %dma_wait3A_513 = tpu.memref_slice %arg20[%dma_wait3A_511, %dma_wait3A_512] : memref<1000x128xf32, #tpu.memory_space<vmem_shared>> -> memref<128x128xf32, #tpu.memory_space<vmem_shared>>
        %dma_wait3A_514 = arith.constant 256 : i32
        %dma_wait3A_515 = arith.constant 0 : i32
        %dma_wait3A_516 = tpu.memref_slice %arg4[%dma_wait3A_514, %dma_wait3A_515] : memref<1000x128xf32, #tpu.memory_space<hbm>> -> memref<128x128xf32, #tpu.memory_space<hbm>>
        tpu.wait_dma2 semaphore(%run_scoped3A : memref<!tpu.dma_semaphore, #tpu.memory_space<semaphore_mem>>) src(%dma_wait3A_516 : memref<128x128xf32, #tpu.memory_space<hbm>>) dst(%dma_wait3A_513 : memref<128x128xf32, #tpu.memory_space<vmem_shared>>)
        tpu.yield
      }) : () -> ()
    } else {
    }
    %eq3A_100 = arith.constant 3 : i32
    %eq3A_101 = arith.cmpi eq, %arg1, %eq3A_100 : i32
    %convert_element_type3A_102 = arith.extui %eq3A_101 : i1 to i32
    %cond3A_103 = arith.constant 0 : i32
    %cond3A_104 = arith.cmpi ne, %convert_element_type3A_102, %cond3A_103 : i32
    scf.if %cond3A_104 {
      "tpu.region"() ({
        %run_scoped3A = tpu.sem_alloc : memref<!tpu.dma_semaphore, #tpu.memory_space<semaphore_mem>>
        %dma_start3A_505 = arith.constant 384 : i32
        %dma_start3A_506 = arith.constant 0 : i32
        %dma_start3A_507 = tpu.memref_slice %arg20[%dma_start3A_505, %dma_start3A_506] : memref<1000x128xf32, #tpu.memory_space<vmem_shared>> -> memref<128x128xf32, #tpu.memory_space<vmem_shared>>
        %dma_start3A_508 = arith.constant 384 : i32
        %dma_start3A_509 = arith.constant 0 : i32
        %dma_start3A_510 = tpu.memref_slice %arg4[%dma_start3A_508, %dma_start3A_509] : memref<1000x128xf32, #tpu.memory_space<hbm>> -> memref<128x128xf32, #tpu.memory_space<hbm>>
        tpu.enqueue_dma source(%dma_start3A_510 : memref<128x128xf32, #tpu.memory_space<hbm>>) target(%dma_start3A_507 : memref<128x128xf32, #tpu.memory_space<vmem_shared>>) target_semaphore(%run_scoped3A : memref<!tpu.dma_semaphore, #tpu.memory_space<semaphore_mem>>)
        %dma_wait3A_511 = arith.constant 384 : i32
        %dma_wait3A_512 = arith.constant 0 : i32
        %dma_wait3A_513 = tpu.memref_slice %arg20[%dma_wait3A_511, %dma_wait3A_512] : memref<1000x128xf32, #tpu.memory_space<vmem_shared>> -> memref<128x128xf32, #tpu.memory_space<vmem_shared>>
        %dma_wait3A_514 = arith.constant 384 : i32
        %dma_wait3A_515 = arith.constant 0 : i32
        %dma_wait3A_516 = tpu.memref_slice %arg4[%dma_wait3A_514, %dma_wait3A_515] : memref<1000x128xf32, #tpu.memory_space<hbm>> -> memref<128x128xf32, #tpu.memory_space<hbm>>
        tpu.wait_dma2 semaphore(%run_scoped3A : memref<!tpu.dma_semaphore, #tpu.memory_space<semaphore_mem>>) src(%dma_wait3A_516 : memref<128x128xf32, #tpu.memory_space<hbm>>) dst(%dma_wait3A_513 : memref<128x128xf32, #tpu.memory_space<vmem_shared>>)
        tpu.yield
      }) : () -> ()
    } else {
    }
    %eq3A_105 = arith.constant 4 : i32
    %eq3A_106 = arith.cmpi eq, %arg1, %eq3A_105 : i32
    %convert_element_type3A_107 = arith.extui %eq3A_106 : i1 to i32
    %cond3A_108 = arith.constant 0 : i32
    %cond3A_109 = arith.cmpi ne, %convert_element_type3A_107, %cond3A_108 : i32
    scf.if %cond3A_109 {
      "tpu.region"() ({
        %run_scoped3A = tpu.sem_alloc : memref<!tpu.dma_semaphore, #tpu.memory_space<semaphore_mem>>
        %dma_start3A_505 = arith.constant 512 : i32
        %dma_start3A_506 = arith.constant 0 : i32
        %dma_start3A_507 = tpu.memref_slice %arg20[%dma_start3A_505, %dma_start3A_506] : memref<1000x128xf32, #tpu.memory_space<vmem_shared>> -> memref<128x128xf32, #tpu.memory_space<vmem_shared>>
        %dma_start3A_508 = arith.constant 512 : i32
        %dma_start3A_509 = arith.constant 0 : i32
        %dma_start3A_510 = tpu.memref_slice %arg4[%dma_start3A_508, %dma_start3A_509] : memref<1000x128xf32, #tpu.memory_space<hbm>> -> memref<128x128xf32, #tpu.memory_space<hbm>>
        tpu.enqueue_dma source(%dma_start3A_510 : memref<128x128xf32, #tpu.memory_space<hbm>>) target(%dma_start3A_507 : memref<128x128xf32, #tpu.memory_space<vmem_shared>>) target_semaphore(%run_scoped3A : memref<!tpu.dma_semaphore, #tpu.memory_space<semaphore_mem>>)
        %dma_wait3A_511 = arith.constant 512 : i32
        %dma_wait3A_512 = arith.constant 0 : i32
        %dma_wait3A_513 = tpu.memref_slice %arg20[%dma_wait3A_511, %dma_wait3A_512] : memref<1000x128xf32, #tpu.memory_space<vmem_shared>> -> memref<128x128xf32, #tpu.memory_space<vmem_shared>>
        %dma_wait3A_514 = arith.constant 512 : i32
        %dma_wait3A_515 = arith.constant 0 : i32
        %dma_wait3A_516 = tpu.memref_slice %arg4[%dma_wait3A_514, %dma_wait3A_515] : memref<1000x128xf32, #tpu.memory_space<hbm>> -> memref<128x128xf32, #tpu.memory_space<hbm>>
        tpu.wait_dma2 semaphore(%run_scoped3A : memref<!tpu.dma_semaphore, #tpu.memory_space<semaphore_mem>>) src(%dma_wait3A_516 : memref<128x128xf32, #tpu.memory_space<hbm>>) dst(%dma_wait3A_513 : memref<128x128xf32, #tpu.memory_space<vmem_shared>>)
        tpu.yield
      }) : () -> ()
    } else {
    }
    %eq3A_110 = arith.constant 5 : i32
    %eq3A_111 = arith.cmpi eq, %arg1, %eq3A_110 : i32
    %convert_element_type3A_112 = arith.extui %eq3A_111 : i1 to i32
    %cond3A_113 = arith.constant 0 : i32
    %cond3A_114 = arith.cmpi ne, %convert_element_type3A_112, %cond3A_113 : i32
    scf.if %cond3A_114 {
      "tpu.region"() ({
        %run_scoped3A = tpu.sem_alloc : memref<!tpu.dma_semaphore, #tpu.memory_space<semaphore_mem>>
        %dma_start3A_505 = arith.constant 640 : i32
        %dma_start3A_506 = arith.constant 0 : i32
        %dma_start3A_507 = tpu.memref_slice %arg20[%dma_start3A_505, %dma_start3A_506] : memref<1000x128xf32, #tpu.memory_space<vmem_shared>> -> memref<128x128xf32, #tpu.memory_space<vmem_shared>>
        %dma_start3A_508 = arith.constant 640 : i32
        %dma_start3A_509 = arith.constant 0 : i32
        %dma_start3A_510 = tpu.memref_slice %arg4[%dma_start3A_508, %dma_start3A_509] : memref<1000x128xf32, #tpu.memory_space<hbm>> -> memref<128x128xf32, #tpu.memory_space<hbm>>
        tpu.enqueue_dma source(%dma_start3A_510 : memref<128x128xf32, #tpu.memory_space<hbm>>) target(%dma_start3A_507 : memref<128x128xf32, #tpu.memory_space<vmem_shared>>) target_semaphore(%run_scoped3A : memref<!tpu.dma_semaphore, #tpu.memory_space<semaphore_mem>>)
        %dma_wait3A_511 = arith.constant 640 : i32
        %dma_wait3A_512 = arith.constant 0 : i32
        %dma_wait3A_513 = tpu.memref_slice %arg20[%dma_wait3A_511, %dma_wait3A_512] : memref<1000x128xf32, #tpu.memory_space<vmem_shared>> -> memref<128x128xf32, #tpu.memory_space<vmem_shared>>
        %dma_wait3A_514 = arith.constant 640 : i32
        %dma_wait3A_515 = arith.constant 0 : i32
        %dma_wait3A_516 = tpu.memref_slice %arg4[%dma_wait3A_514, %dma_wait3A_515] : memref<1000x128xf32, #tpu.memory_space<hbm>> -> memref<128x128xf32, #tpu.memory_space<hbm>>
        tpu.wait_dma2 semaphore(%run_scoped3A : memref<!tpu.dma_semaphore, #tpu.memory_space<semaphore_mem>>) src(%dma_wait3A_516 : memref<128x128xf32, #tpu.memory_space<hbm>>) dst(%dma_wait3A_513 : memref<128x128xf32, #tpu.memory_space<vmem_shared>>)
        tpu.yield
      }) : () -> ()
    } else {
    }
    %eq3A_115 = arith.constant 6 : i32
    %eq3A_116 = arith.cmpi eq, %arg1, %eq3A_115 : i32
    %convert_element_type3A_117 = arith.extui %eq3A_116 : i1 to i32
    %cond3A_118 = arith.constant 0 : i32
    %cond3A_119 = arith.cmpi ne, %convert_element_type3A_117, %cond3A_118 : i32
    scf.if %cond3A_119 {
      "tpu.region"() ({
        %run_scoped3A = tpu.sem_alloc : memref<!tpu.dma_semaphore, #tpu.memory_space<semaphore_mem>>
        %dma_start3A_505 = arith.constant 768 : i32
        %dma_start3A_506 = arith.constant 0 : i32
        %dma_start3A_507 = tpu.memref_slice %arg20[%dma_start3A_505, %dma_start3A_506] : memref<1000x128xf32, #tpu.memory_space<vmem_shared>> -> memref<128x128xf32, #tpu.memory_space<vmem_shared>>
        %dma_start3A_508 = arith.constant 768 : i32
        %dma_start3A_509 = arith.constant 0 : i32
        %dma_start3A_510 = tpu.memref_slice %arg4[%dma_start3A_508, %dma_start3A_509] : memref<1000x128xf32, #tpu.memory_space<hbm>> -> memref<128x128xf32, #tpu.memory_space<hbm>>
        tpu.enqueue_dma source(%dma_start3A_510 : memref<128x128xf32, #tpu.memory_space<hbm>>) target(%dma_start3A_507 : memref<128x128xf32, #tpu.memory_space<vmem_shared>>) target_semaphore(%run_scoped3A : memref<!tpu.dma_semaphore, #tpu.memory_space<semaphore_mem>>)
        %dma_wait3A_511 = arith.constant 768 : i32
        %dma_wait3A_512 = arith.constant 0 : i32
        %dma_wait3A_513 = tpu.memref_slice %arg20[%dma_wait3A_511, %dma_wait3A_512] : memref<1000x128xf32, #tpu.memory_space<vmem_shared>> -> memref<128x128xf32, #tpu.memory_space<vmem_shared>>
        %dma_wait3A_514 = arith.constant 768 : i32
        %dma_wait3A_515 = arith.constant 0 : i32
        %dma_wait3A_516 = tpu.memref_slice %arg4[%dma_wait3A_514, %dma_wait3A_515] : memref<1000x128xf32, #tpu.memory_space<hbm>> -> memref<128x128xf32, #tpu.memory_space<hbm>>
        tpu.wait_dma2 semaphore(%run_scoped3A : memref<!tpu.dma_semaphore, #tpu.memory_space<semaphore_mem>>) src(%dma_wait3A_516 : memref<128x128xf32, #tpu.memory_space<hbm>>) dst(%dma_wait3A_513 : memref<128x128xf32, #tpu.memory_space<vmem_shared>>)
        tpu.yield
      }) : () -> ()
    } else {
    }
    %eq3A_120 = arith.constant 7 : i32
    %eq3A_121 = arith.cmpi eq, %arg1, %eq3A_120 : i32
    %convert_element_type3A_122 = arith.extui %eq3A_121 : i1 to i32
    %cond3A_123 = arith.constant 0 : i32
    %cond3A_124 = arith.cmpi ne, %convert_element_type3A_122, %cond3A_123 : i32
    scf.if %cond3A_124 {
      "tpu.region"() ({
        %run_scoped3A = tpu.sem_alloc : memref<!tpu.dma_semaphore, #tpu.memory_space<semaphore_mem>>
        %dma_start3A_505 = arith.constant 896 : i32
        %dma_start3A_506 = arith.constant 0 : i32
        %dma_start3A_507 = tpu.memref_slice %arg20[%dma_start3A_505, %dma_start3A_506] : memref<1000x128xf32, #tpu.memory_space<vmem_shared>> -> memref<104x128xf32, #tpu.memory_space<vmem_shared>>
        %dma_start3A_508 = arith.constant 896 : i32
        %dma_start3A_509 = arith.constant 0 : i32
        %dma_start3A_510 = tpu.memref_slice %arg4[%dma_start3A_508, %dma_start3A_509] : memref<1000x128xf32, #tpu.memory_space<hbm>> -> memref<104x128xf32, #tpu.memory_space<hbm>>
        tpu.enqueue_dma source(%dma_start3A_510 : memref<104x128xf32, #tpu.memory_space<hbm>>) target(%dma_start3A_507 : memref<104x128xf32, #tpu.memory_space<vmem_shared>>) target_semaphore(%run_scoped3A : memref<!tpu.dma_semaphore, #tpu.memory_space<semaphore_mem>>)
        %dma_wait3A_511 = arith.constant 896 : i32
        %dma_wait3A_512 = arith.constant 0 : i32
        %dma_wait3A_513 = tpu.memref_slice %arg20[%dma_wait3A_511, %dma_wait3A_512] : memref<1000x128xf32, #tpu.memory_space<vmem_shared>> -> memref<104x128xf32, #tpu.memory_space<vmem_shared>>
        %dma_wait3A_514 = arith.constant 896 : i32
        %dma_wait3A_515 = arith.constant 0 : i32
        %dma_wait3A_516 = tpu.memref_slice %arg4[%dma_wait3A_514, %dma_wait3A_515] : memref<1000x128xf32, #tpu.memory_space<hbm>> -> memref<104x128xf32, #tpu.memory_space<hbm>>
        tpu.wait_dma2 semaphore(%run_scoped3A : memref<!tpu.dma_semaphore, #tpu.memory_space<semaphore_mem>>) src(%dma_wait3A_516 : memref<104x128xf32, #tpu.memory_space<hbm>>) dst(%dma_wait3A_513 : memref<104x128xf32, #tpu.memory_space<vmem_shared>>)
        tpu.yield
      }) : () -> ()
    } else {
    }
    %barrier3A = arith.constant 0 : index
    tpu.barrier barrier_id(%barrier3A)
    %dma_wait3A = tpu.memref_slice %arg5[%mul3A_2] : memref<16384xi32, #tpu.memory_space<hbm>> -> memref<512xi32, #tpu.memory_space<hbm>>
    %dma_wait3A_125 = tpu.memref_slice %arg5[%mul3A_2] : memref<16384xi32, #tpu.memory_space<hbm>> -> memref<512xi32, #tpu.memory_space<hbm>>
    tpu.wait_dma2 semaphore(%arg21 : memref<!tpu.dma_semaphore, #tpu.memory_space<semaphore_mem>>) src(%dma_wait3A_125 : memref<512xi32, #tpu.memory_space<hbm>>) dst(%arg9 : memref<512xi32, #tpu.memory_space<vmem>>)
    %dma_wait3A_126 = tpu.memref_slice %arg6[%mul3A_2] : memref<16384xi32, #tpu.memory_space<hbm>> -> memref<512xi32, #tpu.memory_space<hbm>>
    %dma_wait3A_127 = tpu.memref_slice %arg6[%mul3A_2] : memref<16384xi32, #tpu.memory_space<hbm>> -> memref<512xi32, #tpu.memory_space<hbm>>
    tpu.wait_dma2 semaphore(%arg21 : memref<!tpu.dma_semaphore, #tpu.memory_space<semaphore_mem>>) src(%dma_wait3A_127 : memref<512xi32, #tpu.memory_space<hbm>>) dst(%arg10 : memref<512xi32, #tpu.memory_space<vmem>>)
    %dma_wait3A_128 = tpu.memref_slice %arg7[%mul3A_2] : memref<16384xi32, #tpu.memory_space<hbm>> -> memref<512xi32, #tpu.memory_space<hbm>>
    %dma_wait3A_129 = tpu.memref_slice %arg7[%mul3A_2] : memref<16384xi32, #tpu.memory_space<hbm>> -> memref<512xi32, #tpu.memory_space<hbm>>
    tpu.wait_dma2 semaphore(%arg21 : memref<!tpu.dma_semaphore, #tpu.memory_space<semaphore_mem>>) src(%dma_wait3A_129 : memref<512xi32, #tpu.memory_space<hbm>>) dst(%arg11 : memref<512xi32, #tpu.memory_space<vmem>>)
    %dma_start3A_130 = arith.constant 0 : i32
    %dma_start3A_131 = tpu.memref_slice %arg9[%dma_start3A_130] : memref<512xi32, #tpu.memory_space<vmem>> -> memref<64xi32, #tpu.memory_space<vmem>>
    %dma_start3A_132 = arith.constant 0 : i32
    %dma_start3A_133 = arith.constant 0 : i32
    %dma_start3A_134 = tpu.memref_slice %arg18[%dma_start3A_132, %dma_start3A_133] : memref<1000x128xf32, #tpu.memory_space<vmem_shared>> -> memref<1000x128xf32, #tpu.memory_space<vmem_shared>>
    tpu.enqueue_indirect_dma source(%dma_start3A_134 : memref<1000x128xf32, #tpu.memory_space<vmem_shared>>) target(%arg12 : memref<64x128xf32, #tpu.memory_space<vmem>>) offsets(%dma_start3A_131 : memref<64xi32, #tpu.memory_space<vmem>>) semaphore(%arg22 : memref<!tpu.dma_semaphore, #tpu.memory_space<semaphore_mem>>)
    %dma_start3A_135 = arith.constant 0 : i32
    %dma_start3A_136 = tpu.memref_slice %arg10[%dma_start3A_135] : memref<512xi32, #tpu.memory_space<vmem>> -> memref<64xi32, #tpu.memory_space<vmem>>
    %dma_start3A_137 = arith.constant 0 : i32
    %dma_start3A_138 = arith.constant 0 : i32
    %dma_start3A_139 = tpu.memref_slice %arg19[%dma_start3A_137, %dma_start3A_138] : memref<1000x128xf32, #tpu.memory_space<vmem_shared>> -> memref<1000x128xf32, #tpu.memory_space<vmem_shared>>
    tpu.enqueue_indirect_dma source(%dma_start3A_139 : memref<1000x128xf32, #tpu.memory_space<vmem_shared>>) target(%arg13 : memref<64x128xf32, #tpu.memory_space<vmem>>) offsets(%dma_start3A_136 : memref<64xi32, #tpu.memory_space<vmem>>) semaphore(%arg22 : memref<!tpu.dma_semaphore, #tpu.memory_space<semaphore_mem>>)
    %dma_start3A_140 = arith.constant 0 : i32
    %dma_start3A_141 = tpu.memref_slice %arg11[%dma_start3A_140] : memref<512xi32, #tpu.memory_space<vmem>> -> memref<64xi32, #tpu.memory_space<vmem>>
    %dma_start3A_142 = arith.constant 0 : i32
    %dma_start3A_143 = arith.constant 0 : i32
    %dma_start3A_144 = tpu.memref_slice %arg20[%dma_start3A_142, %dma_start3A_143] : memref<1000x128xf32, #tpu.memory_space<vmem_shared>> -> memref<1000x128xf32, #tpu.memory_space<vmem_shared>>
    tpu.enqueue_indirect_dma source(%dma_start3A_144 : memref<1000x128xf32, #tpu.memory_space<vmem_shared>>) target(%arg14 : memref<64x128xf32, #tpu.memory_space<vmem>>) offsets(%dma_start3A_141 : memref<64xi32, #tpu.memory_space<vmem>>) semaphore(%arg22 : memref<!tpu.dma_semaphore, #tpu.memory_space<semaphore_mem>>)
    %dma_start3A_145 = arith.constant 64 : i32
    %dma_start3A_146 = tpu.memref_slice %arg9[%dma_start3A_145] : memref<512xi32, #tpu.memory_space<vmem>> -> memref<64xi32, #tpu.memory_space<vmem>>
    %dma_start3A_147 = arith.constant 0 : i32
    %dma_start3A_148 = arith.constant 0 : i32
    %dma_start3A_149 = tpu.memref_slice %arg18[%dma_start3A_147, %dma_start3A_148] : memref<1000x128xf32, #tpu.memory_space<vmem_shared>> -> memref<1000x128xf32, #tpu.memory_space<vmem_shared>>
    tpu.enqueue_indirect_dma source(%dma_start3A_149 : memref<1000x128xf32, #tpu.memory_space<vmem_shared>>) target(%arg15 : memref<64x128xf32, #tpu.memory_space<vmem>>) offsets(%dma_start3A_146 : memref<64xi32, #tpu.memory_space<vmem>>) semaphore(%arg23 : memref<!tpu.dma_semaphore, #tpu.memory_space<semaphore_mem>>)
    %dma_start3A_150 = arith.constant 64 : i32
    %dma_start3A_151 = tpu.memref_slice %arg10[%dma_start3A_150] : memref<512xi32, #tpu.memory_space<vmem>> -> memref<64xi32, #tpu.memory_space<vmem>>
    %dma_start3A_152 = arith.constant 0 : i32
    %dma_start3A_153 = arith.constant 0 : i32
    %dma_start3A_154 = tpu.memref_slice %arg19[%dma_start3A_152, %dma_start3A_153] : memref<1000x128xf32, #tpu.memory_space<vmem_shared>> -> memref<1000x128xf32, #tpu.memory_space<vmem_shared>>
    tpu.enqueue_indirect_dma source(%dma_start3A_154 : memref<1000x128xf32, #tpu.memory_space<vmem_shared>>) target(%arg16 : memref<64x128xf32, #tpu.memory_space<vmem>>) offsets(%dma_start3A_151 : memref<64xi32, #tpu.memory_space<vmem>>) semaphore(%arg23 : memref<!tpu.dma_semaphore, #tpu.memory_space<semaphore_mem>>)
    %dma_start3A_155 = arith.constant 64 : i32
    %dma_start3A_156 = tpu.memref_slice %arg11[%dma_start3A_155] : memref<512xi32, #tpu.memory_space<vmem>> -> memref<64xi32, #tpu.memory_space<vmem>>
    %dma_start3A_157 = arith.constant 0 : i32
    %dma_start3A_158 = arith.constant 0 : i32
    %dma_start3A_159 = tpu.memref_slice %arg20[%dma_start3A_157, %dma_start3A_158] : memref<1000x128xf32, #tpu.memory_space<vmem_shared>> -> memref<1000x128xf32, #tpu.memory_space<vmem_shared>>
    tpu.enqueue_indirect_dma source(%dma_start3A_159 : memref<1000x128xf32, #tpu.memory_space<vmem_shared>>) target(%arg17 : memref<64x128xf32, #tpu.memory_space<vmem>>) offsets(%dma_start3A_156 : memref<64xi32, #tpu.memory_space<vmem>>) semaphore(%arg23 : memref<!tpu.dma_semaphore, #tpu.memory_space<semaphore_mem>>)
    %dma_wait3A_160 = arith.constant 0 : i32
    %dma_wait3A_161 = tpu.memref_slice %arg9[%dma_wait3A_160] : memref<512xi32, #tpu.memory_space<vmem>> -> memref<64xi32, #tpu.memory_space<vmem>>
    %dma_wait3A_162 = arith.constant 0 : i32
    %dma_wait3A_163 = arith.constant 0 : i32
    %dma_wait3A_164 = tpu.memref_slice %arg18[%dma_wait3A_162, %dma_wait3A_163] : memref<1000x128xf32, #tpu.memory_space<vmem_shared>> -> memref<1000x128xf32, #tpu.memory_space<vmem_shared>>
    tpu.wait_indirect_dma semaphore(%arg22 : memref<!tpu.dma_semaphore, #tpu.memory_space<semaphore_mem>>) src(%dma_wait3A_164 : memref<1000x128xf32, #tpu.memory_space<vmem_shared>>) dst(%arg12 : memref<64x128xf32, #tpu.memory_space<vmem>>)
    %dma_wait3A_165 = arith.constant 0 : i32
    %dma_wait3A_166 = tpu.memref_slice %arg10[%dma_wait3A_165] : memref<512xi32, #tpu.memory_space<vmem>> -> memref<64xi32, #tpu.memory_space<vmem>>
    %dma_wait3A_167 = arith.constant 0 : i32
    %dma_wait3A_168 = arith.constant 0 : i32
    %dma_wait3A_169 = tpu.memref_slice %arg19[%dma_wait3A_167, %dma_wait3A_168] : memref<1000x128xf32, #tpu.memory_space<vmem_shared>> -> memref<1000x128xf32, #tpu.memory_space<vmem_shared>>
    tpu.wait_indirect_dma semaphore(%arg22 : memref<!tpu.dma_semaphore, #tpu.memory_space<semaphore_mem>>) src(%dma_wait3A_169 : memref<1000x128xf32, #tpu.memory_space<vmem_shared>>) dst(%arg13 : memref<64x128xf32, #tpu.memory_space<vmem>>)
    %dma_wait3A_170 = arith.constant 0 : i32
    %dma_wait3A_171 = tpu.memref_slice %arg11[%dma_wait3A_170] : memref<512xi32, #tpu.memory_space<vmem>> -> memref<64xi32, #tpu.memory_space<vmem>>
    %dma_wait3A_172 = arith.constant 0 : i32
    %dma_wait3A_173 = arith.constant 0 : i32
    %dma_wait3A_174 = tpu.memref_slice %arg20[%dma_wait3A_172, %dma_wait3A_173] : memref<1000x128xf32, #tpu.memory_space<vmem_shared>> -> memref<1000x128xf32, #tpu.memory_space<vmem_shared>>
    tpu.wait_indirect_dma semaphore(%arg22 : memref<!tpu.dma_semaphore, #tpu.memory_space<semaphore_mem>>) src(%dma_wait3A_174 : memref<1000x128xf32, #tpu.memory_space<vmem_shared>>) dst(%arg14 : memref<64x128xf32, #tpu.memory_space<vmem>>)
    %scan3A = arith.constant 0 : i32
    %scan3A_175 = arith.constant 0 : i32
    %scan3A_176 = arith.constant 64 : i32
    %scan3A_177 = arith.addi %scan3A_175, %scan3A_176 : i32
    %scan3A_178 = arith.constant 1 : i32
    %scan3A_179 = scf.for %scan3A_505 = %scan3A_175 to %scan3A_177 step %scan3A_178 iter_args(%scan3A_506 = %scan3A) -> (i32)  : i32 {
      %get3A = arith.index_cast %scan3A_505 : i32 to index
      %get3A_507 = arith.constant 0 : index
      %get3A_508 = tpu.vector_load %arg13[%get3A, %get3A_507] {strides = array<i32>} : memref<64x128xf32, #tpu.memory_space<vmem>>, vector<1x16xf32>,
      %get3A_509 = vector.shape_cast %get3A_508 : vector<1x16xf32> to vector<16xf32>
      %get3A_510 = arith.index_cast %scan3A_505 : i32 to index
      %get3A_511 = arith.constant 0 : index
      %get3A_512 = tpu.vector_load %arg14[%get3A_510, %get3A_511] {strides = array<i32>} : memref<64x128xf32, #tpu.memory_space<vmem>>, vector<1x16xf32>,
      %get3A_513 = vector.shape_cast %get3A_512 : vector<1x16xf32> to vector<16xf32>
      %add3A_514 = arith.addf %get3A_509, %get3A_513 : vector<16xf32>
      %swap3A = arith.index_cast %scan3A_505 : i32 to index
      %swap3A_515 = arith.constant 0 : index
      %swap3A_516 = tpu.vector_load %arg12[%swap3A, %swap3A_515] {strides = array<i32>} : memref<64x128xf32, #tpu.memory_space<vmem>>, vector<1x16xf32>,
      %swap3A_517 = vector.shape_cast %swap3A_516 : vector<1x16xf32> to vector<16xf32>
      %swap3A_518 = vector.shape_cast %add3A_514 : vector<16xf32> to vector<1x16xf32>
      tpu.vector_store %arg12[%swap3A, %swap3A_515], %swap3A_518 {add = true, strides = array<i32>} : memref<64x128xf32, #tpu.memory_space<vmem>>, vector<1x16xf32>,
      %get3A_519 = arith.index_cast %scan3A_505 : i32 to index
      %get3A_520 = arith.constant 16 : index
      %get3A_521 = tpu.vector_load %arg13[%get3A_519, %get3A_520] {strides = array<i32>} : memref<64x128xf32, #tpu.memory_space<vmem>>, vector<1x16xf32>,
      %get3A_522 = vector.shape_cast %get3A_521 : vector<1x16xf32> to vector<16xf32>
      %get3A_523 = arith.index_cast %scan3A_505 : i32 to index
      %get3A_524 = arith.constant 16 : index
      %get3A_525 = tpu.vector_load %arg14[%get3A_523, %get3A_524] {strides = array<i32>} : memref<64x128xf32, #tpu.memory_space<vmem>>, vector<1x16xf32>,
      %get3A_526 = vector.shape_cast %get3A_525 : vector<1x16xf32> to vector<16xf32>
      %add3A_527 = arith.addf %get3A_522, %get3A_526 : vector<16xf32>
      %swap3A_528 = arith.index_cast %scan3A_505 : i32 to index
      %swap3A_529 = arith.constant 16 : index
      %swap3A_530 = tpu.vector_load %arg12[%swap3A_528, %swap3A_529] {strides = array<i32>} : memref<64x128xf32, #tpu.memory_space<vmem>>, vector<1x16xf32>,
      %swap3A_531 = vector.shape_cast %swap3A_530 : vector<1x16xf32> to vector<16xf32>
      %swap3A_532 = vector.shape_cast %add3A_527 : vector<16xf32> to vector<1x16xf32>
      tpu.vector_store %arg12[%swap3A_528, %swap3A_529], %swap3A_532 {add = true, strides = array<i32>} : memref<64x128xf32, #tpu.memory_space<vmem>>, vector<1x16xf32>,
      %get3A_533 = arith.index_cast %scan3A_505 : i32 to index
      %get3A_534 = arith.constant 32 : index
      %get3A_535 = tpu.vector_load %arg13[%get3A_533, %get3A_534] {strides = array<i32>} : memref<64x128xf32, #tpu.memory_space<vmem>>, vector<1x16xf32>,
      %get3A_536 = vector.shape_cast %get3A_535 : vector<1x16xf32> to vector<16xf32>
      %get3A_537 = arith.index_cast %scan3A_505 : i32 to index
      %get3A_538 = arith.constant 32 : index
      %get3A_539 = tpu.vector_load %arg14[%get3A_537, %get3A_538] {strides = array<i32>} : memref<64x128xf32, #tpu.memory_space<vmem>>, vector<1x16xf32>,
      %get3A_540 = vector.shape_cast %get3A_539 : vector<1x16xf32> to vector<16xf32>
      %add3A_541 = arith.addf %get3A_536, %get3A_540 : vector<16xf32>
      %swap3A_542 = arith.index_cast %scan3A_505 : i32 to index
      %swap3A_543 = arith.constant 32 : index
      %swap3A_544 = tpu.vector_load %arg12[%swap3A_542, %swap3A_543] {strides = array<i32>} : memref<64x128xf32, #tpu.memory_space<vmem>>, vector<1x16xf32>,
      %swap3A_545 = vector.shape_cast %swap3A_544 : vector<1x16xf32> to vector<16xf32>
      %swap3A_546 = vector.shape_cast %add3A_541 : vector<16xf32> to vector<1x16xf32>
      tpu.vector_store %arg12[%swap3A_542, %swap3A_543], %swap3A_546 {add = true, strides = array<i32>} : memref<64x128xf32, #tpu.memory_space<vmem>>, vector<1x16xf32>,
      %get3A_547 = arith.index_cast %scan3A_505 : i32 to index
      %get3A_548 = arith.constant 48 : index
      %get3A_549 = tpu.vector_load %arg13[%get3A_547, %get3A_548] {strides = array<i32>} : memref<64x128xf32, #tpu.memory_space<vmem>>, vector<1x16xf32>,
      %get3A_550 = vector.shape_cast %get3A_549 : vector<1x16xf32> to vector<16xf32>
      %get3A_551 = arith.index_cast %scan3A_505 : i32 to index
      %get3A_552 = arith.constant 48 : index
      %get3A_553 = tpu.vector_load %arg14[%get3A_551, %get3A_552] {strides = array<i32>} : memref<64x128xf32, #tpu.memory_space<vmem>>, vector<1x16xf32>,
      %get3A_554 = vector.shape_cast %get3A_553 : vector<1x16xf32> to vector<16xf32>
      %add3A_555 = arith.addf %get3A_550, %get3A_554 : vector<16xf32>
      %swap3A_556 = arith.index_cast %scan3A_505 : i32 to index
      %swap3A_557 = arith.constant 48 : index
      %swap3A_558 = tpu.vector_load %arg12[%swap3A_556, %swap3A_557] {strides = array<i32>} : memref<64x128xf32, #tpu.memory_space<vmem>>, vector<1x16xf32>,
      %swap3A_559 = vector.shape_cast %swap3A_558 : vector<1x16xf32> to vector<16xf32>
      %swap3A_560 = vector.shape_cast %add3A_555 : vector<16xf32> to vector<1x16xf32>
      tpu.vector_store %arg12[%swap3A_556, %swap3A_557], %swap3A_560 {add = true, strides = array<i32>} : memref<64x128xf32, #tpu.memory_space<vmem>>, vector<1x16xf32>,
      %get3A_561 = arith.index_cast %scan3A_505 : i32 to index
      %get3A_562 = arith.constant 64 : index
      %get3A_563 = tpu.vector_load %arg13[%get3A_561, %get3A_562] {strides = array<i32>} : memref<64x128xf32, #tpu.memory_space<vmem>>, vector<1x16xf32>,
      %get3A_564 = vector.shape_cast %get3A_563 : vector<1x16xf32> to vector<16xf32>
      %get3A_565 = arith.index_cast %scan3A_505 : i32 to index
      %get3A_566 = arith.constant 64 : index
      %get3A_567 = tpu.vector_load %arg14[%get3A_565, %get3A_566] {strides = array<i32>} : memref<64x128xf32, #tpu.memory_space<vmem>>, vector<1x16xf32>,
      %get3A_568 = vector.shape_cast %get3A_567 : vector<1x16xf32> to vector<16xf32>
      %add3A_569 = arith.addf %get3A_564, %get3A_568 : vector<16xf32>
      %swap3A_570 = arith.index_cast %scan3A_505 : i32 to index
      %swap3A_571 = arith.constant 64 : index
      %swap3A_572 = tpu.vector_load %arg12[%swap3A_570, %swap3A_571] {strides = array<i32>} : memref<64x128xf32, #tpu.memory_space<vmem>>, vector<1x16xf32>,
      %swap3A_573 = vector.shape_cast %swap3A_572 : vector<1x16xf32> to vector<16xf32>
      %swap3A_574 = vector.shape_cast %add3A_569 : vector<16xf32> to vector<1x16xf32>
      tpu.vector_store %arg12[%swap3A_570, %swap3A_571], %swap3A_574 {add = true, strides = array<i32>} : memref<64x128xf32, #tpu.memory_space<vmem>>, vector<1x16xf32>,
      %get3A_575 = arith.index_cast %scan3A_505 : i32 to index
      %get3A_576 = arith.constant 80 : index
      %get3A_577 = tpu.vector_load %arg13[%get3A_575, %get3A_576] {strides = array<i32>} : memref<64x128xf32, #tpu.memory_space<vmem>>, vector<1x16xf32>,
      %get3A_578 = vector.shape_cast %get3A_577 : vector<1x16xf32> to vector<16xf32>
      %get3A_579 = arith.index_cast %scan3A_505 : i32 to index
      %get3A_580 = arith.constant 80 : index
      %get3A_581 = tpu.vector_load %arg14[%get3A_579, %get3A_580] {strides = array<i32>} : memref<64x128xf32, #tpu.memory_space<vmem>>, vector<1x16xf32>,
      %get3A_582 = vector.shape_cast %get3A_581 : vector<1x16xf32> to vector<16xf32>
      %add3A_583 = arith.addf %get3A_578, %get3A_582 : vector<16xf32>
      %swap3A_584 = arith.index_cast %scan3A_505 : i32 to index
      %swap3A_585 = arith.constant 80 : index
      %swap3A_586 = tpu.vector_load %arg12[%swap3A_584, %swap3A_585] {strides = array<i32>} : memref<64x128xf32, #tpu.memory_space<vmem>>, vector<1x16xf32>,
      %swap3A_587 = vector.shape_cast %swap3A_586 : vector<1x16xf32> to vector<16xf32>
      %swap3A_588 = vector.shape_cast %add3A_583 : vector<16xf32> to vector<1x16xf32>
      tpu.vector_store %arg12[%swap3A_584, %swap3A_585], %swap3A_588 {add = true, strides = array<i32>} : memref<64x128xf32, #tpu.memory_space<vmem>>, vector<1x16xf32>,
      %get3A_589 = arith.index_cast %scan3A_505 : i32 to index
      %get3A_590 = arith.constant 96 : index
      %get3A_591 = tpu.vector_load %arg13[%get3A_589, %get3A_590] {strides = array<i32>} : memref<64x128xf32, #tpu.memory_space<vmem>>, vector<1x16xf32>,
      %get3A_592 = vector.shape_cast %get3A_591 : vector<1x16xf32> to vector<16xf32>
      %get3A_593 = arith.index_cast %scan3A_505 : i32 to index
      %get3A_594 = arith.constant 96 : index
      %get3A_595 = tpu.vector_load %arg14[%get3A_593, %get3A_594] {strides = array<i32>} : memref<64x128xf32, #tpu.memory_space<vmem>>, vector<1x16xf32>,
      %get3A_596 = vector.shape_cast %get3A_595 : vector<1x16xf32> to vector<16xf32>
      %add3A_597 = arith.addf %get3A_592, %get3A_596 : vector<16xf32>
      %swap3A_598 = arith.index_cast %scan3A_505 : i32 to index
      %swap3A_599 = arith.constant 96 : index
      %swap3A_600 = tpu.vector_load %arg12[%swap3A_598, %swap3A_599] {strides = array<i32>} : memref<64x128xf32, #tpu.memory_space<vmem>>, vector<1x16xf32>,
      %swap3A_601 = vector.shape_cast %swap3A_600 : vector<1x16xf32> to vector<16xf32>
      %swap3A_602 = vector.shape_cast %add3A_597 : vector<16xf32> to vector<1x16xf32>
      tpu.vector_store %arg12[%swap3A_598, %swap3A_599], %swap3A_602 {add = true, strides = array<i32>} : memref<64x128xf32, #tpu.memory_space<vmem>>, vector<1x16xf32>,
      %get3A_603 = arith.index_cast %scan3A_505 : i32 to index
      %get3A_604 = arith.constant 112 : index
      %get3A_605 = tpu.vector_load %arg13[%get3A_603, %get3A_604] {strides = array<i32>} : memref<64x128xf32, #tpu.memory_space<vmem>>, vector<1x16xf32>,
      %get3A_606 = vector.shape_cast %get3A_605 : vector<1x16xf32> to vector<16xf32>
      %get3A_607 = arith.index_cast %scan3A_505 : i32 to index
      %get3A_608 = arith.constant 112 : index
      %get3A_609 = tpu.vector_load %arg14[%get3A_607, %get3A_608] {strides = array<i32>} : memref<64x128xf32, #tpu.memory_space<vmem>>, vector<1x16xf32>,
      %get3A_610 = vector.shape_cast %get3A_609 : vector<1x16xf32> to vector<16xf32>
      %add3A_611 = arith.addf %get3A_606, %get3A_610 : vector<16xf32>
      %swap3A_612 = arith.index_cast %scan3A_505 : i32 to index
      %swap3A_613 = arith.constant 112 : index
      %swap3A_614 = tpu.vector_load %arg12[%swap3A_612, %swap3A_613] {strides = array<i32>} : memref<64x128xf32, #tpu.memory_space<vmem>>, vector<1x16xf32>,
      %swap3A_615 = vector.shape_cast %swap3A_614 : vector<1x16xf32> to vector<16xf32>
      %swap3A_616 = vector.shape_cast %add3A_611 : vector<16xf32> to vector<1x16xf32>
      tpu.vector_store %arg12[%swap3A_612, %swap3A_613], %swap3A_616 {add = true, strides = array<i32>} : memref<64x128xf32, #tpu.memory_space<vmem>>, vector<1x16xf32>,
      %scan3A_617 = arith.constant 0 : i32
      scf.yield %scan3A_617 : i32
    }
    %scan3A_180 = arith.constant 64 : i32
    %add3A_181 = arith.constant 0 : i32
    %add3A_182 = arith.addi %mul3A_2, %add3A_181 : i32
    %dma_start3A_183 = arith.constant 0 : i32
    %dma_start3A_184 = tpu.memref_slice %arg8[%add3A_182, %dma_start3A_183] : memref<16384x128xf32, #tpu.memory_space<hbm>> -> memref<64x128xf32, #tpu.memory_space<hbm>>
    %dma_start3A_185 = arith.constant 0 : i32
    %dma_start3A_186 = tpu.memref_slice %arg8[%add3A_182, %dma_start3A_185] : memref<16384x128xf32, #tpu.memory_space<hbm>> -> memref<64x128xf32, #tpu.memory_space<hbm>>
    tpu.enqueue_dma source(%arg12 : memref<64x128xf32, #tpu.memory_space<vmem>>) target(%dma_start3A_186 : memref<64x128xf32, #tpu.memory_space<hbm>>) target_semaphore(%arg24 : memref<!tpu.dma_semaphore, #tpu.memory_space<semaphore_mem>>)
    %dma_wait3A_187 = arith.constant 0 : i32
    %dma_wait3A_188 = tpu.memref_slice %arg8[%add3A_182, %dma_wait3A_187] : memref<16384x128xf32, #tpu.memory_space<hbm>> -> memref<64x128xf32, #tpu.memory_space<hbm>>
    %dma_wait3A_189 = arith.constant 0 : i32
    %dma_wait3A_190 = tpu.memref_slice %arg8[%add3A_182, %dma_wait3A_189] : memref<16384x128xf32, #tpu.memory_space<hbm>> -> memref<64x128xf32, #tpu.memory_space<hbm>>
    tpu.wait_dma2 semaphore(%arg24 : memref<!tpu.dma_semaphore, #tpu.memory_space<semaphore_mem>>) src(%arg12 : memref<64x128xf32, #tpu.memory_space<vmem>>) dst(%dma_wait3A_190 : memref<64x128xf32, #tpu.memory_space<hbm>>)
    %dma_start3A_191 = arith.constant 128 : i32
    %dma_start3A_192 = tpu.memref_slice %arg9[%dma_start3A_191] : memref<512xi32, #tpu.memory_space<vmem>> -> memref<64xi32, #tpu.memory_space<vmem>>
    %dma_start3A_193 = arith.constant 0 : i32
    %dma_start3A_194 = arith.constant 0 : i32
    %dma_start3A_195 = tpu.memref_slice %arg18[%dma_start3A_193, %dma_start3A_194] : memref<1000x128xf32, #tpu.memory_space<vmem_shared>> -> memref<1000x128xf32, #tpu.memory_space<vmem_shared>>
    tpu.enqueue_indirect_dma source(%dma_start3A_195 : memref<1000x128xf32, #tpu.memory_space<vmem_shared>>) target(%arg12 : memref<64x128xf32, #tpu.memory_space<vmem>>) offsets(%dma_start3A_192 : memref<64xi32, #tpu.memory_space<vmem>>) semaphore(%arg22 : memref<!tpu.dma_semaphore, #tpu.memory_space<semaphore_mem>>)
    %dma_start3A_196 = arith.constant 128 : i32
    %dma_start3A_197 = tpu.memref_slice %arg10[%dma_start3A_196] : memref<512xi32, #tpu.memory_space<vmem>> -> memref<64xi32, #tpu.memory_space<vmem>>
    %dma_start3A_198 = arith.constant 0 : i32
    %dma_start3A_199 = arith.constant 0 : i32
    %dma_start3A_200 = tpu.memref_slice %arg19[%dma_start3A_198, %dma_start3A_199] : memref<1000x128xf32, #tpu.memory_space<vmem_shared>> -> memref<1000x128xf32, #tpu.memory_space<vmem_shared>>
    tpu.enqueue_indirect_dma source(%dma_start3A_200 : memref<1000x128xf32, #tpu.memory_space<vmem_shared>>) target(%arg13 : memref<64x128xf32, #tpu.memory_space<vmem>>) offsets(%dma_start3A_197 : memref<64xi32, #tpu.memory_space<vmem>>) semaphore(%arg22 : memref<!tpu.dma_semaphore, #tpu.memory_space<semaphore_mem>>)
    %dma_start3A_201 = arith.constant 128 : i32
    %dma_start3A_202 = tpu.memref_slice %arg11[%dma_start3A_201] : memref<512xi32, #tpu.memory_space<vmem>> -> memref<64xi32, #tpu.memory_space<vmem>>
    %dma_start3A_203 = arith.constant 0 : i32
    %dma_start3A_204 = arith.constant 0 : i32
    %dma_start3A_205 = tpu.memref_slice %arg20[%dma_start3A_203, %dma_start3A_204] : memref<1000x128xf32, #tpu.memory_space<vmem_shared>> -> memref<1000x128xf32, #tpu.memory_space<vmem_shared>>
    tpu.enqueue_indirect_dma source(%dma_start3A_205 : memref<1000x128xf32, #tpu.memory_space<vmem_shared>>) target(%arg14 : memref<64x128xf32, #tpu.memory_space<vmem>>) offsets(%dma_start3A_202 : memref<64xi32, #tpu.memory_space<vmem>>) semaphore(%arg22 : memref<!tpu.dma_semaphore, #tpu.memory_space<semaphore_mem>>)
    %dma_wait3A_206 = arith.constant 64 : i32
    %dma_wait3A_207 = tpu.memref_slice %arg9[%dma_wait3A_206] : memref<512xi32, #tpu.memory_space<vmem>> -> memref<64xi32, #tpu.memory_space<vmem>>
    %dma_wait3A_208 = arith.constant 0 : i32
    %dma_wait3A_209 = arith.constant 0 : i32
    %dma_wait3A_210 = tpu.memref_slice %arg18[%dma_wait3A_208, %dma_wait3A_209] : memref<1000x128xf32, #tpu.memory_space<vmem_shared>> -> memref<1000x128xf32, #tpu.memory_space<vmem_shared>>
    tpu.wait_indirect_dma semaphore(%arg23 : memref<!tpu.dma_semaphore, #tpu.memory_space<semaphore_mem>>) src(%dma_wait3A_210 : memref<1000x128xf32, #tpu.memory_space<vmem_shared>>) dst(%arg15 : memref<64x128xf32, #tpu.memory_space<vmem>>)
    %dma_wait3A_211 = arith.constant 64 : i32
    %dma_wait3A_212 = tpu.memref_slice %arg10[%dma_wait3A_211] : memref<512xi32, #tpu.memory_space<vmem>> -> memref<64xi32, #tpu.memory_space<vmem>>
    %dma_wait3A_213 = arith.constant 0 : i32
    %dma_wait3A_214 = arith.constant 0 : i32
    %dma_wait3A_215 = tpu.memref_slice %arg19[%dma_wait3A_213, %dma_wait3A_214] : memref<1000x128xf32, #tpu.memory_space<vmem_shared>> -> memref<1000x128xf32, #tpu.memory_space<vmem_shared>>
    tpu.wait_indirect_dma semaphore(%arg23 : memref<!tpu.dma_semaphore, #tpu.memory_space<semaphore_mem>>) src(%dma_wait3A_215 : memref<1000x128xf32, #tpu.memory_space<vmem_shared>>) dst(%arg16 : memref<64x128xf32, #tpu.memory_space<vmem>>)
    %dma_wait3A_216 = arith.constant 64 : i32
    %dma_wait3A_217 = tpu.memref_slice %arg11[%dma_wait3A_216] : memref<512xi32, #tpu.memory_space<vmem>> -> memref<64xi32, #tpu.memory_space<vmem>>
    %dma_wait3A_218 = arith.constant 0 : i32
    %dma_wait3A_219 = arith.constant 0 : i32
    %dma_wait3A_220 = tpu.memref_slice %arg20[%dma_wait3A_218, %dma_wait3A_219] : memref<1000x128xf32, #tpu.memory_space<vmem_shared>> -> memref<1000x128xf32, #tpu.memory_space<vmem_shared>>
    tpu.wait_indirect_dma semaphore(%arg23 : memref<!tpu.dma_semaphore, #tpu.memory_space<semaphore_mem>>) src(%dma_wait3A_220 : memref<1000x128xf32, #tpu.memory_space<vmem_shared>>) dst(%arg17 : memref<64x128xf32, #tpu.memory_space<vmem>>)
    %scan3A_221 = arith.constant 0 : i32
    %scan3A_222 = arith.constant 0 : i32
    %scan3A_223 = arith.constant 64 : i32
    %scan3A_224 = arith.addi %scan3A_222, %scan3A_223 : i32
    %scan3A_225 = arith.constant 1 : i32
    %scan3A_226 = scf.for %scan3A_505 = %scan3A_222 to %scan3A_224 step %scan3A_225 iter_args(%scan3A_506 = %scan3A_221) -> (i32)  : i32 {
      %get3A = arith.index_cast %scan3A_505 : i32 to index
      %get3A_507 = arith.constant 0 : index
      %get3A_508 = tpu.vector_load %arg16[%get3A, %get3A_507] {strides = array<i32>} : memref<64x128xf32, #tpu.memory_space<vmem>>, vector<1x16xf32>,
      %get3A_509 = vector.shape_cast %get3A_508 : vector<1x16xf32> to vector<16xf32>
      %get3A_510 = arith.index_cast %scan3A_505 : i32 to index
      %get3A_511 = arith.constant 0 : index
      %get3A_512 = tpu.vector_load %arg17[%get3A_510, %get3A_511] {strides = array<i32>} : memref<64x128xf32, #tpu.memory_space<vmem>>, vector<1x16xf32>,
      %get3A_513 = vector.shape_cast %get3A_512 : vector<1x16xf32> to vector<16xf32>
      %add3A_514 = arith.addf %get3A_509, %get3A_513 : vector<16xf32>
      %swap3A = arith.index_cast %scan3A_505 : i32 to index
      %swap3A_515 = arith.constant 0 : index
      %swap3A_516 = tpu.vector_load %arg15[%swap3A, %swap3A_515] {strides = array<i32>} : memref<64x128xf32, #tpu.memory_space<vmem>>, vector<1x16xf32>,
      %swap3A_517 = vector.shape_cast %swap3A_516 : vector<1x16xf32> to vector<16xf32>
      %swap3A_518 = vector.shape_cast %add3A_514 : vector<16xf32> to vector<1x16xf32>
      tpu.vector_store %arg15[%swap3A, %swap3A_515], %swap3A_518 {add = true, strides = array<i32>} : memref<64x128xf32, #tpu.memory_space<vmem>>, vector<1x16xf32>,
      %get3A_519 = arith.index_cast %scan3A_505 : i32 to index
      %get3A_520 = arith.constant 16 : index
      %get3A_521 = tpu.vector_load %arg16[%get3A_519, %get3A_520] {strides = array<i32>} : memref<64x128xf32, #tpu.memory_space<vmem>>, vector<1x16xf32>,
      %get3A_522 = vector.shape_cast %get3A_521 : vector<1x16xf32> to vector<16xf32>
      %get3A_523 = arith.index_cast %scan3A_505 : i32 to index
      %get3A_524 = arith.constant 16 : index
      %get3A_525 = tpu.vector_load %arg17[%get3A_523, %get3A_524] {strides = array<i32>} : memref<64x128xf32, #tpu.memory_space<vmem>>, vector<1x16xf32>,
      %get3A_526 = vector.shape_cast %get3A_525 : vector<1x16xf32> to vector<16xf32>
      %add3A_527 = arith.addf %get3A_522, %get3A_526 : vector<16xf32>
      %swap3A_528 = arith.index_cast %scan3A_505 : i32 to index
      %swap3A_529 = arith.constant 16 : index
      %swap3A_530 = tpu.vector_load %arg15[%swap3A_528, %swap3A_529] {strides = array<i32>} : memref<64x128xf32, #tpu.memory_space<vmem>>, vector<1x16xf32>,
      %swap3A_531 = vector.shape_cast %swap3A_530 : vector<1x16xf32> to vector<16xf32>
      %swap3A_532 = vector.shape_cast %add3A_527 : vector<16xf32> to vector<1x16xf32>
      tpu.vector_store %arg15[%swap3A_528, %swap3A_529], %swap3A_532 {add = true, strides = array<i32>} : memref<64x128xf32, #tpu.memory_space<vmem>>, vector<1x16xf32>,
      %get3A_533 = arith.index_cast %scan3A_505 : i32 to index
      %get3A_534 = arith.constant 32 : index
      %get3A_535 = tpu.vector_load %arg16[%get3A_533, %get3A_534] {strides = array<i32>} : memref<64x128xf32, #tpu.memory_space<vmem>>, vector<1x16xf32>,
      %get3A_536 = vector.shape_cast %get3A_535 : vector<1x16xf32> to vector<16xf32>
      %get3A_537 = arith.index_cast %scan3A_505 : i32 to index
      %get3A_538 = arith.constant 32 : index
      %get3A_539 = tpu.vector_load %arg17[%get3A_537, %get3A_538] {strides = array<i32>} : memref<64x128xf32, #tpu.memory_space<vmem>>, vector<1x16xf32>,
      %get3A_540 = vector.shape_cast %get3A_539 : vector<1x16xf32> to vector<16xf32>
      %add3A_541 = arith.addf %get3A_536, %get3A_540 : vector<16xf32>
      %swap3A_542 = arith.index_cast %scan3A_505 : i32 to index
      %swap3A_543 = arith.constant 32 : index
      %swap3A_544 = tpu.vector_load %arg15[%swap3A_542, %swap3A_543] {strides = array<i32>} : memref<64x128xf32, #tpu.memory_space<vmem>>, vector<1x16xf32>,
      %swap3A_545 = vector.shape_cast %swap3A_544 : vector<1x16xf32> to vector<16xf32>
      %swap3A_546 = vector.shape_cast %add3A_541 : vector<16xf32> to vector<1x16xf32>
      tpu.vector_store %arg15[%swap3A_542, %swap3A_543], %swap3A_546 {add = true, strides = array<i32>} : memref<64x128xf32, #tpu.memory_space<vmem>>, vector<1x16xf32>,
      %get3A_547 = arith.index_cast %scan3A_505 : i32 to index
      %get3A_548 = arith.constant 48 : index
      %get3A_549 = tpu.vector_load %arg16[%get3A_547, %get3A_548] {strides = array<i32>} : memref<64x128xf32, #tpu.memory_space<vmem>>, vector<1x16xf32>,
      %get3A_550 = vector.shape_cast %get3A_549 : vector<1x16xf32> to vector<16xf32>
      %get3A_551 = arith.index_cast %scan3A_505 : i32 to index
      %get3A_552 = arith.constant 48 : index
      %get3A_553 = tpu.vector_load %arg17[%get3A_551, %get3A_552] {strides = array<i32>} : memref<64x128xf32, #tpu.memory_space<vmem>>, vector<1x16xf32>,
      %get3A_554 = vector.shape_cast %get3A_553 : vector<1x16xf32> to vector<16xf32>
      %add3A_555 = arith.addf %get3A_550, %get3A_554 : vector<16xf32>
      %swap3A_556 = arith.index_cast %scan3A_505 : i32 to index
      %swap3A_557 = arith.constant 48 : index
      %swap3A_558 = tpu.vector_load %arg15[%swap3A_556, %swap3A_557] {strides = array<i32>} : memref<64x128xf32, #tpu.memory_space<vmem>>, vector<1x16xf32>,
      %swap3A_559 = vector.shape_cast %swap3A_558 : vector<1x16xf32> to vector<16xf32>
      %swap3A_560 = vector.shape_cast %add3A_555 : vector<16xf32> to vector<1x16xf32>
      tpu.vector_store %arg15[%swap3A_556, %swap3A_557], %swap3A_560 {add = true, strides = array<i32>} : memref<64x128xf32, #tpu.memory_space<vmem>>, vector<1x16xf32>,
      %get3A_561 = arith.index_cast %scan3A_505 : i32 to index
      %get3A_562 = arith.constant 64 : index
      %get3A_563 = tpu.vector_load %arg16[%get3A_561, %get3A_562] {strides = array<i32>} : memref<64x128xf32, #tpu.memory_space<vmem>>, vector<1x16xf32>,
      %get3A_564 = vector.shape_cast %get3A_563 : vector<1x16xf32> to vector<16xf32>
      %get3A_565 = arith.index_cast %scan3A_505 : i32 to index
      %get3A_566 = arith.constant 64 : index
      %get3A_567 = tpu.vector_load %arg17[%get3A_565, %get3A_566] {strides = array<i32>} : memref<64x128xf32, #tpu.memory_space<vmem>>, vector<1x16xf32>,
      %get3A_568 = vector.shape_cast %get3A_567 : vector<1x16xf32> to vector<16xf32>
      %add3A_569 = arith.addf %get3A_564, %get3A_568 : vector<16xf32>
      %swap3A_570 = arith.index_cast %scan3A_505 : i32 to index
      %swap3A_571 = arith.constant 64 : index
      %swap3A_572 = tpu.vector_load %arg15[%swap3A_570, %swap3A_571] {strides = array<i32>} : memref<64x128xf32, #tpu.memory_space<vmem>>, vector<1x16xf32>,
      %swap3A_573 = vector.shape_cast %swap3A_572 : vector<1x16xf32> to vector<16xf32>
      %swap3A_574 = vector.shape_cast %add3A_569 : vector<16xf32> to vector<1x16xf32>
      tpu.vector_store %arg15[%swap3A_570, %swap3A_571], %swap3A_574 {add = true, strides = array<i32>} : memref<64x128xf32, #tpu.memory_space<vmem>>, vector<1x16xf32>,
      %get3A_575 = arith.index_cast %scan3A_505 : i32 to index
      %get3A_576 = arith.constant 80 : index
      %get3A_577 = tpu.vector_load %arg16[%get3A_575, %get3A_576] {strides = array<i32>} : memref<64x128xf32, #tpu.memory_space<vmem>>, vector<1x16xf32>,
      %get3A_578 = vector.shape_cast %get3A_577 : vector<1x16xf32> to vector<16xf32>
      %get3A_579 = arith.index_cast %scan3A_505 : i32 to index
      %get3A_580 = arith.constant 80 : index
      %get3A_581 = tpu.vector_load %arg17[%get3A_579, %get3A_580] {strides = array<i32>} : memref<64x128xf32, #tpu.memory_space<vmem>>, vector<1x16xf32>,
      %get3A_582 = vector.shape_cast %get3A_581 : vector<1x16xf32> to vector<16xf32>
      %add3A_583 = arith.addf %get3A_578, %get3A_582 : vector<16xf32>
      %swap3A_584 = arith.index_cast %scan3A_505 : i32 to index
      %swap3A_585 = arith.constant 80 : index
      %swap3A_586 = tpu.vector_load %arg15[%swap3A_584, %swap3A_585] {strides = array<i32>} : memref<64x128xf32, #tpu.memory_space<vmem>>, vector<1x16xf32>,
      %swap3A_587 = vector.shape_cast %swap3A_586 : vector<1x16xf32> to vector<16xf32>
      %swap3A_588 = vector.shape_cast %add3A_583 : vector<16xf32> to vector<1x16xf32>
      tpu.vector_store %arg15[%swap3A_584, %swap3A_585], %swap3A_588 {add = true, strides = array<i32>} : memref<64x128xf32, #tpu.memory_space<vmem>>, vector<1x16xf32>,
      %get3A_589 = arith.index_cast %scan3A_505 : i32 to index
      %get3A_590 = arith.constant 96 : index
      %get3A_591 = tpu.vector_load %arg16[%get3A_589, %get3A_590] {strides = array<i32>} : memref<64x128xf32, #tpu.memory_space<vmem>>, vector<1x16xf32>,
      %get3A_592 = vector.shape_cast %get3A_591 : vector<1x16xf32> to vector<16xf32>
      %get3A_593 = arith.index_cast %scan3A_505 : i32 to index
      %get3A_594 = arith.constant 96 : index
      %get3A_595 = tpu.vector_load %arg17[%get3A_593, %get3A_594] {strides = array<i32>} : memref<64x128xf32, #tpu.memory_space<vmem>>, vector<1x16xf32>,
      %get3A_596 = vector.shape_cast %get3A_595 : vector<1x16xf32> to vector<16xf32>
      %add3A_597 = arith.addf %get3A_592, %get3A_596 : vector<16xf32>
      %swap3A_598 = arith.index_cast %scan3A_505 : i32 to index
      %swap3A_599 = arith.constant 96 : index
      %swap3A_600 = tpu.vector_load %arg15[%swap3A_598, %swap3A_599] {strides = array<i32>} : memref<64x128xf32, #tpu.memory_space<vmem>>, vector<1x16xf32>,
      %swap3A_601 = vector.shape_cast %swap3A_600 : vector<1x16xf32> to vector<16xf32>
      %swap3A_602 = vector.shape_cast %add3A_597 : vector<16xf32> to vector<1x16xf32>
      tpu.vector_store %arg15[%swap3A_598, %swap3A_599], %swap3A_602 {add = true, strides = array<i32>} : memref<64x128xf32, #tpu.memory_space<vmem>>, vector<1x16xf32>,
      %get3A_603 = arith.index_cast %scan3A_505 : i32 to index
      %get3A_604 = arith.constant 112 : index
      %get3A_605 = tpu.vector_load %arg16[%get3A_603, %get3A_604] {strides = array<i32>} : memref<64x128xf32, #tpu.memory_space<vmem>>, vector<1x16xf32>,
      %get3A_606 = vector.shape_cast %get3A_605 : vector<1x16xf32> to vector<16xf32>
      %get3A_607 = arith.index_cast %scan3A_505 : i32 to index
      %get3A_608 = arith.constant 112 : index
      %get3A_609 = tpu.vector_load %arg17[%get3A_607, %get3A_608] {strides = array<i32>} : memref<64x128xf32, #tpu.memory_space<vmem>>, vector<1x16xf32>,
      %get3A_610 = vector.shape_cast %get3A_609 : vector<1x16xf32> to vector<16xf32>
      %add3A_611 = arith.addf %get3A_606, %get3A_610 : vector<16xf32>
      %swap3A_612 = arith.index_cast %scan3A_505 : i32 to index
      %swap3A_613 = arith.constant 112 : index
      %swap3A_614 = tpu.vector_load %arg15[%swap3A_612, %swap3A_613] {strides = array<i32>} : memref<64x128xf32, #tpu.memory_space<vmem>>, vector<1x16xf32>,
      %swap3A_615 = vector.shape_cast %swap3A_614 : vector<1x16xf32> to vector<16xf32>
      %swap3A_616 = vector.shape_cast %add3A_611 : vector<16xf32> to vector<1x16xf32>
      tpu.vector_store %arg15[%swap3A_612, %swap3A_613], %swap3A_616 {add = true, strides = array<i32>} : memref<64x128xf32, #tpu.memory_space<vmem>>, vector<1x16xf32>,
      %scan3A_617 = arith.constant 0 : i32
      scf.yield %scan3A_617 : i32
    }
    %scan3A_227 = arith.constant 64 : i32
    %add3A_228 = arith.constant 64 : i32
    %add3A_229 = arith.addi %mul3A_2, %add3A_228 : i32
    %dma_start3A_230 = arith.constant 0 : i32
    %dma_start3A_231 = tpu.memref_slice %arg8[%add3A_229, %dma_start3A_230] : memref<16384x128xf32, #tpu.memory_space<hbm>> -> memref<64x128xf32, #tpu.memory_space<hbm>>
    %dma_start3A_232 = arith.constant 0 : i32
    %dma_start3A_233 = tpu.memref_slice %arg8[%add3A_229, %dma_start3A_232] : memref<16384x128xf32, #tpu.memory_space<hbm>> -> memref<64x128xf32, #tpu.memory_space<hbm>>
    tpu.enqueue_dma source(%arg15 : memref<64x128xf32, #tpu.memory_space<vmem>>) target(%dma_start3A_233 : memref<64x128xf32, #tpu.memory_space<hbm>>) target_semaphore(%arg24 : memref<!tpu.dma_semaphore, #tpu.memory_space<semaphore_mem>>)
    %dma_wait3A_234 = arith.constant 0 : i32
    %dma_wait3A_235 = tpu.memref_slice %arg8[%add3A_229, %dma_wait3A_234] : memref<16384x128xf32, #tpu.memory_space<hbm>> -> memref<64x128xf32, #tpu.memory_space<hbm>>
    %dma_wait3A_236 = arith.constant 0 : i32
    %dma_wait3A_237 = tpu.memref_slice %arg8[%add3A_229, %dma_wait3A_236] : memref<16384x128xf32, #tpu.memory_space<hbm>> -> memref<64x128xf32, #tpu.memory_space<hbm>>
    tpu.wait_dma2 semaphore(%arg24 : memref<!tpu.dma_semaphore, #tpu.memory_space<semaphore_mem>>) src(%arg15 : memref<64x128xf32, #tpu.memory_space<vmem>>) dst(%dma_wait3A_237 : memref<64x128xf32, #tpu.memory_space<hbm>>)
    %dma_start3A_238 = arith.constant 192 : i32
    %dma_start3A_239 = tpu.memref_slice %arg9[%dma_start3A_238] : memref<512xi32, #tpu.memory_space<vmem>> -> memref<64xi32, #tpu.memory_space<vmem>>
    %dma_start3A_240 = arith.constant 0 : i32
    %dma_start3A_241 = arith.constant 0 : i32
    %dma_start3A_242 = tpu.memref_slice %arg18[%dma_start3A_240, %dma_start3A_241] : memref<1000x128xf32, #tpu.memory_space<vmem_shared>> -> memref<1000x128xf32, #tpu.memory_space<vmem_shared>>
    tpu.enqueue_indirect_dma source(%dma_start3A_242 : memref<1000x128xf32, #tpu.memory_space<vmem_shared>>) target(%arg15 : memref<64x128xf32, #tpu.memory_space<vmem>>) offsets(%dma_start3A_239 : memref<64xi32, #tpu.memory_space<vmem>>) semaphore(%arg23 : memref<!tpu.dma_semaphore, #tpu.memory_space<semaphore_mem>>)
    %dma_start3A_243 = arith.constant 192 : i32
    %dma_start3A_244 = tpu.memref_slice %arg10[%dma_start3A_243] : memref<512xi32, #tpu.memory_space<vmem>> -> memref<64xi32, #tpu.memory_space<vmem>>
    %dma_start3A_245 = arith.constant 0 : i32
    %dma_start3A_246 = arith.constant 0 : i32
    %dma_start3A_247 = tpu.memref_slice %arg19[%dma_start3A_245, %dma_start3A_246] : memref<1000x128xf32, #tpu.memory_space<vmem_shared>> -> memref<1000x128xf32, #tpu.memory_space<vmem_shared>>
    tpu.enqueue_indirect_dma source(%dma_start3A_247 : memref<1000x128xf32, #tpu.memory_space<vmem_shared>>) target(%arg16 : memref<64x128xf32, #tpu.memory_space<vmem>>) offsets(%dma_start3A_244 : memref<64xi32, #tpu.memory_space<vmem>>) semaphore(%arg23 : memref<!tpu.dma_semaphore, #tpu.memory_space<semaphore_mem>>)
    %dma_start3A_248 = arith.constant 192 : i32
    %dma_start3A_249 = tpu.memref_slice %arg11[%dma_start3A_248] : memref<512xi32, #tpu.memory_space<vmem>> -> memref<64xi32, #tpu.memory_space<vmem>>
    %dma_start3A_250 = arith.constant 0 : i32
    %dma_start3A_251 = arith.constant 0 : i32
    %dma_start3A_252 = tpu.memref_slice %arg20[%dma_start3A_250, %dma_start3A_251] : memref<1000x128xf32, #tpu.memory_space<vmem_shared>> -> memref<1000x128xf32, #tpu.memory_space<vmem_shared>>
    tpu.enqueue_indirect_dma source(%dma_start3A_252 : memref<1000x128xf32, #tpu.memory_space<vmem_shared>>) target(%arg17 : memref<64x128xf32, #tpu.memory_space<vmem>>) offsets(%dma_start3A_249 : memref<64xi32, #tpu.memory_space<vmem>>) semaphore(%arg23 : memref<!tpu.dma_semaphore, #tpu.memory_space<semaphore_mem>>)
    %dma_wait3A_253 = arith.constant 128 : i32
    %dma_wait3A_254 = tpu.memref_slice %arg9[%dma_wait3A_253] : memref<512xi32, #tpu.memory_space<vmem>> -> memref<64xi32, #tpu.memory_space<vmem>>
    %dma_wait3A_255 = arith.constant 0 : i32
    %dma_wait3A_256 = arith.constant 0 : i32
    %dma_wait3A_257 = tpu.memref_slice %arg18[%dma_wait3A_255, %dma_wait3A_256] : memref<1000x128xf32, #tpu.memory_space<vmem_shared>> -> memref<1000x128xf32, #tpu.memory_space<vmem_shared>>
    tpu.wait_indirect_dma semaphore(%arg22 : memref<!tpu.dma_semaphore, #tpu.memory_space<semaphore_mem>>) src(%dma_wait3A_257 : memref<1000x128xf32, #tpu.memory_space<vmem_shared>>) dst(%arg12 : memref<64x128xf32, #tpu.memory_space<vmem>>)
    %dma_wait3A_258 = arith.constant 128 : i32
    %dma_wait3A_259 = tpu.memref_slice %arg10[%dma_wait3A_258] : memref<512xi32, #tpu.memory_space<vmem>> -> memref<64xi32, #tpu.memory_space<vmem>>
    %dma_wait3A_260 = arith.constant 0 : i32
    %dma_wait3A_261 = arith.constant 0 : i32
    %dma_wait3A_262 = tpu.memref_slice %arg19[%dma_wait3A_260, %dma_wait3A_261] : memref<1000x128xf32, #tpu.memory_space<vmem_shared>> -> memref<1000x128xf32, #tpu.memory_space<vmem_shared>>
    tpu.wait_indirect_dma semaphore(%arg22 : memref<!tpu.dma_semaphore, #tpu.memory_space<semaphore_mem>>) src(%dma_wait3A_262 : memref<1000x128xf32, #tpu.memory_space<vmem_shared>>) dst(%arg13 : memref<64x128xf32, #tpu.memory_space<vmem>>)
    %dma_wait3A_263 = arith.constant 128 : i32
    %dma_wait3A_264 = tpu.memref_slice %arg11[%dma_wait3A_263] : memref<512xi32, #tpu.memory_space<vmem>> -> memref<64xi32, #tpu.memory_space<vmem>>
    %dma_wait3A_265 = arith.constant 0 : i32
    %dma_wait3A_266 = arith.constant 0 : i32
    %dma_wait3A_267 = tpu.memref_slice %arg20[%dma_wait3A_265, %dma_wait3A_266] : memref<1000x128xf32, #tpu.memory_space<vmem_shared>> -> memref<1000x128xf32, #tpu.memory_space<vmem_shared>>
    tpu.wait_indirect_dma semaphore(%arg22 : memref<!tpu.dma_semaphore, #tpu.memory_space<semaphore_mem>>) src(%dma_wait3A_267 : memref<1000x128xf32, #tpu.memory_space<vmem_shared>>) dst(%arg14 : memref<64x128xf32, #tpu.memory_space<vmem>>)
    %scan3A_268 = arith.constant 0 : i32
    %scan3A_269 = arith.constant 0 : i32
    %scan3A_270 = arith.constant 64 : i32
    %scan3A_271 = arith.addi %scan3A_269, %scan3A_270 : i32
    %scan3A_272 = arith.constant 1 : i32
    %scan3A_273 = scf.for %scan3A_505 = %scan3A_269 to %scan3A_271 step %scan3A_272 iter_args(%scan3A_506 = %scan3A_268) -> (i32)  : i32 {
      %get3A = arith.index_cast %scan3A_505 : i32 to index
      %get3A_507 = arith.constant 0 : index
      %get3A_508 = tpu.vector_load %arg13[%get3A, %get3A_507] {strides = array<i32>} : memref<64x128xf32, #tpu.memory_space<vmem>>, vector<1x16xf32>,
      %get3A_509 = vector.shape_cast %get3A_508 : vector<1x16xf32> to vector<16xf32>
      %get3A_510 = arith.index_cast %scan3A_505 : i32 to index
      %get3A_511 = arith.constant 0 : index
      %get3A_512 = tpu.vector_load %arg14[%get3A_510, %get3A_511] {strides = array<i32>} : memref<64x128xf32, #tpu.memory_space<vmem>>, vector<1x16xf32>,
      %get3A_513 = vector.shape_cast %get3A_512 : vector<1x16xf32> to vector<16xf32>
      %add3A_514 = arith.addf %get3A_509, %get3A_513 : vector<16xf32>
      %swap3A = arith.index_cast %scan3A_505 : i32 to index
      %swap3A_515 = arith.constant 0 : index
      %swap3A_516 = tpu.vector_load %arg12[%swap3A, %swap3A_515] {strides = array<i32>} : memref<64x128xf32, #tpu.memory_space<vmem>>, vector<1x16xf32>,
      %swap3A_517 = vector.shape_cast %swap3A_516 : vector<1x16xf32> to vector<16xf32>
      %swap3A_518 = vector.shape_cast %add3A_514 : vector<16xf32> to vector<1x16xf32>
      tpu.vector_store %arg12[%swap3A, %swap3A_515], %swap3A_518 {add = true, strides = array<i32>} : memref<64x128xf32, #tpu.memory_space<vmem>>, vector<1x16xf32>,
      %get3A_519 = arith.index_cast %scan3A_505 : i32 to index
      %get3A_520 = arith.constant 16 : index
      %get3A_521 = tpu.vector_load %arg13[%get3A_519, %get3A_520] {strides = array<i32>} : memref<64x128xf32, #tpu.memory_space<vmem>>, vector<1x16xf32>,
      %get3A_522 = vector.shape_cast %get3A_521 : vector<1x16xf32> to vector<16xf32>
      %get3A_523 = arith.index_cast %scan3A_505 : i32 to index
      %get3A_524 = arith.constant 16 : index
      %get3A_525 = tpu.vector_load %arg14[%get3A_523, %get3A_524] {strides = array<i32>} : memref<64x128xf32, #tpu.memory_space<vmem>>, vector<1x16xf32>,
      %get3A_526 = vector.shape_cast %get3A_525 : vector<1x16xf32> to vector<16xf32>
      %add3A_527 = arith.addf %get3A_522, %get3A_526 : vector<16xf32>
      %swap3A_528 = arith.index_cast %scan3A_505 : i32 to index
      %swap3A_529 = arith.constant 16 : index
      %swap3A_530 = tpu.vector_load %arg12[%swap3A_528, %swap3A_529] {strides = array<i32>} : memref<64x128xf32, #tpu.memory_space<vmem>>, vector<1x16xf32>,
      %swap3A_531 = vector.shape_cast %swap3A_530 : vector<1x16xf32> to vector<16xf32>
      %swap3A_532 = vector.shape_cast %add3A_527 : vector<16xf32> to vector<1x16xf32>
      tpu.vector_store %arg12[%swap3A_528, %swap3A_529], %swap3A_532 {add = true, strides = array<i32>} : memref<64x128xf32, #tpu.memory_space<vmem>>, vector<1x16xf32>,
      %get3A_533 = arith.index_cast %scan3A_505 : i32 to index
      %get3A_534 = arith.constant 32 : index
      %get3A_535 = tpu.vector_load %arg13[%get3A_533, %get3A_534] {strides = array<i32>} : memref<64x128xf32, #tpu.memory_space<vmem>>, vector<1x16xf32>,
      %get3A_536 = vector.shape_cast %get3A_535 : vector<1x16xf32> to vector<16xf32>
      %get3A_537 = arith.index_cast %scan3A_505 : i32 to index
      %get3A_538 = arith.constant 32 : index
      %get3A_539 = tpu.vector_load %arg14[%get3A_537, %get3A_538] {strides = array<i32>} : memref<64x128xf32, #tpu.memory_space<vmem>>, vector<1x16xf32>,
      %get3A_540 = vector.shape_cast %get3A_539 : vector<1x16xf32> to vector<16xf32>
      %add3A_541 = arith.addf %get3A_536, %get3A_540 : vector<16xf32>
      %swap3A_542 = arith.index_cast %scan3A_505 : i32 to index
      %swap3A_543 = arith.constant 32 : index
      %swap3A_544 = tpu.vector_load %arg12[%swap3A_542, %swap3A_543] {strides = array<i32>} : memref<64x128xf32, #tpu.memory_space<vmem>>, vector<1x16xf32>,
      %swap3A_545 = vector.shape_cast %swap3A_544 : vector<1x16xf32> to vector<16xf32>
      %swap3A_546 = vector.shape_cast %add3A_541 : vector<16xf32> to vector<1x16xf32>
      tpu.vector_store %arg12[%swap3A_542, %swap3A_543], %swap3A_546 {add = true, strides = array<i32>} : memref<64x128xf32, #tpu.memory_space<vmem>>, vector<1x16xf32>,
      %get3A_547 = arith.index_cast %scan3A_505 : i32 to index
      %get3A_548 = arith.constant 48 : index
      %get3A_549 = tpu.vector_load %arg13[%get3A_547, %get3A_548] {strides = array<i32>} : memref<64x128xf32, #tpu.memory_space<vmem>>, vector<1x16xf32>,
      %get3A_550 = vector.shape_cast %get3A_549 : vector<1x16xf32> to vector<16xf32>
      %get3A_551 = arith.index_cast %scan3A_505 : i32 to index
      %get3A_552 = arith.constant 48 : index
      %get3A_553 = tpu.vector_load %arg14[%get3A_551, %get3A_552] {strides = array<i32>} : memref<64x128xf32, #tpu.memory_space<vmem>>, vector<1x16xf32>,
      %get3A_554 = vector.shape_cast %get3A_553 : vector<1x16xf32> to vector<16xf32>
      %add3A_555 = arith.addf %get3A_550, %get3A_554 : vector<16xf32>
      %swap3A_556 = arith.index_cast %scan3A_505 : i32 to index
      %swap3A_557 = arith.constant 48 : index
      %swap3A_558 = tpu.vector_load %arg12[%swap3A_556, %swap3A_557] {strides = array<i32>} : memref<64x128xf32, #tpu.memory_space<vmem>>, vector<1x16xf32>,
      %swap3A_559 = vector.shape_cast %swap3A_558 : vector<1x16xf32> to vector<16xf32>
      %swap3A_560 = vector.shape_cast %add3A_555 : vector<16xf32> to vector<1x16xf32>
      tpu.vector_store %arg12[%swap3A_556, %swap3A_557], %swap3A_560 {add = true, strides = array<i32>} : memref<64x128xf32, #tpu.memory_space<vmem>>, vector<1x16xf32>,
      %get3A_561 = arith.index_cast %scan3A_505 : i32 to index
      %get3A_562 = arith.constant 64 : index
      %get3A_563 = tpu.vector_load %arg13[%get3A_561, %get3A_562] {strides = array<i32>} : memref<64x128xf32, #tpu.memory_space<vmem>>, vector<1x16xf32>,
      %get3A_564 = vector.shape_cast %get3A_563 : vector<1x16xf32> to vector<16xf32>
      %get3A_565 = arith.index_cast %scan3A_505 : i32 to index
      %get3A_566 = arith.constant 64 : index
      %get3A_567 = tpu.vector_load %arg14[%get3A_565, %get3A_566] {strides = array<i32>} : memref<64x128xf32, #tpu.memory_space<vmem>>, vector<1x16xf32>,
      %get3A_568 = vector.shape_cast %get3A_567 : vector<1x16xf32> to vector<16xf32>
      %add3A_569 = arith.addf %get3A_564, %get3A_568 : vector<16xf32>
      %swap3A_570 = arith.index_cast %scan3A_505 : i32 to index
      %swap3A_571 = arith.constant 64 : index
      %swap3A_572 = tpu.vector_load %arg12[%swap3A_570, %swap3A_571] {strides = array<i32>} : memref<64x128xf32, #tpu.memory_space<vmem>>, vector<1x16xf32>,
      %swap3A_573 = vector.shape_cast %swap3A_572 : vector<1x16xf32> to vector<16xf32>
      %swap3A_574 = vector.shape_cast %add3A_569 : vector<16xf32> to vector<1x16xf32>
      tpu.vector_store %arg12[%swap3A_570, %swap3A_571], %swap3A_574 {add = true, strides = array<i32>} : memref<64x128xf32, #tpu.memory_space<vmem>>, vector<1x16xf32>,
      %get3A_575 = arith.index_cast %scan3A_505 : i32 to index
      %get3A_576 = arith.constant 80 : index
      %get3A_577 = tpu.vector_load %arg13[%get3A_575, %get3A_576] {strides = array<i32>} : memref<64x128xf32, #tpu.memory_space<vmem>>, vector<1x16xf32>,
      %get3A_578 = vector.shape_cast %get3A_577 : vector<1x16xf32> to vector<16xf32>
      %get3A_579 = arith.index_cast %scan3A_505 : i32 to index
      %get3A_580 = arith.constant 80 : index
      %get3A_581 = tpu.vector_load %arg14[%get3A_579, %get3A_580] {strides = array<i32>} : memref<64x128xf32, #tpu.memory_space<vmem>>, vector<1x16xf32>,
      %get3A_582 = vector.shape_cast %get3A_581 : vector<1x16xf32> to vector<16xf32>
      %add3A_583 = arith.addf %get3A_578, %get3A_582 : vector<16xf32>
      %swap3A_584 = arith.index_cast %scan3A_505 : i32 to index
      %swap3A_585 = arith.constant 80 : index
      %swap3A_586 = tpu.vector_load %arg12[%swap3A_584, %swap3A_585] {strides = array<i32>} : memref<64x128xf32, #tpu.memory_space<vmem>>, vector<1x16xf32>,
      %swap3A_587 = vector.shape_cast %swap3A_586 : vector<1x16xf32> to vector<16xf32>
      %swap3A_588 = vector.shape_cast %add3A_583 : vector<16xf32> to vector<1x16xf32>
      tpu.vector_store %arg12[%swap3A_584, %swap3A_585], %swap3A_588 {add = true, strides = array<i32>} : memref<64x128xf32, #tpu.memory_space<vmem>>, vector<1x16xf32>,
      %get3A_589 = arith.index_cast %scan3A_505 : i32 to index
      %get3A_590 = arith.constant 96 : index
      %get3A_591 = tpu.vector_load %arg13[%get3A_589, %get3A_590] {strides = array<i32>} : memref<64x128xf32, #tpu.memory_space<vmem>>, vector<1x16xf32>,
      %get3A_592 = vector.shape_cast %get3A_591 : vector<1x16xf32> to vector<16xf32>
      %get3A_593 = arith.index_cast %scan3A_505 : i32 to index
      %get3A_594 = arith.constant 96 : index
      %get3A_595 = tpu.vector_load %arg14[%get3A_593, %get3A_594] {strides = array<i32>} : memref<64x128xf32, #tpu.memory_space<vmem>>, vector<1x16xf32>,
      %get3A_596 = vector.shape_cast %get3A_595 : vector<1x16xf32> to vector<16xf32>
      %add3A_597 = arith.addf %get3A_592, %get3A_596 : vector<16xf32>
      %swap3A_598 = arith.index_cast %scan3A_505 : i32 to index
      %swap3A_599 = arith.constant 96 : index
      %swap3A_600 = tpu.vector_load %arg12[%swap3A_598, %swap3A_599] {strides = array<i32>} : memref<64x128xf32, #tpu.memory_space<vmem>>, vector<1x16xf32>,
      %swap3A_601 = vector.shape_cast %swap3A_600 : vector<1x16xf32> to vector<16xf32>
      %swap3A_602 = vector.shape_cast %add3A_597 : vector<16xf32> to vector<1x16xf32>
      tpu.vector_store %arg12[%swap3A_598, %swap3A_599], %swap3A_602 {add = true, strides = array<i32>} : memref<64x128xf32, #tpu.memory_space<vmem>>, vector<1x16xf32>,
      %get3A_603 = arith.index_cast %scan3A_505 : i32 to index
      %get3A_604 = arith.constant 112 : index
      %get3A_605 = tpu.vector_load %arg13[%get3A_603, %get3A_604] {strides = array<i32>} : memref<64x128xf32, #tpu.memory_space<vmem>>, vector<1x16xf32>,
      %get3A_606 = vector.shape_cast %get3A_605 : vector<1x16xf32> to vector<16xf32>
      %get3A_607 = arith.index_cast %scan3A_505 : i32 to index
      %get3A_608 = arith.constant 112 : index
      %get3A_609 = tpu.vector_load %arg14[%get3A_607, %get3A_608] {strides = array<i32>} : memref<64x128xf32, #tpu.memory_space<vmem>>, vector<1x16xf32>,
      %get3A_610 = vector.shape_cast %get3A_609 : vector<1x16xf32> to vector<16xf32>
      %add3A_611 = arith.addf %get3A_606, %get3A_610 : vector<16xf32>
      %swap3A_612 = arith.index_cast %scan3A_505 : i32 to index
      %swap3A_613 = arith.constant 112 : index
      %swap3A_614 = tpu.vector_load %arg12[%swap3A_612, %swap3A_613] {strides = array<i32>} : memref<64x128xf32, #tpu.memory_space<vmem>>, vector<1x16xf32>,
      %swap3A_615 = vector.shape_cast %swap3A_614 : vector<1x16xf32> to vector<16xf32>
      %swap3A_616 = vector.shape_cast %add3A_611 : vector<16xf32> to vector<1x16xf32>
      tpu.vector_store %arg12[%swap3A_612, %swap3A_613], %swap3A_616 {add = true, strides = array<i32>} : memref<64x128xf32, #tpu.memory_space<vmem>>, vector<1x16xf32>,
      %scan3A_617 = arith.constant 0 : i32
      scf.yield %scan3A_617 : i32
    }
    %scan3A_274 = arith.constant 64 : i32
    %add3A_275 = arith.constant 128 : i32
    %add3A_276 = arith.addi %mul3A_2, %add3A_275 : i32
    %dma_start3A_277 = arith.constant 0 : i32
    %dma_start3A_278 = tpu.memref_slice %arg8[%add3A_276, %dma_start3A_277] : memref<16384x128xf32, #tpu.memory_space<hbm>> -> memref<64x128xf32, #tpu.memory_space<hbm>>
    %dma_start3A_279 = arith.constant 0 : i32
    %dma_start3A_280 = tpu.memref_slice %arg8[%add3A_276, %dma_start3A_279] : memref<16384x128xf32, #tpu.memory_space<hbm>> -> memref<64x128xf32, #tpu.memory_space<hbm>>
    tpu.enqueue_dma source(%arg12 : memref<64x128xf32, #tpu.memory_space<vmem>>) target(%dma_start3A_280 : memref<64x128xf32, #tpu.memory_space<hbm>>) target_semaphore(%arg24 : memref<!tpu.dma_semaphore, #tpu.memory_space<semaphore_mem>>)
    %dma_wait3A_281 = arith.constant 0 : i32
    %dma_wait3A_282 = tpu.memref_slice %arg8[%add3A_276, %dma_wait3A_281] : memref<16384x128xf32, #tpu.memory_space<hbm>> -> memref<64x128xf32, #tpu.memory_space<hbm>>
    %dma_wait3A_283 = arith.constant 0 : i32
    %dma_wait3A_284 = tpu.memref_slice %arg8[%add3A_276, %dma_wait3A_283] : memref<16384x128xf32, #tpu.memory_space<hbm>> -> memref<64x128xf32, #tpu.memory_space<hbm>>
    tpu.wait_dma2 semaphore(%arg24 : memref<!tpu.dma_semaphore, #tpu.memory_space<semaphore_mem>>) src(%arg12 : memref<64x128xf32, #tpu.memory_space<vmem>>) dst(%dma_wait3A_284 : memref<64x128xf32, #tpu.memory_space<hbm>>)
    %dma_start3A_285 = arith.constant 256 : i32
    %dma_start3A_286 = tpu.memref_slice %arg9[%dma_start3A_285] : memref<512xi32, #tpu.memory_space<vmem>> -> memref<64xi32, #tpu.memory_space<vmem>>
    %dma_start3A_287 = arith.constant 0 : i32
    %dma_start3A_288 = arith.constant 0 : i32
    %dma_start3A_289 = tpu.memref_slice %arg18[%dma_start3A_287, %dma_start3A_288] : memref<1000x128xf32, #tpu.memory_space<vmem_shared>> -> memref<1000x128xf32, #tpu.memory_space<vmem_shared>>
    tpu.enqueue_indirect_dma source(%dma_start3A_289 : memref<1000x128xf32, #tpu.memory_space<vmem_shared>>) target(%arg12 : memref<64x128xf32, #tpu.memory_space<vmem>>) offsets(%dma_start3A_286 : memref<64xi32, #tpu.memory_space<vmem>>) semaphore(%arg22 : memref<!tpu.dma_semaphore, #tpu.memory_space<semaphore_mem>>)
    %dma_start3A_290 = arith.constant 256 : i32
    %dma_start3A_291 = tpu.memref_slice %arg10[%dma_start3A_290] : memref<512xi32, #tpu.memory_space<vmem>> -> memref<64xi32, #tpu.memory_space<vmem>>
    %dma_start3A_292 = arith.constant 0 : i32
    %dma_start3A_293 = arith.constant 0 : i32
    %dma_start3A_294 = tpu.memref_slice %arg19[%dma_start3A_292, %dma_start3A_293] : memref<1000x128xf32, #tpu.memory_space<vmem_shared>> -> memref<1000x128xf32, #tpu.memory_space<vmem_shared>>
    tpu.enqueue_indirect_dma source(%dma_start3A_294 : memref<1000x128xf32, #tpu.memory_space<vmem_shared>>) target(%arg13 : memref<64x128xf32, #tpu.memory_space<vmem>>) offsets(%dma_start3A_291 : memref<64xi32, #tpu.memory_space<vmem>>) semaphore(%arg22 : memref<!tpu.dma_semaphore, #tpu.memory_space<semaphore_mem>>)
    %dma_start3A_295 = arith.constant 256 : i32
    %dma_start3A_296 = tpu.memref_slice %arg11[%dma_start3A_295] : memref<512xi32, #tpu.memory_space<vmem>> -> memref<64xi32, #tpu.memory_space<vmem>>
    %dma_start3A_297 = arith.constant 0 : i32
    %dma_start3A_298 = arith.constant 0 : i32
    %dma_start3A_299 = tpu.memref_slice %arg20[%dma_start3A_297, %dma_start3A_298] : memref<1000x128xf32, #tpu.memory_space<vmem_shared>> -> memref<1000x128xf32, #tpu.memory_space<vmem_shared>>
    tpu.enqueue_indirect_dma source(%dma_start3A_299 : memref<1000x128xf32, #tpu.memory_space<vmem_shared>>) target(%arg14 : memref<64x128xf32, #tpu.memory_space<vmem>>) offsets(%dma_start3A_296 : memref<64xi32, #tpu.memory_space<vmem>>) semaphore(%arg22 : memref<!tpu.dma_semaphore, #tpu.memory_space<semaphore_mem>>)
    %dma_wait3A_300 = arith.constant 192 : i32
    %dma_wait3A_301 = tpu.memref_slice %arg9[%dma_wait3A_300] : memref<512xi32, #tpu.memory_space<vmem>> -> memref<64xi32, #tpu.memory_space<vmem>>
    %dma_wait3A_302 = arith.constant 0 : i32
    %dma_wait3A_303 = arith.constant 0 : i32
    %dma_wait3A_304 = tpu.memref_slice %arg18[%dma_wait3A_302, %dma_wait3A_303] : memref<1000x128xf32, #tpu.memory_space<vmem_shared>> -> memref<1000x128xf32, #tpu.memory_space<vmem_shared>>
    tpu.wait_indirect_dma semaphore(%arg23 : memref<!tpu.dma_semaphore, #tpu.memory_space<semaphore_mem>>) src(%dma_wait3A_304 : memref<1000x128xf32, #tpu.memory_space<vmem_shared>>) dst(%arg15 : memref<64x128xf32, #tpu.memory_space<vmem>>)
    %dma_wait3A_305 = arith.constant 192 : i32
    %dma_wait3A_306 = tpu.memref_slice %arg10[%dma_wait3A_305] : memref<512xi32, #tpu.memory_space<vmem>> -> memref<64xi32, #tpu.memory_space<vmem>>
    %dma_wait3A_307 = arith.constant 0 : i32
    %dma_wait3A_308 = arith.constant 0 : i32
    %dma_wait3A_309 = tpu.memref_slice %arg19[%dma_wait3A_307, %dma_wait3A_308] : memref<1000x128xf32, #tpu.memory_space<vmem_shared>> -> memref<1000x128xf32, #tpu.memory_space<vmem_shared>>
    tpu.wait_indirect_dma semaphore(%arg23 : memref<!tpu.dma_semaphore, #tpu.memory_space<semaphore_mem>>) src(%dma_wait3A_309 : memref<1000x128xf32, #tpu.memory_space<vmem_shared>>) dst(%arg16 : memref<64x128xf32, #tpu.memory_space<vmem>>)
    %dma_wait3A_310 = arith.constant 192 : i32
    %dma_wait3A_311 = tpu.memref_slice %arg11[%dma_wait3A_310] : memref<512xi32, #tpu.memory_space<vmem>> -> memref<64xi32, #tpu.memory_space<vmem>>
    %dma_wait3A_312 = arith.constant 0 : i32
    %dma_wait3A_313 = arith.constant 0 : i32
    %dma_wait3A_314 = tpu.memref_slice %arg20[%dma_wait3A_312, %dma_wait3A_313] : memref<1000x128xf32, #tpu.memory_space<vmem_shared>> -> memref<1000x128xf32, #tpu.memory_space<vmem_shared>>
    tpu.wait_indirect_dma semaphore(%arg23 : memref<!tpu.dma_semaphore, #tpu.memory_space<semaphore_mem>>) src(%dma_wait3A_314 : memref<1000x128xf32, #tpu.memory_space<vmem_shared>>) dst(%arg17 : memref<64x128xf32, #tpu.memory_space<vmem>>)
    %scan3A_315 = arith.constant 0 : i32
    %scan3A_316 = arith.constant 0 : i32
    %scan3A_317 = arith.constant 64 : i32
    %scan3A_318 = arith.addi %scan3A_316, %scan3A_317 : i32
    %scan3A_319 = arith.constant 1 : i32
    %scan3A_320 = scf.for %scan3A_505 = %scan3A_316 to %scan3A_318 step %scan3A_319 iter_args(%scan3A_506 = %scan3A_315) -> (i32)  : i32 {
      %get3A = arith.index_cast %scan3A_505 : i32 to index
      %get3A_507 = arith.constant 0 : index
      %get3A_508 = tpu.vector_load %arg16[%get3A, %get3A_507] {strides = array<i32>} : memref<64x128xf32, #tpu.memory_space<vmem>>, vector<1x16xf32>,
      %get3A_509 = vector.shape_cast %get3A_508 : vector<1x16xf32> to vector<16xf32>
      %get3A_510 = arith.index_cast %scan3A_505 : i32 to index
      %get3A_511 = arith.constant 0 : index
      %get3A_512 = tpu.vector_load %arg17[%get3A_510, %get3A_511] {strides = array<i32>} : memref<64x128xf32, #tpu.memory_space<vmem>>, vector<1x16xf32>,
      %get3A_513 = vector.shape_cast %get3A_512 : vector<1x16xf32> to vector<16xf32>
      %add3A_514 = arith.addf %get3A_509, %get3A_513 : vector<16xf32>
      %swap3A = arith.index_cast %scan3A_505 : i32 to index
      %swap3A_515 = arith.constant 0 : index
      %swap3A_516 = tpu.vector_load %arg15[%swap3A, %swap3A_515] {strides = array<i32>} : memref<64x128xf32, #tpu.memory_space<vmem>>, vector<1x16xf32>,
      %swap3A_517 = vector.shape_cast %swap3A_516 : vector<1x16xf32> to vector<16xf32>
      %swap3A_518 = vector.shape_cast %add3A_514 : vector<16xf32> to vector<1x16xf32>
      tpu.vector_store %arg15[%swap3A, %swap3A_515], %swap3A_518 {add = true, strides = array<i32>} : memref<64x128xf32, #tpu.memory_space<vmem>>, vector<1x16xf32>,
      %get3A_519 = arith.index_cast %scan3A_505 : i32 to index
      %get3A_520 = arith.constant 16 : index
      %get3A_521 = tpu.vector_load %arg16[%get3A_519, %get3A_520] {strides = array<i32>} : memref<64x128xf32, #tpu.memory_space<vmem>>, vector<1x16xf32>,
      %get3A_522 = vector.shape_cast %get3A_521 : vector<1x16xf32> to vector<16xf32>
      %get3A_523 = arith.index_cast %scan3A_505 : i32 to index
      %get3A_524 = arith.constant 16 : index
      %get3A_525 = tpu.vector_load %arg17[%get3A_523, %get3A_524] {strides = array<i32>} : memref<64x128xf32, #tpu.memory_space<vmem>>, vector<1x16xf32>,
      %get3A_526 = vector.shape_cast %get3A_525 : vector<1x16xf32> to vector<16xf32>
      %add3A_527 = arith.addf %get3A_522, %get3A_526 : vector<16xf32>
      %swap3A_528 = arith.index_cast %scan3A_505 : i32 to index
      %swap3A_529 = arith.constant 16 : index
      %swap3A_530 = tpu.vector_load %arg15[%swap3A_528, %swap3A_529] {strides = array<i32>} : memref<64x128xf32, #tpu.memory_space<vmem>>, vector<1x16xf32>,
      %swap3A_531 = vector.shape_cast %swap3A_530 : vector<1x16xf32> to vector<16xf32>
      %swap3A_532 = vector.shape_cast %add3A_527 : vector<16xf32> to vector<1x16xf32>
      tpu.vector_store %arg15[%swap3A_528, %swap3A_529], %swap3A_532 {add = true, strides = array<i32>} : memref<64x128xf32, #tpu.memory_space<vmem>>, vector<1x16xf32>,
      %get3A_533 = arith.index_cast %scan3A_505 : i32 to index
      %get3A_534 = arith.constant 32 : index
      %get3A_535 = tpu.vector_load %arg16[%get3A_533, %get3A_534] {strides = array<i32>} : memref<64x128xf32, #tpu.memory_space<vmem>>, vector<1x16xf32>,
      %get3A_536 = vector.shape_cast %get3A_535 : vector<1x16xf32> to vector<16xf32>
      %get3A_537 = arith.index_cast %scan3A_505 : i32 to index
      %get3A_538 = arith.constant 32 : index
      %get3A_539 = tpu.vector_load %arg17[%get3A_537, %get3A_538] {strides = array<i32>} : memref<64x128xf32, #tpu.memory_space<vmem>>, vector<1x16xf32>,
      %get3A_540 = vector.shape_cast %get3A_539 : vector<1x16xf32> to vector<16xf32>
      %add3A_541 = arith.addf %get3A_536, %get3A_540 : vector<16xf32>
      %swap3A_542 = arith.index_cast %scan3A_505 : i32 to index
      %swap3A_543 = arith.constant 32 : index
      %swap3A_544 = tpu.vector_load %arg15[%swap3A_542, %swap3A_543] {strides = array<i32>} : memref<64x128xf32, #tpu.memory_space<vmem>>, vector<1x16xf32>,
      %swap3A_545 = vector.shape_cast %swap3A_544 : vector<1x16xf32> to vector<16xf32>
      %swap3A_546 = vector.shape_cast %add3A_541 : vector<16xf32> to vector<1x16xf32>
      tpu.vector_store %arg15[%swap3A_542, %swap3A_543], %swap3A_546 {add = true, strides = array<i32>} : memref<64x128xf32, #tpu.memory_space<vmem>>, vector<1x16xf32>,
      %get3A_547 = arith.index_cast %scan3A_505 : i32 to index
      %get3A_548 = arith.constant 48 : index
      %get3A_549 = tpu.vector_load %arg16[%get3A_547, %get3A_548] {strides = array<i32>} : memref<64x128xf32, #tpu.memory_space<vmem>>, vector<1x16xf32>,
      %get3A_550 = vector.shape_cast %get3A_549 : vector<1x16xf32> to vector<16xf32>
      %get3A_551 = arith.index_cast %scan3A_505 : i32 to index
      %get3A_552 = arith.constant 48 : index
      %get3A_553 = tpu.vector_load %arg17[%get3A_551, %get3A_552] {strides = array<i32>} : memref<64x128xf32, #tpu.memory_space<vmem>>, vector<1x16xf32>,
      %get3A_554 = vector.shape_cast %get3A_553 : vector<1x16xf32> to vector<16xf32>
      %add3A_555 = arith.addf %get3A_550, %get3A_554 : vector<16xf32>
      %swap3A_556 = arith.index_cast %scan3A_505 : i32 to index
      %swap3A_557 = arith.constant 48 : index
      %swap3A_558 = tpu.vector_load %arg15[%swap3A_556, %swap3A_557] {strides = array<i32>} : memref<64x128xf32, #tpu.memory_space<vmem>>, vector<1x16xf32>,
      %swap3A_559 = vector.shape_cast %swap3A_558 : vector<1x16xf32> to vector<16xf32>
      %swap3A_560 = vector.shape_cast %add3A_555 : vector<16xf32> to vector<1x16xf32>
      tpu.vector_store %arg15[%swap3A_556, %swap3A_557], %swap3A_560 {add = true, strides = array<i32>} : memref<64x128xf32, #tpu.memory_space<vmem>>, vector<1x16xf32>,
      %get3A_561 = arith.index_cast %scan3A_505 : i32 to index
      %get3A_562 = arith.constant 64 : index
      %get3A_563 = tpu.vector_load %arg16[%get3A_561, %get3A_562] {strides = array<i32>} : memref<64x128xf32, #tpu.memory_space<vmem>>, vector<1x16xf32>,
      %get3A_564 = vector.shape_cast %get3A_563 : vector<1x16xf32> to vector<16xf32>
      %get3A_565 = arith.index_cast %scan3A_505 : i32 to index
      %get3A_566 = arith.constant 64 : index
      %get3A_567 = tpu.vector_load %arg17[%get3A_565, %get3A_566] {strides = array<i32>} : memref<64x128xf32, #tpu.memory_space<vmem>>, vector<1x16xf32>,
      %get3A_568 = vector.shape_cast %get3A_567 : vector<1x16xf32> to vector<16xf32>
      %add3A_569 = arith.addf %get3A_564, %get3A_568 : vector<16xf32>
      %swap3A_570 = arith.index_cast %scan3A_505 : i32 to index
      %swap3A_571 = arith.constant 64 : index
      %swap3A_572 = tpu.vector_load %arg15[%swap3A_570, %swap3A_571] {strides = array<i32>} : memref<64x128xf32, #tpu.memory_space<vmem>>, vector<1x16xf32>,
      %swap3A_573 = vector.shape_cast %swap3A_572 : vector<1x16xf32> to vector<16xf32>
      %swap3A_574 = vector.shape_cast %add3A_569 : vector<16xf32> to vector<1x16xf32>
      tpu.vector_store %arg15[%swap3A_570, %swap3A_571], %swap3A_574 {add = true, strides = array<i32>} : memref<64x128xf32, #tpu.memory_space<vmem>>, vector<1x16xf32>,
      %get3A_575 = arith.index_cast %scan3A_505 : i32 to index
      %get3A_576 = arith.constant 80 : index
      %get3A_577 = tpu.vector_load %arg16[%get3A_575, %get3A_576] {strides = array<i32>} : memref<64x128xf32, #tpu.memory_space<vmem>>, vector<1x16xf32>,
      %get3A_578 = vector.shape_cast %get3A_577 : vector<1x16xf32> to vector<16xf32>
      %get3A_579 = arith.index_cast %scan3A_505 : i32 to index
      %get3A_580 = arith.constant 80 : index
      %get3A_581 = tpu.vector_load %arg17[%get3A_579, %get3A_580] {strides = array<i32>} : memref<64x128xf32, #tpu.memory_space<vmem>>, vector<1x16xf32>,
      %get3A_582 = vector.shape_cast %get3A_581 : vector<1x16xf32> to vector<16xf32>
      %add3A_583 = arith.addf %get3A_578, %get3A_582 : vector<16xf32>
      %swap3A_584 = arith.index_cast %scan3A_505 : i32 to index
      %swap3A_585 = arith.constant 80 : index
      %swap3A_586 = tpu.vector_load %arg15[%swap3A_584, %swap3A_585] {strides = array<i32>} : memref<64x128xf32, #tpu.memory_space<vmem>>, vector<1x16xf32>,
      %swap3A_587 = vector.shape_cast %swap3A_586 : vector<1x16xf32> to vector<16xf32>
      %swap3A_588 = vector.shape_cast %add3A_583 : vector<16xf32> to vector<1x16xf32>
      tpu.vector_store %arg15[%swap3A_584, %swap3A_585], %swap3A_588 {add = true, strides = array<i32>} : memref<64x128xf32, #tpu.memory_space<vmem>>, vector<1x16xf32>,
      %get3A_589 = arith.index_cast %scan3A_505 : i32 to index
      %get3A_590 = arith.constant 96 : index
      %get3A_591 = tpu.vector_load %arg16[%get3A_589, %get3A_590] {strides = array<i32>} : memref<64x128xf32, #tpu.memory_space<vmem>>, vector<1x16xf32>,
      %get3A_592 = vector.shape_cast %get3A_591 : vector<1x16xf32> to vector<16xf32>
      %get3A_593 = arith.index_cast %scan3A_505 : i32 to index
      %get3A_594 = arith.constant 96 : index
      %get3A_595 = tpu.vector_load %arg17[%get3A_593, %get3A_594] {strides = array<i32>} : memref<64x128xf32, #tpu.memory_space<vmem>>, vector<1x16xf32>,
      %get3A_596 = vector.shape_cast %get3A_595 : vector<1x16xf32> to vector<16xf32>
      %add3A_597 = arith.addf %get3A_592, %get3A_596 : vector<16xf32>
      %swap3A_598 = arith.index_cast %scan3A_505 : i32 to index
      %swap3A_599 = arith.constant 96 : index
      %swap3A_600 = tpu.vector_load %arg15[%swap3A_598, %swap3A_599] {strides = array<i32>} : memref<64x128xf32, #tpu.memory_space<vmem>>, vector<1x16xf32>,
      %swap3A_601 = vector.shape_cast %swap3A_600 : vector<1x16xf32> to vector<16xf32>
      %swap3A_602 = vector.shape_cast %add3A_597 : vector<16xf32> to vector<1x16xf32>
      tpu.vector_store %arg15[%swap3A_598, %swap3A_599], %swap3A_602 {add = true, strides = array<i32>} : memref<64x128xf32, #tpu.memory_space<vmem>>, vector<1x16xf32>,
      %get3A_603 = arith.index_cast %scan3A_505 : i32 to index
      %get3A_604 = arith.constant 112 : index
      %get3A_605 = tpu.vector_load %arg16[%get3A_603, %get3A_604] {strides = array<i32>} : memref<64x128xf32, #tpu.memory_space<vmem>>, vector<1x16xf32>,
      %get3A_606 = vector.shape_cast %get3A_605 : vector<1x16xf32> to vector<16xf32>
      %get3A_607 = arith.index_cast %scan3A_505 : i32 to index
      %get3A_608 = arith.constant 112 : index
      %get3A_609 = tpu.vector_load %arg17[%get3A_607, %get3A_608] {strides = array<i32>} : memref<64x128xf32, #tpu.memory_space<vmem>>, vector<1x16xf32>,
      %get3A_610 = vector.shape_cast %get3A_609 : vector<1x16xf32> to vector<16xf32>
      %add3A_611 = arith.addf %get3A_606, %get3A_610 : vector<16xf32>
      %swap3A_612 = arith.index_cast %scan3A_505 : i32 to index
      %swap3A_613 = arith.constant 112 : index
      %swap3A_614 = tpu.vector_load %arg15[%swap3A_612, %swap3A_613] {strides = array<i32>} : memref<64x128xf32, #tpu.memory_space<vmem>>, vector<1x16xf32>,
      %swap3A_615 = vector.shape_cast %swap3A_614 : vector<1x16xf32> to vector<16xf32>
      %swap3A_616 = vector.shape_cast %add3A_611 : vector<16xf32> to vector<1x16xf32>
      tpu.vector_store %arg15[%swap3A_612, %swap3A_613], %swap3A_616 {add = true, strides = array<i32>} : memref<64x128xf32, #tpu.memory_space<vmem>>, vector<1x16xf32>,
      %scan3A_617 = arith.constant 0 : i32
      scf.yield %scan3A_617 : i32
    }
    %scan3A_321 = arith.constant 64 : i32
    %add3A_322 = arith.constant 192 : i32
    %add3A_323 = arith.addi %mul3A_2, %add3A_322 : i32
    %dma_start3A_324 = arith.constant 0 : i32
    %dma_start3A_325 = tpu.memref_slice %arg8[%add3A_323, %dma_start3A_324] : memref<16384x128xf32, #tpu.memory_space<hbm>> -> memref<64x128xf32, #tpu.memory_space<hbm>>
    %dma_start3A_326 = arith.constant 0 : i32
    %dma_start3A_327 = tpu.memref_slice %arg8[%add3A_323, %dma_start3A_326] : memref<16384x128xf32, #tpu.memory_space<hbm>> -> memref<64x128xf32, #tpu.memory_space<hbm>>
    tpu.enqueue_dma source(%arg15 : memref<64x128xf32, #tpu.memory_space<vmem>>) target(%dma_start3A_327 : memref<64x128xf32, #tpu.memory_space<hbm>>) target_semaphore(%arg24 : memref<!tpu.dma_semaphore, #tpu.memory_space<semaphore_mem>>)
    %dma_wait3A_328 = arith.constant 0 : i32
    %dma_wait3A_329 = tpu.memref_slice %arg8[%add3A_323, %dma_wait3A_328] : memref<16384x128xf32, #tpu.memory_space<hbm>> -> memref<64x128xf32, #tpu.memory_space<hbm>>
    %dma_wait3A_330 = arith.constant 0 : i32
    %dma_wait3A_331 = tpu.memref_slice %arg8[%add3A_323, %dma_wait3A_330] : memref<16384x128xf32, #tpu.memory_space<hbm>> -> memref<64x128xf32, #tpu.memory_space<hbm>>
    tpu.wait_dma2 semaphore(%arg24 : memref<!tpu.dma_semaphore, #tpu.memory_space<semaphore_mem>>) src(%arg15 : memref<64x128xf32, #tpu.memory_space<vmem>>) dst(%dma_wait3A_331 : memref<64x128xf32, #tpu.memory_space<hbm>>)
    %dma_start3A_332 = arith.constant 320 : i32
    %dma_start3A_333 = tpu.memref_slice %arg9[%dma_start3A_332] : memref<512xi32, #tpu.memory_space<vmem>> -> memref<64xi32, #tpu.memory_space<vmem>>
    %dma_start3A_334 = arith.constant 0 : i32
    %dma_start3A_335 = arith.constant 0 : i32
    %dma_start3A_336 = tpu.memref_slice %arg18[%dma_start3A_334, %dma_start3A_335] : memref<1000x128xf32, #tpu.memory_space<vmem_shared>> -> memref<1000x128xf32, #tpu.memory_space<vmem_shared>>
    tpu.enqueue_indirect_dma source(%dma_start3A_336 : memref<1000x128xf32, #tpu.memory_space<vmem_shared>>) target(%arg15 : memref<64x128xf32, #tpu.memory_space<vmem>>) offsets(%dma_start3A_333 : memref<64xi32, #tpu.memory_space<vmem>>) semaphore(%arg23 : memref<!tpu.dma_semaphore, #tpu.memory_space<semaphore_mem>>)
    %dma_start3A_337 = arith.constant 320 : i32
    %dma_start3A_338 = tpu.memref_slice %arg10[%dma_start3A_337] : memref<512xi32, #tpu.memory_space<vmem>> -> memref<64xi32, #tpu.memory_space<vmem>>
    %dma_start3A_339 = arith.constant 0 : i32
    %dma_start3A_340 = arith.constant 0 : i32
    %dma_start3A_341 = tpu.memref_slice %arg19[%dma_start3A_339, %dma_start3A_340] : memref<1000x128xf32, #tpu.memory_space<vmem_shared>> -> memref<1000x128xf32, #tpu.memory_space<vmem_shared>>
    tpu.enqueue_indirect_dma source(%dma_start3A_341 : memref<1000x128xf32, #tpu.memory_space<vmem_shared>>) target(%arg16 : memref<64x128xf32, #tpu.memory_space<vmem>>) offsets(%dma_start3A_338 : memref<64xi32, #tpu.memory_space<vmem>>) semaphore(%arg23 : memref<!tpu.dma_semaphore, #tpu.memory_space<semaphore_mem>>)
    %dma_start3A_342 = arith.constant 320 : i32
    %dma_start3A_343 = tpu.memref_slice %arg11[%dma_start3A_342] : memref<512xi32, #tpu.memory_space<vmem>> -> memref<64xi32, #tpu.memory_space<vmem>>
    %dma_start3A_344 = arith.constant 0 : i32
    %dma_start3A_345 = arith.constant 0 : i32
    %dma_start3A_346 = tpu.memref_slice %arg20[%dma_start3A_344, %dma_start3A_345] : memref<1000x128xf32, #tpu.memory_space<vmem_shared>> -> memref<1000x128xf32, #tpu.memory_space<vmem_shared>>
    tpu.enqueue_indirect_dma source(%dma_start3A_346 : memref<1000x128xf32, #tpu.memory_space<vmem_shared>>) target(%arg17 : memref<64x128xf32, #tpu.memory_space<vmem>>) offsets(%dma_start3A_343 : memref<64xi32, #tpu.memory_space<vmem>>) semaphore(%arg23 : memref<!tpu.dma_semaphore, #tpu.memory_space<semaphore_mem>>)
    %dma_wait3A_347 = arith.constant 256 : i32
    %dma_wait3A_348 = tpu.memref_slice %arg9[%dma_wait3A_347] : memref<512xi32, #tpu.memory_space<vmem>> -> memref<64xi32, #tpu.memory_space<vmem>>
    %dma_wait3A_349 = arith.constant 0 : i32
    %dma_wait3A_350 = arith.constant 0 : i32
    %dma_wait3A_351 = tpu.memref_slice %arg18[%dma_wait3A_349, %dma_wait3A_350] : memref<1000x128xf32, #tpu.memory_space<vmem_shared>> -> memref<1000x128xf32, #tpu.memory_space<vmem_shared>>
    tpu.wait_indirect_dma semaphore(%arg22 : memref<!tpu.dma_semaphore, #tpu.memory_space<semaphore_mem>>) src(%dma_wait3A_351 : memref<1000x128xf32, #tpu.memory_space<vmem_shared>>) dst(%arg12 : memref<64x128xf32, #tpu.memory_space<vmem>>)
    %dma_wait3A_352 = arith.constant 256 : i32
    %dma_wait3A_353 = tpu.memref_slice %arg10[%dma_wait3A_352] : memref<512xi32, #tpu.memory_space<vmem>> -> memref<64xi32, #tpu.memory_space<vmem>>
    %dma_wait3A_354 = arith.constant 0 : i32
    %dma_wait3A_355 = arith.constant 0 : i32
    %dma_wait3A_356 = tpu.memref_slice %arg19[%dma_wait3A_354, %dma_wait3A_355] : memref<1000x128xf32, #tpu.memory_space<vmem_shared>> -> memref<1000x128xf32, #tpu.memory_space<vmem_shared>>
    tpu.wait_indirect_dma semaphore(%arg22 : memref<!tpu.dma_semaphore, #tpu.memory_space<semaphore_mem>>) src(%dma_wait3A_356 : memref<1000x128xf32, #tpu.memory_space<vmem_shared>>) dst(%arg13 : memref<64x128xf32, #tpu.memory_space<vmem>>)
    %dma_wait3A_357 = arith.constant 256 : i32
    %dma_wait3A_358 = tpu.memref_slice %arg11[%dma_wait3A_357] : memref<512xi32, #tpu.memory_space<vmem>> -> memref<64xi32, #tpu.memory_space<vmem>>
    %dma_wait3A_359 = arith.constant 0 : i32
    %dma_wait3A_360 = arith.constant 0 : i32
    %dma_wait3A_361 = tpu.memref_slice %arg20[%dma_wait3A_359, %dma_wait3A_360] : memref<1000x128xf32, #tpu.memory_space<vmem_shared>> -> memref<1000x128xf32, #tpu.memory_space<vmem_shared>>
    tpu.wait_indirect_dma semaphore(%arg22 : memref<!tpu.dma_semaphore, #tpu.memory_space<semaphore_mem>>) src(%dma_wait3A_361 : memref<1000x128xf32, #tpu.memory_space<vmem_shared>>) dst(%arg14 : memref<64x128xf32, #tpu.memory_space<vmem>>)
    %scan3A_362 = arith.constant 0 : i32
    %scan3A_363 = arith.constant 0 : i32
    %scan3A_364 = arith.constant 64 : i32
    %scan3A_365 = arith.addi %scan3A_363, %scan3A_364 : i32
    %scan3A_366 = arith.constant 1 : i32
    %scan3A_367 = scf.for %scan3A_505 = %scan3A_363 to %scan3A_365 step %scan3A_366 iter_args(%scan3A_506 = %scan3A_362) -> (i32)  : i32 {
      %get3A = arith.index_cast %scan3A_505 : i32 to index
      %get3A_507 = arith.constant 0 : index
      %get3A_508 = tpu.vector_load %arg13[%get3A, %get3A_507] {strides = array<i32>} : memref<64x128xf32, #tpu.memory_space<vmem>>, vector<1x16xf32>,
      %get3A_509 = vector.shape_cast %get3A_508 : vector<1x16xf32> to vector<16xf32>
      %get3A_510 = arith.index_cast %scan3A_505 : i32 to index
      %get3A_511 = arith.constant 0 : index
      %get3A_512 = tpu.vector_load %arg14[%get3A_510, %get3A_511] {strides = array<i32>} : memref<64x128xf32, #tpu.memory_space<vmem>>, vector<1x16xf32>,
      %get3A_513 = vector.shape_cast %get3A_512 : vector<1x16xf32> to vector<16xf32>
      %add3A_514 = arith.addf %get3A_509, %get3A_513 : vector<16xf32>
      %swap3A = arith.index_cast %scan3A_505 : i32 to index
      %swap3A_515 = arith.constant 0 : index
      %swap3A_516 = tpu.vector_load %arg12[%swap3A, %swap3A_515] {strides = array<i32>} : memref<64x128xf32, #tpu.memory_space<vmem>>, vector<1x16xf32>,
      %swap3A_517 = vector.shape_cast %swap3A_516 : vector<1x16xf32> to vector<16xf32>
      %swap3A_518 = vector.shape_cast %add3A_514 : vector<16xf32> to vector<1x16xf32>
      tpu.vector_store %arg12[%swap3A, %swap3A_515], %swap3A_518 {add = true, strides = array<i32>} : memref<64x128xf32, #tpu.memory_space<vmem>>, vector<1x16xf32>,
      %get3A_519 = arith.index_cast %scan3A_505 : i32 to index
      %get3A_520 = arith.constant 16 : index
      %get3A_521 = tpu.vector_load %arg13[%get3A_519, %get3A_520] {strides = array<i32>} : memref<64x128xf32, #tpu.memory_space<vmem>>, vector<1x16xf32>,
      %get3A_522 = vector.shape_cast %get3A_521 : vector<1x16xf32> to vector<16xf32>
      %get3A_523 = arith.index_cast %scan3A_505 : i32 to index
      %get3A_524 = arith.constant 16 : index
      %get3A_525 = tpu.vector_load %arg14[%get3A_523, %get3A_524] {strides = array<i32>} : memref<64x128xf32, #tpu.memory_space<vmem>>, vector<1x16xf32>,
      %get3A_526 = vector.shape_cast %get3A_525 : vector<1x16xf32> to vector<16xf32>
      %add3A_527 = arith.addf %get3A_522, %get3A_526 : vector<16xf32>
      %swap3A_528 = arith.index_cast %scan3A_505 : i32 to index
      %swap3A_529 = arith.constant 16 : index
      %swap3A_530 = tpu.vector_load %arg12[%swap3A_528, %swap3A_529] {strides = array<i32>} : memref<64x128xf32, #tpu.memory_space<vmem>>, vector<1x16xf32>,
      %swap3A_531 = vector.shape_cast %swap3A_530 : vector<1x16xf32> to vector<16xf32>
      %swap3A_532 = vector.shape_cast %add3A_527 : vector<16xf32> to vector<1x16xf32>
      tpu.vector_store %arg12[%swap3A_528, %swap3A_529], %swap3A_532 {add = true, strides = array<i32>} : memref<64x128xf32, #tpu.memory_space<vmem>>, vector<1x16xf32>,
      %get3A_533 = arith.index_cast %scan3A_505 : i32 to index
      %get3A_534 = arith.constant 32 : index
      %get3A_535 = tpu.vector_load %arg13[%get3A_533, %get3A_534] {strides = array<i32>} : memref<64x128xf32, #tpu.memory_space<vmem>>, vector<1x16xf32>,
      %get3A_536 = vector.shape_cast %get3A_535 : vector<1x16xf32> to vector<16xf32>
      %get3A_537 = arith.index_cast %scan3A_505 : i32 to index
      %get3A_538 = arith.constant 32 : index
      %get3A_539 = tpu.vector_load %arg14[%get3A_537, %get3A_538] {strides = array<i32>} : memref<64x128xf32, #tpu.memory_space<vmem>>, vector<1x16xf32>,
      %get3A_540 = vector.shape_cast %get3A_539 : vector<1x16xf32> to vector<16xf32>
      %add3A_541 = arith.addf %get3A_536, %get3A_540 : vector<16xf32>
      %swap3A_542 = arith.index_cast %scan3A_505 : i32 to index
      %swap3A_543 = arith.constant 32 : index
      %swap3A_544 = tpu.vector_load %arg12[%swap3A_542, %swap3A_543] {strides = array<i32>} : memref<64x128xf32, #tpu.memory_space<vmem>>, vector<1x16xf32>,
      %swap3A_545 = vector.shape_cast %swap3A_544 : vector<1x16xf32> to vector<16xf32>
      %swap3A_546 = vector.shape_cast %add3A_541 : vector<16xf32> to vector<1x16xf32>
      tpu.vector_store %arg12[%swap3A_542, %swap3A_543], %swap3A_546 {add = true, strides = array<i32>} : memref<64x128xf32, #tpu.memory_space<vmem>>, vector<1x16xf32>,
      %get3A_547 = arith.index_cast %scan3A_505 : i32 to index
      %get3A_548 = arith.constant 48 : index
      %get3A_549 = tpu.vector_load %arg13[%get3A_547, %get3A_548] {strides = array<i32>} : memref<64x128xf32, #tpu.memory_space<vmem>>, vector<1x16xf32>,
      %get3A_550 = vector.shape_cast %get3A_549 : vector<1x16xf32> to vector<16xf32>
      %get3A_551 = arith.index_cast %scan3A_505 : i32 to index
      %get3A_552 = arith.constant 48 : index
      %get3A_553 = tpu.vector_load %arg14[%get3A_551, %get3A_552] {strides = array<i32>} : memref<64x128xf32, #tpu.memory_space<vmem>>, vector<1x16xf32>,
      %get3A_554 = vector.shape_cast %get3A_553 : vector<1x16xf32> to vector<16xf32>
      %add3A_555 = arith.addf %get3A_550, %get3A_554 : vector<16xf32>
      %swap3A_556 = arith.index_cast %scan3A_505 : i32 to index
      %swap3A_557 = arith.constant 48 : index
      %swap3A_558 = tpu.vector_load %arg12[%swap3A_556, %swap3A_557] {strides = array<i32>} : memref<64x128xf32, #tpu.memory_space<vmem>>, vector<1x16xf32>,
      %swap3A_559 = vector.shape_cast %swap3A_558 : vector<1x16xf32> to vector<16xf32>
      %swap3A_560 = vector.shape_cast %add3A_555 : vector<16xf32> to vector<1x16xf32>
      tpu.vector_store %arg12[%swap3A_556, %swap3A_557], %swap3A_560 {add = true, strides = array<i32>} : memref<64x128xf32, #tpu.memory_space<vmem>>, vector<1x16xf32>,
      %get3A_561 = arith.index_cast %scan3A_505 : i32 to index
      %get3A_562 = arith.constant 64 : index
      %get3A_563 = tpu.vector_load %arg13[%get3A_561, %get3A_562] {strides = array<i32>} : memref<64x128xf32, #tpu.memory_space<vmem>>, vector<1x16xf32>,
      %get3A_564 = vector.shape_cast %get3A_563 : vector<1x16xf32> to vector<16xf32>
      %get3A_565 = arith.index_cast %scan3A_505 : i32 to index
      %get3A_566 = arith.constant 64 : index
      %get3A_567 = tpu.vector_load %arg14[%get3A_565, %get3A_566] {strides = array<i32>} : memref<64x128xf32, #tpu.memory_space<vmem>>, vector<1x16xf32>,
      %get3A_568 = vector.shape_cast %get3A_567 : vector<1x16xf32> to vector<16xf32>
      %add3A_569 = arith.addf %get3A_564, %get3A_568 : vector<16xf32>
      %swap3A_570 = arith.index_cast %scan3A_505 : i32 to index
      %swap3A_571 = arith.constant 64 : index
      %swap3A_572 = tpu.vector_load %arg12[%swap3A_570, %swap3A_571] {strides = array<i32>} : memref<64x128xf32, #tpu.memory_space<vmem>>, vector<1x16xf32>,
      %swap3A_573 = vector.shape_cast %swap3A_572 : vector<1x16xf32> to vector<16xf32>
      %swap3A_574 = vector.shape_cast %add3A_569 : vector<16xf32> to vector<1x16xf32>
      tpu.vector_store %arg12[%swap3A_570, %swap3A_571], %swap3A_574 {add = true, strides = array<i32>} : memref<64x128xf32, #tpu.memory_space<vmem>>, vector<1x16xf32>,
      %get3A_575 = arith.index_cast %scan3A_505 : i32 to index
      %get3A_576 = arith.constant 80 : index
      %get3A_577 = tpu.vector_load %arg13[%get3A_575, %get3A_576] {strides = array<i32>} : memref<64x128xf32, #tpu.memory_space<vmem>>, vector<1x16xf32>,
      %get3A_578 = vector.shape_cast %get3A_577 : vector<1x16xf32> to vector<16xf32>
      %get3A_579 = arith.index_cast %scan3A_505 : i32 to index
      %get3A_580 = arith.constant 80 : index
      %get3A_581 = tpu.vector_load %arg14[%get3A_579, %get3A_580] {strides = array<i32>} : memref<64x128xf32, #tpu.memory_space<vmem>>, vector<1x16xf32>,
      %get3A_582 = vector.shape_cast %get3A_581 : vector<1x16xf32> to vector<16xf32>
      %add3A_583 = arith.addf %get3A_578, %get3A_582 : vector<16xf32>
      %swap3A_584 = arith.index_cast %scan3A_505 : i32 to index
      %swap3A_585 = arith.constant 80 : index
      %swap3A_586 = tpu.vector_load %arg12[%swap3A_584, %swap3A_585] {strides = array<i32>} : memref<64x128xf32, #tpu.memory_space<vmem>>, vector<1x16xf32>,
      %swap3A_587 = vector.shape_cast %swap3A_586 : vector<1x16xf32> to vector<16xf32>
      %swap3A_588 = vector.shape_cast %add3A_583 : vector<16xf32> to vector<1x16xf32>
      tpu.vector_store %arg12[%swap3A_584, %swap3A_585], %swap3A_588 {add = true, strides = array<i32>} : memref<64x128xf32, #tpu.memory_space<vmem>>, vector<1x16xf32>,
      %get3A_589 = arith.index_cast %scan3A_505 : i32 to index
      %get3A_590 = arith.constant 96 : index
      %get3A_591 = tpu.vector_load %arg13[%get3A_589, %get3A_590] {strides = array<i32>} : memref<64x128xf32, #tpu.memory_space<vmem>>, vector<1x16xf32>,
      %get3A_592 = vector.shape_cast %get3A_591 : vector<1x16xf32> to vector<16xf32>
      %get3A_593 = arith.index_cast %scan3A_505 : i32 to index
      %get3A_594 = arith.constant 96 : index
      %get3A_595 = tpu.vector_load %arg14[%get3A_593, %get3A_594] {strides = array<i32>} : memref<64x128xf32, #tpu.memory_space<vmem>>, vector<1x16xf32>,
      %get3A_596 = vector.shape_cast %get3A_595 : vector<1x16xf32> to vector<16xf32>
      %add3A_597 = arith.addf %get3A_592, %get3A_596 : vector<16xf32>
      %swap3A_598 = arith.index_cast %scan3A_505 : i32 to index
      %swap3A_599 = arith.constant 96 : index
      %swap3A_600 = tpu.vector_load %arg12[%swap3A_598, %swap3A_599] {strides = array<i32>} : memref<64x128xf32, #tpu.memory_space<vmem>>, vector<1x16xf32>,
      %swap3A_601 = vector.shape_cast %swap3A_600 : vector<1x16xf32> to vector<16xf32>
      %swap3A_602 = vector.shape_cast %add3A_597 : vector<16xf32> to vector<1x16xf32>
      tpu.vector_store %arg12[%swap3A_598, %swap3A_599], %swap3A_602 {add = true, strides = array<i32>} : memref<64x128xf32, #tpu.memory_space<vmem>>, vector<1x16xf32>,
      %get3A_603 = arith.index_cast %scan3A_505 : i32 to index
      %get3A_604 = arith.constant 112 : index
      %get3A_605 = tpu.vector_load %arg13[%get3A_603, %get3A_604] {strides = array<i32>} : memref<64x128xf32, #tpu.memory_space<vmem>>, vector<1x16xf32>,
      %get3A_606 = vector.shape_cast %get3A_605 : vector<1x16xf32> to vector<16xf32>
      %get3A_607 = arith.index_cast %scan3A_505 : i32 to index
      %get3A_608 = arith.constant 112 : index
      %get3A_609 = tpu.vector_load %arg14[%get3A_607, %get3A_608] {strides = array<i32>} : memref<64x128xf32, #tpu.memory_space<vmem>>, vector<1x16xf32>,
      %get3A_610 = vector.shape_cast %get3A_609 : vector<1x16xf32> to vector<16xf32>
      %add3A_611 = arith.addf %get3A_606, %get3A_610 : vector<16xf32>
      %swap3A_612 = arith.index_cast %scan3A_505 : i32 to index
      %swap3A_613 = arith.constant 112 : index
      %swap3A_614 = tpu.vector_load %arg12[%swap3A_612, %swap3A_613] {strides = array<i32>} : memref<64x128xf32, #tpu.memory_space<vmem>>, vector<1x16xf32>,
      %swap3A_615 = vector.shape_cast %swap3A_614 : vector<1x16xf32> to vector<16xf32>
      %swap3A_616 = vector.shape_cast %add3A_611 : vector<16xf32> to vector<1x16xf32>
      tpu.vector_store %arg12[%swap3A_612, %swap3A_613], %swap3A_616 {add = true, strides = array<i32>} : memref<64x128xf32, #tpu.memory_space<vmem>>, vector<1x16xf32>,
      %scan3A_617 = arith.constant 0 : i32
      scf.yield %scan3A_617 : i32
    }
    %scan3A_368 = arith.constant 64 : i32
    %add3A_369 = arith.constant 256 : i32
    %add3A_370 = arith.addi %mul3A_2, %add3A_369 : i32
    %dma_start3A_371 = arith.constant 0 : i32
    %dma_start3A_372 = tpu.memref_slice %arg8[%add3A_370, %dma_start3A_371] : memref<16384x128xf32, #tpu.memory_space<hbm>> -> memref<64x128xf32, #tpu.memory_space<hbm>>
    %dma_start3A_373 = arith.constant 0 : i32
    %dma_start3A_374 = tpu.memref_slice %arg8[%add3A_370, %dma_start3A_373] : memref<16384x128xf32, #tpu.memory_space<hbm>> -> memref<64x128xf32, #tpu.memory_space<hbm>>
    tpu.enqueue_dma source(%arg12 : memref<64x128xf32, #tpu.memory_space<vmem>>) target(%dma_start3A_374 : memref<64x128xf32, #tpu.memory_space<hbm>>) target_semaphore(%arg24 : memref<!tpu.dma_semaphore, #tpu.memory_space<semaphore_mem>>)
    %dma_wait3A_375 = arith.constant 0 : i32
    %dma_wait3A_376 = tpu.memref_slice %arg8[%add3A_370, %dma_wait3A_375] : memref<16384x128xf32, #tpu.memory_space<hbm>> -> memref<64x128xf32, #tpu.memory_space<hbm>>
    %dma_wait3A_377 = arith.constant 0 : i32
    %dma_wait3A_378 = tpu.memref_slice %arg8[%add3A_370, %dma_wait3A_377] : memref<16384x128xf32, #tpu.memory_space<hbm>> -> memref<64x128xf32, #tpu.memory_space<hbm>>
    tpu.wait_dma2 semaphore(%arg24 : memref<!tpu.dma_semaphore, #tpu.memory_space<semaphore_mem>>) src(%arg12 : memref<64x128xf32, #tpu.memory_space<vmem>>) dst(%dma_wait3A_378 : memref<64x128xf32, #tpu.memory_space<hbm>>)
    %dma_start3A_379 = arith.constant 384 : i32
    %dma_start3A_380 = tpu.memref_slice %arg9[%dma_start3A_379] : memref<512xi32, #tpu.memory_space<vmem>> -> memref<64xi32, #tpu.memory_space<vmem>>
    %dma_start3A_381 = arith.constant 0 : i32
    %dma_start3A_382 = arith.constant 0 : i32
    %dma_start3A_383 = tpu.memref_slice %arg18[%dma_start3A_381, %dma_start3A_382] : memref<1000x128xf32, #tpu.memory_space<vmem_shared>> -> memref<1000x128xf32, #tpu.memory_space<vmem_shared>>
    tpu.enqueue_indirect_dma source(%dma_start3A_383 : memref<1000x128xf32, #tpu.memory_space<vmem_shared>>) target(%arg12 : memref<64x128xf32, #tpu.memory_space<vmem>>) offsets(%dma_start3A_380 : memref<64xi32, #tpu.memory_space<vmem>>) semaphore(%arg22 : memref<!tpu.dma_semaphore, #tpu.memory_space<semaphore_mem>>)
    %dma_start3A_384 = arith.constant 384 : i32
    %dma_start3A_385 = tpu.memref_slice %arg10[%dma_start3A_384] : memref<512xi32, #tpu.memory_space<vmem>> -> memref<64xi32, #tpu.memory_space<vmem>>
    %dma_start3A_386 = arith.constant 0 : i32
    %dma_start3A_387 = arith.constant 0 : i32
    %dma_start3A_388 = tpu.memref_slice %arg19[%dma_start3A_386, %dma_start3A_387] : memref<1000x128xf32, #tpu.memory_space<vmem_shared>> -> memref<1000x128xf32, #tpu.memory_space<vmem_shared>>
    tpu.enqueue_indirect_dma source(%dma_start3A_388 : memref<1000x128xf32, #tpu.memory_space<vmem_shared>>) target(%arg13 : memref<64x128xf32, #tpu.memory_space<vmem>>) offsets(%dma_start3A_385 : memref<64xi32, #tpu.memory_space<vmem>>) semaphore(%arg22 : memref<!tpu.dma_semaphore, #tpu.memory_space<semaphore_mem>>)
    %dma_start3A_389 = arith.constant 384 : i32
    %dma_start3A_390 = tpu.memref_slice %arg11[%dma_start3A_389] : memref<512xi32, #tpu.memory_space<vmem>> -> memref<64xi32, #tpu.memory_space<vmem>>
    %dma_start3A_391 = arith.constant 0 : i32
    %dma_start3A_392 = arith.constant 0 : i32
    %dma_start3A_393 = tpu.memref_slice %arg20[%dma_start3A_391, %dma_start3A_392] : memref<1000x128xf32, #tpu.memory_space<vmem_shared>> -> memref<1000x128xf32, #tpu.memory_space<vmem_shared>>
    tpu.enqueue_indirect_dma source(%dma_start3A_393 : memref<1000x128xf32, #tpu.memory_space<vmem_shared>>) target(%arg14 : memref<64x128xf32, #tpu.memory_space<vmem>>) offsets(%dma_start3A_390 : memref<64xi32, #tpu.memory_space<vmem>>) semaphore(%arg22 : memref<!tpu.dma_semaphore, #tpu.memory_space<semaphore_mem>>)
    %dma_wait3A_394 = arith.constant 320 : i32
    %dma_wait3A_395 = tpu.memref_slice %arg9[%dma_wait3A_394] : memref<512xi32, #tpu.memory_space<vmem>> -> memref<64xi32, #tpu.memory_space<vmem>>
    %dma_wait3A_396 = arith.constant 0 : i32
    %dma_wait3A_397 = arith.constant 0 : i32
    %dma_wait3A_398 = tpu.memref_slice %arg18[%dma_wait3A_396, %dma_wait3A_397] : memref<1000x128xf32, #tpu.memory_space<vmem_shared>> -> memref<1000x128xf32, #tpu.memory_space<vmem_shared>>
    tpu.wait_indirect_dma semaphore(%arg23 : memref<!tpu.dma_semaphore, #tpu.memory_space<semaphore_mem>>) src(%dma_wait3A_398 : memref<1000x128xf32, #tpu.memory_space<vmem_shared>>) dst(%arg15 : memref<64x128xf32, #tpu.memory_space<vmem>>)
    %dma_wait3A_399 = arith.constant 320 : i32
    %dma_wait3A_400 = tpu.memref_slice %arg10[%dma_wait3A_399] : memref<512xi32, #tpu.memory_space<vmem>> -> memref<64xi32, #tpu.memory_space<vmem>>
    %dma_wait3A_401 = arith.constant 0 : i32
    %dma_wait3A_402 = arith.constant 0 : i32
    %dma_wait3A_403 = tpu.memref_slice %arg19[%dma_wait3A_401, %dma_wait3A_402] : memref<1000x128xf32, #tpu.memory_space<vmem_shared>> -> memref<1000x128xf32, #tpu.memory_space<vmem_shared>>
    tpu.wait_indirect_dma semaphore(%arg23 : memref<!tpu.dma_semaphore, #tpu.memory_space<semaphore_mem>>) src(%dma_wait3A_403 : memref<1000x128xf32, #tpu.memory_space<vmem_shared>>) dst(%arg16 : memref<64x128xf32, #tpu.memory_space<vmem>>)
    %dma_wait3A_404 = arith.constant 320 : i32
    %dma_wait3A_405 = tpu.memref_slice %arg11[%dma_wait3A_404] : memref<512xi32, #tpu.memory_space<vmem>> -> memref<64xi32, #tpu.memory_space<vmem>>
    %dma_wait3A_406 = arith.constant 0 : i32
    %dma_wait3A_407 = arith.constant 0 : i32
    %dma_wait3A_408 = tpu.memref_slice %arg20[%dma_wait3A_406, %dma_wait3A_407] : memref<1000x128xf32, #tpu.memory_space<vmem_shared>> -> memref<1000x128xf32, #tpu.memory_space<vmem_shared>>
    tpu.wait_indirect_dma semaphore(%arg23 : memref<!tpu.dma_semaphore, #tpu.memory_space<semaphore_mem>>) src(%dma_wait3A_408 : memref<1000x128xf32, #tpu.memory_space<vmem_shared>>) dst(%arg17 : memref<64x128xf32, #tpu.memory_space<vmem>>)
    %scan3A_409 = arith.constant 0 : i32
    %scan3A_410 = arith.constant 0 : i32
    %scan3A_411 = arith.constant 64 : i32
    %scan3A_412 = arith.addi %scan3A_410, %scan3A_411 : i32
    %scan3A_413 = arith.constant 1 : i32
    %scan3A_414 = scf.for %scan3A_505 = %scan3A_410 to %scan3A_412 step %scan3A_413 iter_args(%scan3A_506 = %scan3A_409) -> (i32)  : i32 {
      %get3A = arith.index_cast %scan3A_505 : i32 to index
      %get3A_507 = arith.constant 0 : index
      %get3A_508 = tpu.vector_load %arg16[%get3A, %get3A_507] {strides = array<i32>} : memref<64x128xf32, #tpu.memory_space<vmem>>, vector<1x16xf32>,
      %get3A_509 = vector.shape_cast %get3A_508 : vector<1x16xf32> to vector<16xf32>
      %get3A_510 = arith.index_cast %scan3A_505 : i32 to index
      %get3A_511 = arith.constant 0 : index
      %get3A_512 = tpu.vector_load %arg17[%get3A_510, %get3A_511] {strides = array<i32>} : memref<64x128xf32, #tpu.memory_space<vmem>>, vector<1x16xf32>,
      %get3A_513 = vector.shape_cast %get3A_512 : vector<1x16xf32> to vector<16xf32>
      %add3A_514 = arith.addf %get3A_509, %get3A_513 : vector<16xf32>
      %swap3A = arith.index_cast %scan3A_505 : i32 to index
      %swap3A_515 = arith.constant 0 : index
      %swap3A_516 = tpu.vector_load %arg15[%swap3A, %swap3A_515] {strides = array<i32>} : memref<64x128xf32, #tpu.memory_space<vmem>>, vector<1x16xf32>,
      %swap3A_517 = vector.shape_cast %swap3A_516 : vector<1x16xf32> to vector<16xf32>
      %swap3A_518 = vector.shape_cast %add3A_514 : vector<16xf32> to vector<1x16xf32>
      tpu.vector_store %arg15[%swap3A, %swap3A_515], %swap3A_518 {add = true, strides = array<i32>} : memref<64x128xf32, #tpu.memory_space<vmem>>, vector<1x16xf32>,
      %get3A_519 = arith.index_cast %scan3A_505 : i32 to index
      %get3A_520 = arith.constant 16 : index
      %get3A_521 = tpu.vector_load %arg16[%get3A_519, %get3A_520] {strides = array<i32>} : memref<64x128xf32, #tpu.memory_space<vmem>>, vector<1x16xf32>,
      %get3A_522 = vector.shape_cast %get3A_521 : vector<1x16xf32> to vector<16xf32>
      %get3A_523 = arith.index_cast %scan3A_505 : i32 to index
      %get3A_524 = arith.constant 16 : index
      %get3A_525 = tpu.vector_load %arg17[%get3A_523, %get3A_524] {strides = array<i32>} : memref<64x128xf32, #tpu.memory_space<vmem>>, vector<1x16xf32>,
      %get3A_526 = vector.shape_cast %get3A_525 : vector<1x16xf32> to vector<16xf32>
      %add3A_527 = arith.addf %get3A_522, %get3A_526 : vector<16xf32>
      %swap3A_528 = arith.index_cast %scan3A_505 : i32 to index
      %swap3A_529 = arith.constant 16 : index
      %swap3A_530 = tpu.vector_load %arg15[%swap3A_528, %swap3A_529] {strides = array<i32>} : memref<64x128xf32, #tpu.memory_space<vmem>>, vector<1x16xf32>,
      %swap3A_531 = vector.shape_cast %swap3A_530 : vector<1x16xf32> to vector<16xf32>
      %swap3A_532 = vector.shape_cast %add3A_527 : vector<16xf32> to vector<1x16xf32>
      tpu.vector_store %arg15[%swap3A_528, %swap3A_529], %swap3A_532 {add = true, strides = array<i32>} : memref<64x128xf32, #tpu.memory_space<vmem>>, vector<1x16xf32>,
      %get3A_533 = arith.index_cast %scan3A_505 : i32 to index
      %get3A_534 = arith.constant 32 : index
      %get3A_535 = tpu.vector_load %arg16[%get3A_533, %get3A_534] {strides = array<i32>} : memref<64x128xf32, #tpu.memory_space<vmem>>, vector<1x16xf32>,
      %get3A_536 = vector.shape_cast %get3A_535 : vector<1x16xf32> to vector<16xf32>
      %get3A_537 = arith.index_cast %scan3A_505 : i32 to index
      %get3A_538 = arith.constant 32 : index
      %get3A_539 = tpu.vector_load %arg17[%get3A_537, %get3A_538] {strides = array<i32>} : memref<64x128xf32, #tpu.memory_space<vmem>>, vector<1x16xf32>,
      %get3A_540 = vector.shape_cast %get3A_539 : vector<1x16xf32> to vector<16xf32>
      %add3A_541 = arith.addf %get3A_536, %get3A_540 : vector<16xf32>
      %swap3A_542 = arith.index_cast %scan3A_505 : i32 to index
      %swap3A_543 = arith.constant 32 : index
      %swap3A_544 = tpu.vector_load %arg15[%swap3A_542, %swap3A_543] {strides = array<i32>} : memref<64x128xf32, #tpu.memory_space<vmem>>, vector<1x16xf32>,
      %swap3A_545 = vector.shape_cast %swap3A_544 : vector<1x16xf32> to vector<16xf32>
      %swap3A_546 = vector.shape_cast %add3A_541 : vector<16xf32> to vector<1x16xf32>
      tpu.vector_store %arg15[%swap3A_542, %swap3A_543], %swap3A_546 {add = true, strides = array<i32>} : memref<64x128xf32, #tpu.memory_space<vmem>>, vector<1x16xf32>,
      %get3A_547 = arith.index_cast %scan3A_505 : i32 to index
      %get3A_548 = arith.constant 48 : index
      %get3A_549 = tpu.vector_load %arg16[%get3A_547, %get3A_548] {strides = array<i32>} : memref<64x128xf32, #tpu.memory_space<vmem>>, vector<1x16xf32>,
      %get3A_550 = vector.shape_cast %get3A_549 : vector<1x16xf32> to vector<16xf32>
      %get3A_551 = arith.index_cast %scan3A_505 : i32 to index
      %get3A_552 = arith.constant 48 : index
      %get3A_553 = tpu.vector_load %arg17[%get3A_551, %get3A_552] {strides = array<i32>} : memref<64x128xf32, #tpu.memory_space<vmem>>, vector<1x16xf32>,
      %get3A_554 = vector.shape_cast %get3A_553 : vector<1x16xf32> to vector<16xf32>
      %add3A_555 = arith.addf %get3A_550, %get3A_554 : vector<16xf32>
      %swap3A_556 = arith.index_cast %scan3A_505 : i32 to index
      %swap3A_557 = arith.constant 48 : index
      %swap3A_558 = tpu.vector_load %arg15[%swap3A_556, %swap3A_557] {strides = array<i32>} : memref<64x128xf32, #tpu.memory_space<vmem>>, vector<1x16xf32>,
      %swap3A_559 = vector.shape_cast %swap3A_558 : vector<1x16xf32> to vector<16xf32>
      %swap3A_560 = vector.shape_cast %add3A_555 : vector<16xf32> to vector<1x16xf32>
      tpu.vector_store %arg15[%swap3A_556, %swap3A_557], %swap3A_560 {add = true, strides = array<i32>} : memref<64x128xf32, #tpu.memory_space<vmem>>, vector<1x16xf32>,
      %get3A_561 = arith.index_cast %scan3A_505 : i32 to index
      %get3A_562 = arith.constant 64 : index
      %get3A_563 = tpu.vector_load %arg16[%get3A_561, %get3A_562] {strides = array<i32>} : memref<64x128xf32, #tpu.memory_space<vmem>>, vector<1x16xf32>,
      %get3A_564 = vector.shape_cast %get3A_563 : vector<1x16xf32> to vector<16xf32>
      %get3A_565 = arith.index_cast %scan3A_505 : i32 to index
      %get3A_566 = arith.constant 64 : index
      %get3A_567 = tpu.vector_load %arg17[%get3A_565, %get3A_566] {strides = array<i32>} : memref<64x128xf32, #tpu.memory_space<vmem>>, vector<1x16xf32>,
      %get3A_568 = vector.shape_cast %get3A_567 : vector<1x16xf32> to vector<16xf32>
      %add3A_569 = arith.addf %get3A_564, %get3A_568 : vector<16xf32>
      %swap3A_570 = arith.index_cast %scan3A_505 : i32 to index
      %swap3A_571 = arith.constant 64 : index
      %swap3A_572 = tpu.vector_load %arg15[%swap3A_570, %swap3A_571] {strides = array<i32>} : memref<64x128xf32, #tpu.memory_space<vmem>>, vector<1x16xf32>,
      %swap3A_573 = vector.shape_cast %swap3A_572 : vector<1x16xf32> to vector<16xf32>
      %swap3A_574 = vector.shape_cast %add3A_569 : vector<16xf32> to vector<1x16xf32>
      tpu.vector_store %arg15[%swap3A_570, %swap3A_571], %swap3A_574 {add = true, strides = array<i32>} : memref<64x128xf32, #tpu.memory_space<vmem>>, vector<1x16xf32>,
      %get3A_575 = arith.index_cast %scan3A_505 : i32 to index
      %get3A_576 = arith.constant 80 : index
      %get3A_577 = tpu.vector_load %arg16[%get3A_575, %get3A_576] {strides = array<i32>} : memref<64x128xf32, #tpu.memory_space<vmem>>, vector<1x16xf32>,
      %get3A_578 = vector.shape_cast %get3A_577 : vector<1x16xf32> to vector<16xf32>
      %get3A_579 = arith.index_cast %scan3A_505 : i32 to index
      %get3A_580 = arith.constant 80 : index
      %get3A_581 = tpu.vector_load %arg17[%get3A_579, %get3A_580] {strides = array<i32>} : memref<64x128xf32, #tpu.memory_space<vmem>>, vector<1x16xf32>,
      %get3A_582 = vector.shape_cast %get3A_581 : vector<1x16xf32> to vector<16xf32>
      %add3A_583 = arith.addf %get3A_578, %get3A_582 : vector<16xf32>
      %swap3A_584 = arith.index_cast %scan3A_505 : i32 to index
      %swap3A_585 = arith.constant 80 : index
      %swap3A_586 = tpu.vector_load %arg15[%swap3A_584, %swap3A_585] {strides = array<i32>} : memref<64x128xf32, #tpu.memory_space<vmem>>, vector<1x16xf32>,
      %swap3A_587 = vector.shape_cast %swap3A_586 : vector<1x16xf32> to vector<16xf32>
      %swap3A_588 = vector.shape_cast %add3A_583 : vector<16xf32> to vector<1x16xf32>
      tpu.vector_store %arg15[%swap3A_584, %swap3A_585], %swap3A_588 {add = true, strides = array<i32>} : memref<64x128xf32, #tpu.memory_space<vmem>>, vector<1x16xf32>,
      %get3A_589 = arith.index_cast %scan3A_505 : i32 to index
      %get3A_590 = arith.constant 96 : index
      %get3A_591 = tpu.vector_load %arg16[%get3A_589, %get3A_590] {strides = array<i32>} : memref<64x128xf32, #tpu.memory_space<vmem>>, vector<1x16xf32>,
      %get3A_592 = vector.shape_cast %get3A_591 : vector<1x16xf32> to vector<16xf32>
      %get3A_593 = arith.index_cast %scan3A_505 : i32 to index
      %get3A_594 = arith.constant 96 : index
      %get3A_595 = tpu.vector_load %arg17[%get3A_593, %get3A_594] {strides = array<i32>} : memref<64x128xf32, #tpu.memory_space<vmem>>, vector<1x16xf32>,
      %get3A_596 = vector.shape_cast %get3A_595 : vector<1x16xf32> to vector<16xf32>
      %add3A_597 = arith.addf %get3A_592, %get3A_596 : vector<16xf32>
      %swap3A_598 = arith.index_cast %scan3A_505 : i32 to index
      %swap3A_599 = arith.constant 96 : index
      %swap3A_600 = tpu.vector_load %arg15[%swap3A_598, %swap3A_599] {strides = array<i32>} : memref<64x128xf32, #tpu.memory_space<vmem>>, vector<1x16xf32>,
      %swap3A_601 = vector.shape_cast %swap3A_600 : vector<1x16xf32> to vector<16xf32>
      %swap3A_602 = vector.shape_cast %add3A_597 : vector<16xf32> to vector<1x16xf32>
      tpu.vector_store %arg15[%swap3A_598, %swap3A_599], %swap3A_602 {add = true, strides = array<i32>} : memref<64x128xf32, #tpu.memory_space<vmem>>, vector<1x16xf32>,
      %get3A_603 = arith.index_cast %scan3A_505 : i32 to index
      %get3A_604 = arith.constant 112 : index
      %get3A_605 = tpu.vector_load %arg16[%get3A_603, %get3A_604] {strides = array<i32>} : memref<64x128xf32, #tpu.memory_space<vmem>>, vector<1x16xf32>,
      %get3A_606 = vector.shape_cast %get3A_605 : vector<1x16xf32> to vector<16xf32>
      %get3A_607 = arith.index_cast %scan3A_505 : i32 to index
      %get3A_608 = arith.constant 112 : index
      %get3A_609 = tpu.vector_load %arg17[%get3A_607, %get3A_608] {strides = array<i32>} : memref<64x128xf32, #tpu.memory_space<vmem>>, vector<1x16xf32>,
      %get3A_610 = vector.shape_cast %get3A_609 : vector<1x16xf32> to vector<16xf32>
      %add3A_611 = arith.addf %get3A_606, %get3A_610 : vector<16xf32>
      %swap3A_612 = arith.index_cast %scan3A_505 : i32 to index
      %swap3A_613 = arith.constant 112 : index
      %swap3A_614 = tpu.vector_load %arg15[%swap3A_612, %swap3A_613] {strides = array<i32>} : memref<64x128xf32, #tpu.memory_space<vmem>>, vector<1x16xf32>,
      %swap3A_615 = vector.shape_cast %swap3A_614 : vector<1x16xf32> to vector<16xf32>
      %swap3A_616 = vector.shape_cast %add3A_611 : vector<16xf32> to vector<1x16xf32>
      tpu.vector_store %arg15[%swap3A_612, %swap3A_613], %swap3A_616 {add = true, strides = array<i32>} : memref<64x128xf32, #tpu.memory_space<vmem>>, vector<1x16xf32>,
      %scan3A_617 = arith.constant 0 : i32
      scf.yield %scan3A_617 : i32
    }
    %scan3A_415 = arith.constant 64 : i32
    %add3A_416 = arith.constant 320 : i32
    %add3A_417 = arith.addi %mul3A_2, %add3A_416 : i32
    %dma_start3A_418 = arith.constant 0 : i32
    %dma_start3A_419 = tpu.memref_slice %arg8[%add3A_417, %dma_start3A_418] : memref<16384x128xf32, #tpu.memory_space<hbm>> -> memref<64x128xf32, #tpu.memory_space<hbm>>
    %dma_start3A_420 = arith.constant 0 : i32
    %dma_start3A_421 = tpu.memref_slice %arg8[%add3A_417, %dma_start3A_420] : memref<16384x128xf32, #tpu.memory_space<hbm>> -> memref<64x128xf32, #tpu.memory_space<hbm>>
    tpu.enqueue_dma source(%arg15 : memref<64x128xf32, #tpu.memory_space<vmem>>) target(%dma_start3A_421 : memref<64x128xf32, #tpu.memory_space<hbm>>) target_semaphore(%arg24 : memref<!tpu.dma_semaphore, #tpu.memory_space<semaphore_mem>>)
    %dma_wait3A_422 = arith.constant 0 : i32
    %dma_wait3A_423 = tpu.memref_slice %arg8[%add3A_417, %dma_wait3A_422] : memref<16384x128xf32, #tpu.memory_space<hbm>> -> memref<64x128xf32, #tpu.memory_space<hbm>>
    %dma_wait3A_424 = arith.constant 0 : i32
    %dma_wait3A_425 = tpu.memref_slice %arg8[%add3A_417, %dma_wait3A_424] : memref<16384x128xf32, #tpu.memory_space<hbm>> -> memref<64x128xf32, #tpu.memory_space<hbm>>
    tpu.wait_dma2 semaphore(%arg24 : memref<!tpu.dma_semaphore, #tpu.memory_space<semaphore_mem>>) src(%arg15 : memref<64x128xf32, #tpu.memory_space<vmem>>) dst(%dma_wait3A_425 : memref<64x128xf32, #tpu.memory_space<hbm>>)
    %dma_start3A_426 = arith.constant 448 : i32
    %dma_start3A_427 = tpu.memref_slice %arg9[%dma_start3A_426] : memref<512xi32, #tpu.memory_space<vmem>> -> memref<64xi32, #tpu.memory_space<vmem>>
    %dma_start3A_428 = arith.constant 0 : i32
    %dma_start3A_429 = arith.constant 0 : i32
    %dma_start3A_430 = tpu.memref_slice %arg18[%dma_start3A_428, %dma_start3A_429] : memref<1000x128xf32, #tpu.memory_space<vmem_shared>> -> memref<1000x128xf32, #tpu.memory_space<vmem_shared>>
    tpu.enqueue_indirect_dma source(%dma_start3A_430 : memref<1000x128xf32, #tpu.memory_space<vmem_shared>>) target(%arg15 : memref<64x128xf32, #tpu.memory_space<vmem>>) offsets(%dma_start3A_427 : memref<64xi32, #tpu.memory_space<vmem>>) semaphore(%arg23 : memref<!tpu.dma_semaphore, #tpu.memory_space<semaphore_mem>>)
    %dma_start3A_431 = arith.constant 448 : i32
    %dma_start3A_432 = tpu.memref_slice %arg10[%dma_start3A_431] : memref<512xi32, #tpu.memory_space<vmem>> -> memref<64xi32, #tpu.memory_space<vmem>>
    %dma_start3A_433 = arith.constant 0 : i32
    %dma_start3A_434 = arith.constant 0 : i32
    %dma_start3A_435 = tpu.memref_slice %arg19[%dma_start3A_433, %dma_start3A_434] : memref<1000x128xf32, #tpu.memory_space<vmem_shared>> -> memref<1000x128xf32, #tpu.memory_space<vmem_shared>>
    tpu.enqueue_indirect_dma source(%dma_start3A_435 : memref<1000x128xf32, #tpu.memory_space<vmem_shared>>) target(%arg16 : memref<64x128xf32, #tpu.memory_space<vmem>>) offsets(%dma_start3A_432 : memref<64xi32, #tpu.memory_space<vmem>>) semaphore(%arg23 : memref<!tpu.dma_semaphore, #tpu.memory_space<semaphore_mem>>)
    %dma_start3A_436 = arith.constant 448 : i32
    %dma_start3A_437 = tpu.memref_slice %arg11[%dma_start3A_436] : memref<512xi32, #tpu.memory_space<vmem>> -> memref<64xi32, #tpu.memory_space<vmem>>
    %dma_start3A_438 = arith.constant 0 : i32
    %dma_start3A_439 = arith.constant 0 : i32
    %dma_start3A_440 = tpu.memref_slice %arg20[%dma_start3A_438, %dma_start3A_439] : memref<1000x128xf32, #tpu.memory_space<vmem_shared>> -> memref<1000x128xf32, #tpu.memory_space<vmem_shared>>
    tpu.enqueue_indirect_dma source(%dma_start3A_440 : memref<1000x128xf32, #tpu.memory_space<vmem_shared>>) target(%arg17 : memref<64x128xf32, #tpu.memory_space<vmem>>) offsets(%dma_start3A_437 : memref<64xi32, #tpu.memory_space<vmem>>) semaphore(%arg23 : memref<!tpu.dma_semaphore, #tpu.memory_space<semaphore_mem>>)
    %dma_wait3A_441 = arith.constant 384 : i32
    %dma_wait3A_442 = tpu.memref_slice %arg9[%dma_wait3A_441] : memref<512xi32, #tpu.memory_space<vmem>> -> memref<64xi32, #tpu.memory_space<vmem>>
    %dma_wait3A_443 = arith.constant 0 : i32
    %dma_wait3A_444 = arith.constant 0 : i32
    %dma_wait3A_445 = tpu.memref_slice %arg18[%dma_wait3A_443, %dma_wait3A_444] : memref<1000x128xf32, #tpu.memory_space<vmem_shared>> -> memref<1000x128xf32, #tpu.memory_space<vmem_shared>>
    tpu.wait_indirect_dma semaphore(%arg22 : memref<!tpu.dma_semaphore, #tpu.memory_space<semaphore_mem>>) src(%dma_wait3A_445 : memref<1000x128xf32, #tpu.memory_space<vmem_shared>>) dst(%arg12 : memref<64x128xf32, #tpu.memory_space<vmem>>)
    %dma_wait3A_446 = arith.constant 384 : i32
    %dma_wait3A_447 = tpu.memref_slice %arg10[%dma_wait3A_446] : memref<512xi32, #tpu.memory_space<vmem>> -> memref<64xi32, #tpu.memory_space<vmem>>
    %dma_wait3A_448 = arith.constant 0 : i32
    %dma_wait3A_449 = arith.constant 0 : i32
    %dma_wait3A_450 = tpu.memref_slice %arg19[%dma_wait3A_448, %dma_wait3A_449] : memref<1000x128xf32, #tpu.memory_space<vmem_shared>> -> memref<1000x128xf32, #tpu.memory_space<vmem_shared>>
    tpu.wait_indirect_dma semaphore(%arg22 : memref<!tpu.dma_semaphore, #tpu.memory_space<semaphore_mem>>) src(%dma_wait3A_450 : memref<1000x128xf32, #tpu.memory_space<vmem_shared>>) dst(%arg13 : memref<64x128xf32, #tpu.memory_space<vmem>>)
    %dma_wait3A_451 = arith.constant 384 : i32
    %dma_wait3A_452 = tpu.memref_slice %arg11[%dma_wait3A_451] : memref<512xi32, #tpu.memory_space<vmem>> -> memref<64xi32, #tpu.memory_space<vmem>>
    %dma_wait3A_453 = arith.constant 0 : i32
    %dma_wait3A_454 = arith.constant 0 : i32
    %dma_wait3A_455 = tpu.memref_slice %arg20[%dma_wait3A_453, %dma_wait3A_454] : memref<1000x128xf32, #tpu.memory_space<vmem_shared>> -> memref<1000x128xf32, #tpu.memory_space<vmem_shared>>
    tpu.wait_indirect_dma semaphore(%arg22 : memref<!tpu.dma_semaphore, #tpu.memory_space<semaphore_mem>>) src(%dma_wait3A_455 : memref<1000x128xf32, #tpu.memory_space<vmem_shared>>) dst(%arg14 : memref<64x128xf32, #tpu.memory_space<vmem>>)
    %scan3A_456 = arith.constant 0 : i32
    %scan3A_457 = arith.constant 0 : i32
    %scan3A_458 = arith.constant 64 : i32
    %scan3A_459 = arith.addi %scan3A_457, %scan3A_458 : i32
    %scan3A_460 = arith.constant 1 : i32
    %scan3A_461 = scf.for %scan3A_505 = %scan3A_457 to %scan3A_459 step %scan3A_460 iter_args(%scan3A_506 = %scan3A_456) -> (i32)  : i32 {
      %get3A = arith.index_cast %scan3A_505 : i32 to index
      %get3A_507 = arith.constant 0 : index
      %get3A_508 = tpu.vector_load %arg13[%get3A, %get3A_507] {strides = array<i32>} : memref<64x128xf32, #tpu.memory_space<vmem>>, vector<1x16xf32>,
      %get3A_509 = vector.shape_cast %get3A_508 : vector<1x16xf32> to vector<16xf32>
      %get3A_510 = arith.index_cast %scan3A_505 : i32 to index
      %get3A_511 = arith.constant 0 : index
      %get3A_512 = tpu.vector_load %arg14[%get3A_510, %get3A_511] {strides = array<i32>} : memref<64x128xf32, #tpu.memory_space<vmem>>, vector<1x16xf32>,
      %get3A_513 = vector.shape_cast %get3A_512 : vector<1x16xf32> to vector<16xf32>
      %add3A_514 = arith.addf %get3A_509, %get3A_513 : vector<16xf32>
      %swap3A = arith.index_cast %scan3A_505 : i32 to index
      %swap3A_515 = arith.constant 0 : index
      %swap3A_516 = tpu.vector_load %arg12[%swap3A, %swap3A_515] {strides = array<i32>} : memref<64x128xf32, #tpu.memory_space<vmem>>, vector<1x16xf32>,
      %swap3A_517 = vector.shape_cast %swap3A_516 : vector<1x16xf32> to vector<16xf32>
      %swap3A_518 = vector.shape_cast %add3A_514 : vector<16xf32> to vector<1x16xf32>
      tpu.vector_store %arg12[%swap3A, %swap3A_515], %swap3A_518 {add = true, strides = array<i32>} : memref<64x128xf32, #tpu.memory_space<vmem>>, vector<1x16xf32>,
      %get3A_519 = arith.index_cast %scan3A_505 : i32 to index
      %get3A_520 = arith.constant 16 : index
      %get3A_521 = tpu.vector_load %arg13[%get3A_519, %get3A_520] {strides = array<i32>} : memref<64x128xf32, #tpu.memory_space<vmem>>, vector<1x16xf32>,
      %get3A_522 = vector.shape_cast %get3A_521 : vector<1x16xf32> to vector<16xf32>
      %get3A_523 = arith.index_cast %scan3A_505 : i32 to index
      %get3A_524 = arith.constant 16 : index
      %get3A_525 = tpu.vector_load %arg14[%get3A_523, %get3A_524] {strides = array<i32>} : memref<64x128xf32, #tpu.memory_space<vmem>>, vector<1x16xf32>,
      %get3A_526 = vector.shape_cast %get3A_525 : vector<1x16xf32> to vector<16xf32>
      %add3A_527 = arith.addf %get3A_522, %get3A_526 : vector<16xf32>
      %swap3A_528 = arith.index_cast %scan3A_505 : i32 to index
      %swap3A_529 = arith.constant 16 : index
      %swap3A_530 = tpu.vector_load %arg12[%swap3A_528, %swap3A_529] {strides = array<i32>} : memref<64x128xf32, #tpu.memory_space<vmem>>, vector<1x16xf32>,
      %swap3A_531 = vector.shape_cast %swap3A_530 : vector<1x16xf32> to vector<16xf32>
      %swap3A_532 = vector.shape_cast %add3A_527 : vector<16xf32> to vector<1x16xf32>
      tpu.vector_store %arg12[%swap3A_528, %swap3A_529], %swap3A_532 {add = true, strides = array<i32>} : memref<64x128xf32, #tpu.memory_space<vmem>>, vector<1x16xf32>,
      %get3A_533 = arith.index_cast %scan3A_505 : i32 to index
      %get3A_534 = arith.constant 32 : index
      %get3A_535 = tpu.vector_load %arg13[%get3A_533, %get3A_534] {strides = array<i32>} : memref<64x128xf32, #tpu.memory_space<vmem>>, vector<1x16xf32>,
      %get3A_536 = vector.shape_cast %get3A_535 : vector<1x16xf32> to vector<16xf32>
      %get3A_537 = arith.index_cast %scan3A_505 : i32 to index
      %get3A_538 = arith.constant 32 : index
      %get3A_539 = tpu.vector_load %arg14[%get3A_537, %get3A_538] {strides = array<i32>} : memref<64x128xf32, #tpu.memory_space<vmem>>, vector<1x16xf32>,
      %get3A_540 = vector.shape_cast %get3A_539 : vector<1x16xf32> to vector<16xf32>
      %add3A_541 = arith.addf %get3A_536, %get3A_540 : vector<16xf32>
      %swap3A_542 = arith.index_cast %scan3A_505 : i32 to index
      %swap3A_543 = arith.constant 32 : index
      %swap3A_544 = tpu.vector_load %arg12[%swap3A_542, %swap3A_543] {strides = array<i32>} : memref<64x128xf32, #tpu.memory_space<vmem>>, vector<1x16xf32>,
      %swap3A_545 = vector.shape_cast %swap3A_544 : vector<1x16xf32> to vector<16xf32>
      %swap3A_546 = vector.shape_cast %add3A_541 : vector<16xf32> to vector<1x16xf32>
      tpu.vector_store %arg12[%swap3A_542, %swap3A_543], %swap3A_546 {add = true, strides = array<i32>} : memref<64x128xf32, #tpu.memory_space<vmem>>, vector<1x16xf32>,
      %get3A_547 = arith.index_cast %scan3A_505 : i32 to index
      %get3A_548 = arith.constant 48 : index
      %get3A_549 = tpu.vector_load %arg13[%get3A_547, %get3A_548] {strides = array<i32>} : memref<64x128xf32, #tpu.memory_space<vmem>>, vector<1x16xf32>,
      %get3A_550 = vector.shape_cast %get3A_549 : vector<1x16xf32> to vector<16xf32>
      %get3A_551 = arith.index_cast %scan3A_505 : i32 to index
      %get3A_552 = arith.constant 48 : index
      %get3A_553 = tpu.vector_load %arg14[%get3A_551, %get3A_552] {strides = array<i32>} : memref<64x128xf32, #tpu.memory_space<vmem>>, vector<1x16xf32>,
      %get3A_554 = vector.shape_cast %get3A_553 : vector<1x16xf32> to vector<16xf32>
      %add3A_555 = arith.addf %get3A_550, %get3A_554 : vector<16xf32>
      %swap3A_556 = arith.index_cast %scan3A_505 : i32 to index
      %swap3A_557 = arith.constant 48 : index
      %swap3A_558 = tpu.vector_load %arg12[%swap3A_556, %swap3A_557] {strides = array<i32>} : memref<64x128xf32, #tpu.memory_space<vmem>>, vector<1x16xf32>,
      %swap3A_559 = vector.shape_cast %swap3A_558 : vector<1x16xf32> to vector<16xf32>
      %swap3A_560 = vector.shape_cast %add3A_555 : vector<16xf32> to vector<1x16xf32>
      tpu.vector_store %arg12[%swap3A_556, %swap3A_557], %swap3A_560 {add = true, strides = array<i32>} : memref<64x128xf32, #tpu.memory_space<vmem>>, vector<1x16xf32>,
      %get3A_561 = arith.index_cast %scan3A_505 : i32 to index
      %get3A_562 = arith.constant 64 : index
      %get3A_563 = tpu.vector_load %arg13[%get3A_561, %get3A_562] {strides = array<i32>} : memref<64x128xf32, #tpu.memory_space<vmem>>, vector<1x16xf32>,
      %get3A_564 = vector.shape_cast %get3A_563 : vector<1x16xf32> to vector<16xf32>
      %get3A_565 = arith.index_cast %scan3A_505 : i32 to index
      %get3A_566 = arith.constant 64 : index
      %get3A_567 = tpu.vector_load %arg14[%get3A_565, %get3A_566] {strides = array<i32>} : memref<64x128xf32, #tpu.memory_space<vmem>>, vector<1x16xf32>,
      %get3A_568 = vector.shape_cast %get3A_567 : vector<1x16xf32> to vector<16xf32>
      %add3A_569 = arith.addf %get3A_564, %get3A_568 : vector<16xf32>
      %swap3A_570 = arith.index_cast %scan3A_505 : i32 to index
      %swap3A_571 = arith.constant 64 : index
      %swap3A_572 = tpu.vector_load %arg12[%swap3A_570, %swap3A_571] {strides = array<i32>} : memref<64x128xf32, #tpu.memory_space<vmem>>, vector<1x16xf32>,
      %swap3A_573 = vector.shape_cast %swap3A_572 : vector<1x16xf32> to vector<16xf32>
      %swap3A_574 = vector.shape_cast %add3A_569 : vector<16xf32> to vector<1x16xf32>
      tpu.vector_store %arg12[%swap3A_570, %swap3A_571], %swap3A_574 {add = true, strides = array<i32>} : memref<64x128xf32, #tpu.memory_space<vmem>>, vector<1x16xf32>,
      %get3A_575 = arith.index_cast %scan3A_505 : i32 to index
      %get3A_576 = arith.constant 80 : index
      %get3A_577 = tpu.vector_load %arg13[%get3A_575, %get3A_576] {strides = array<i32>} : memref<64x128xf32, #tpu.memory_space<vmem>>, vector<1x16xf32>,
      %get3A_578 = vector.shape_cast %get3A_577 : vector<1x16xf32> to vector<16xf32>
      %get3A_579 = arith.index_cast %scan3A_505 : i32 to index
      %get3A_580 = arith.constant 80 : index
      %get3A_581 = tpu.vector_load %arg14[%get3A_579, %get3A_580] {strides = array<i32>} : memref<64x128xf32, #tpu.memory_space<vmem>>, vector<1x16xf32>,
      %get3A_582 = vector.shape_cast %get3A_581 : vector<1x16xf32> to vector<16xf32>
      %add3A_583 = arith.addf %get3A_578, %get3A_582 : vector<16xf32>
      %swap3A_584 = arith.index_cast %scan3A_505 : i32 to index
      %swap3A_585 = arith.constant 80 : index
      %swap3A_586 = tpu.vector_load %arg12[%swap3A_584, %swap3A_585] {strides = array<i32>} : memref<64x128xf32, #tpu.memory_space<vmem>>, vector<1x16xf32>,
      %swap3A_587 = vector.shape_cast %swap3A_586 : vector<1x16xf32> to vector<16xf32>
      %swap3A_588 = vector.shape_cast %add3A_583 : vector<16xf32> to vector<1x16xf32>
      tpu.vector_store %arg12[%swap3A_584, %swap3A_585], %swap3A_588 {add = true, strides = array<i32>} : memref<64x128xf32, #tpu.memory_space<vmem>>, vector<1x16xf32>,
      %get3A_589 = arith.index_cast %scan3A_505 : i32 to index
      %get3A_590 = arith.constant 96 : index
      %get3A_591 = tpu.vector_load %arg13[%get3A_589, %get3A_590] {strides = array<i32>} : memref<64x128xf32, #tpu.memory_space<vmem>>, vector<1x16xf32>,
      %get3A_592 = vector.shape_cast %get3A_591 : vector<1x16xf32> to vector<16xf32>
      %get3A_593 = arith.index_cast %scan3A_505 : i32 to index
      %get3A_594 = arith.constant 96 : index
      %get3A_595 = tpu.vector_load %arg14[%get3A_593, %get3A_594] {strides = array<i32>} : memref<64x128xf32, #tpu.memory_space<vmem>>, vector<1x16xf32>,
      %get3A_596 = vector.shape_cast %get3A_595 : vector<1x16xf32> to vector<16xf32>
      %add3A_597 = arith.addf %get3A_592, %get3A_596 : vector<16xf32>
      %swap3A_598 = arith.index_cast %scan3A_505 : i32 to index
      %swap3A_599 = arith.constant 96 : index
      %swap3A_600 = tpu.vector_load %arg12[%swap3A_598, %swap3A_599] {strides = array<i32>} : memref<64x128xf32, #tpu.memory_space<vmem>>, vector<1x16xf32>,
      %swap3A_601 = vector.shape_cast %swap3A_600 : vector<1x16xf32> to vector<16xf32>
      %swap3A_602 = vector.shape_cast %add3A_597 : vector<16xf32> to vector<1x16xf32>
      tpu.vector_store %arg12[%swap3A_598, %swap3A_599], %swap3A_602 {add = true, strides = array<i32>} : memref<64x128xf32, #tpu.memory_space<vmem>>, vector<1x16xf32>,
      %get3A_603 = arith.index_cast %scan3A_505 : i32 to index
      %get3A_604 = arith.constant 112 : index
      %get3A_605 = tpu.vector_load %arg13[%get3A_603, %get3A_604] {strides = array<i32>} : memref<64x128xf32, #tpu.memory_space<vmem>>, vector<1x16xf32>,
      %get3A_606 = vector.shape_cast %get3A_605 : vector<1x16xf32> to vector<16xf32>
      %get3A_607 = arith.index_cast %scan3A_505 : i32 to index
      %get3A_608 = arith.constant 112 : index
      %get3A_609 = tpu.vector_load %arg14[%get3A_607, %get3A_608] {strides = array<i32>} : memref<64x128xf32, #tpu.memory_space<vmem>>, vector<1x16xf32>,
      %get3A_610 = vector.shape_cast %get3A_609 : vector<1x16xf32> to vector<16xf32>
      %add3A_611 = arith.addf %get3A_606, %get3A_610 : vector<16xf32>
      %swap3A_612 = arith.index_cast %scan3A_505 : i32 to index
      %swap3A_613 = arith.constant 112 : index
      %swap3A_614 = tpu.vector_load %arg12[%swap3A_612, %swap3A_613] {strides = array<i32>} : memref<64x128xf32, #tpu.memory_space<vmem>>, vector<1x16xf32>,
      %swap3A_615 = vector.shape_cast %swap3A_614 : vector<1x16xf32> to vector<16xf32>
      %swap3A_616 = vector.shape_cast %add3A_611 : vector<16xf32> to vector<1x16xf32>
      tpu.vector_store %arg12[%swap3A_612, %swap3A_613], %swap3A_616 {add = true, strides = array<i32>} : memref<64x128xf32, #tpu.memory_space<vmem>>, vector<1x16xf32>,
      %scan3A_617 = arith.constant 0 : i32
      scf.yield %scan3A_617 : i32
    }
    %scan3A_462 = arith.constant 64 : i32
    %add3A_463 = arith.constant 384 : i32
    %add3A_464 = arith.addi %mul3A_2, %add3A_463 : i32
    %dma_start3A_465 = arith.constant 0 : i32
    %dma_start3A_466 = tpu.memref_slice %arg8[%add3A_464, %dma_start3A_465] : memref<16384x128xf32, #tpu.memory_space<hbm>> -> memref<64x128xf32, #tpu.memory_space<hbm>>
    %dma_start3A_467 = arith.constant 0 : i32
    %dma_start3A_468 = tpu.memref_slice %arg8[%add3A_464, %dma_start3A_467] : memref<16384x128xf32, #tpu.memory_space<hbm>> -> memref<64x128xf32, #tpu.memory_space<hbm>>
    tpu.enqueue_dma source(%arg12 : memref<64x128xf32, #tpu.memory_space<vmem>>) target(%dma_start3A_468 : memref<64x128xf32, #tpu.memory_space<hbm>>) target_semaphore(%arg24 : memref<!tpu.dma_semaphore, #tpu.memory_space<semaphore_mem>>)
    %dma_wait3A_469 = arith.constant 448 : i32
    %dma_wait3A_470 = tpu.memref_slice %arg9[%dma_wait3A_469] : memref<512xi32, #tpu.memory_space<vmem>> -> memref<64xi32, #tpu.memory_space<vmem>>
    %dma_wait3A_471 = arith.constant 0 : i32
    %dma_wait3A_472 = arith.constant 0 : i32
    %dma_wait3A_473 = tpu.memref_slice %arg18[%dma_wait3A_471, %dma_wait3A_472] : memref<1000x128xf32, #tpu.memory_space<vmem_shared>> -> memref<1000x128xf32, #tpu.memory_space<vmem_shared>>
    tpu.wait_indirect_dma semaphore(%arg23 : memref<!tpu.dma_semaphore, #tpu.memory_space<semaphore_mem>>) src(%dma_wait3A_473 : memref<1000x128xf32, #tpu.memory_space<vmem_shared>>) dst(%arg15 : memref<64x128xf32, #tpu.memory_space<vmem>>)
    %dma_wait3A_474 = arith.constant 448 : i32
    %dma_wait3A_475 = tpu.memref_slice %arg10[%dma_wait3A_474] : memref<512xi32, #tpu.memory_space<vmem>> -> memref<64xi32, #tpu.memory_space<vmem>>
    %dma_wait3A_476 = arith.constant 0 : i32
    %dma_wait3A_477 = arith.constant 0 : i32
    %dma_wait3A_478 = tpu.memref_slice %arg19[%dma_wait3A_476, %dma_wait3A_477] : memref<1000x128xf32, #tpu.memory_space<vmem_shared>> -> memref<1000x128xf32, #tpu.memory_space<vmem_shared>>
    tpu.wait_indirect_dma semaphore(%arg23 : memref<!tpu.dma_semaphore, #tpu.memory_space<semaphore_mem>>) src(%dma_wait3A_478 : memref<1000x128xf32, #tpu.memory_space<vmem_shared>>) dst(%arg16 : memref<64x128xf32, #tpu.memory_space<vmem>>)
    %dma_wait3A_479 = arith.constant 448 : i32
    %dma_wait3A_480 = tpu.memref_slice %arg11[%dma_wait3A_479] : memref<512xi32, #tpu.memory_space<vmem>> -> memref<64xi32, #tpu.memory_space<vmem>>
    %dma_wait3A_481 = arith.constant 0 : i32
    %dma_wait3A_482 = arith.constant 0 : i32
    %dma_wait3A_483 = tpu.memref_slice %arg20[%dma_wait3A_481, %dma_wait3A_482] : memref<1000x128xf32, #tpu.memory_space<vmem_shared>> -> memref<1000x128xf32, #tpu.memory_space<vmem_shared>>
    tpu.wait_indirect_dma semaphore(%arg23 : memref<!tpu.dma_semaphore, #tpu.memory_space<semaphore_mem>>) src(%dma_wait3A_483 : memref<1000x128xf32, #tpu.memory_space<vmem_shared>>) dst(%arg17 : memref<64x128xf32, #tpu.memory_space<vmem>>)
    %scan3A_484 = arith.constant 0 : i32
    %scan3A_485 = arith.constant 0 : i32
    %scan3A_486 = arith.constant 64 : i32
    %scan3A_487 = arith.addi %scan3A_485, %scan3A_486 : i32
    %scan3A_488 = arith.constant 1 : i32
    %scan3A_489 = scf.for %scan3A_505 = %scan3A_485 to %scan3A_487 step %scan3A_488 iter_args(%scan3A_506 = %scan3A_484) -> (i32)  : i32 {
      %get3A = arith.index_cast %scan3A_505 : i32 to index
      %get3A_507 = arith.constant 0 : index
      %get3A_508 = tpu.vector_load %arg16[%get3A, %get3A_507] {strides = array<i32>} : memref<64x128xf32, #tpu.memory_space<vmem>>, vector<1x16xf32>,
      %get3A_509 = vector.shape_cast %get3A_508 : vector<1x16xf32> to vector<16xf32>
      %get3A_510 = arith.index_cast %scan3A_505 : i32 to index
      %get3A_511 = arith.constant 0 : index
      %get3A_512 = tpu.vector_load %arg17[%get3A_510, %get3A_511] {strides = array<i32>} : memref<64x128xf32, #tpu.memory_space<vmem>>, vector<1x16xf32>,
      %get3A_513 = vector.shape_cast %get3A_512 : vector<1x16xf32> to vector<16xf32>
      %add3A_514 = arith.addf %get3A_509, %get3A_513 : vector<16xf32>
      %swap3A = arith.index_cast %scan3A_505 : i32 to index
      %swap3A_515 = arith.constant 0 : index
      %swap3A_516 = tpu.vector_load %arg15[%swap3A, %swap3A_515] {strides = array<i32>} : memref<64x128xf32, #tpu.memory_space<vmem>>, vector<1x16xf32>,
      %swap3A_517 = vector.shape_cast %swap3A_516 : vector<1x16xf32> to vector<16xf32>
      %swap3A_518 = vector.shape_cast %add3A_514 : vector<16xf32> to vector<1x16xf32>
      tpu.vector_store %arg15[%swap3A, %swap3A_515], %swap3A_518 {add = true, strides = array<i32>} : memref<64x128xf32, #tpu.memory_space<vmem>>, vector<1x16xf32>,
      %get3A_519 = arith.index_cast %scan3A_505 : i32 to index
      %get3A_520 = arith.constant 16 : index
      %get3A_521 = tpu.vector_load %arg16[%get3A_519, %get3A_520] {strides = array<i32>} : memref<64x128xf32, #tpu.memory_space<vmem>>, vector<1x16xf32>,
      %get3A_522 = vector.shape_cast %get3A_521 : vector<1x16xf32> to vector<16xf32>
      %get3A_523 = arith.index_cast %scan3A_505 : i32 to index
      %get3A_524 = arith.constant 16 : index
      %get3A_525 = tpu.vector_load %arg17[%get3A_523, %get3A_524] {strides = array<i32>} : memref<64x128xf32, #tpu.memory_space<vmem>>, vector<1x16xf32>,
      %get3A_526 = vector.shape_cast %get3A_525 : vector<1x16xf32> to vector<16xf32>
      %add3A_527 = arith.addf %get3A_522, %get3A_526 : vector<16xf32>
      %swap3A_528 = arith.index_cast %scan3A_505 : i32 to index
      %swap3A_529 = arith.constant 16 : index
      %swap3A_530 = tpu.vector_load %arg15[%swap3A_528, %swap3A_529] {strides = array<i32>} : memref<64x128xf32, #tpu.memory_space<vmem>>, vector<1x16xf32>,
      %swap3A_531 = vector.shape_cast %swap3A_530 : vector<1x16xf32> to vector<16xf32>
      %swap3A_532 = vector.shape_cast %add3A_527 : vector<16xf32> to vector<1x16xf32>
      tpu.vector_store %arg15[%swap3A_528, %swap3A_529], %swap3A_532 {add = true, strides = array<i32>} : memref<64x128xf32, #tpu.memory_space<vmem>>, vector<1x16xf32>,
      %get3A_533 = arith.index_cast %scan3A_505 : i32 to index
      %get3A_534 = arith.constant 32 : index
      %get3A_535 = tpu.vector_load %arg16[%get3A_533, %get3A_534] {strides = array<i32>} : memref<64x128xf32, #tpu.memory_space<vmem>>, vector<1x16xf32>,
      %get3A_536 = vector.shape_cast %get3A_535 : vector<1x16xf32> to vector<16xf32>
      %get3A_537 = arith.index_cast %scan3A_505 : i32 to index
      %get3A_538 = arith.constant 32 : index
      %get3A_539 = tpu.vector_load %arg17[%get3A_537, %get3A_538] {strides = array<i32>} : memref<64x128xf32, #tpu.memory_space<vmem>>, vector<1x16xf32>,
      %get3A_540 = vector.shape_cast %get3A_539 : vector<1x16xf32> to vector<16xf32>
      %add3A_541 = arith.addf %get3A_536, %get3A_540 : vector<16xf32>
      %swap3A_542 = arith.index_cast %scan3A_505 : i32 to index
      %swap3A_543 = arith.constant 32 : index
      %swap3A_544 = tpu.vector_load %arg15[%swap3A_542, %swap3A_543] {strides = array<i32>} : memref<64x128xf32, #tpu.memory_space<vmem>>, vector<1x16xf32>,
      %swap3A_545 = vector.shape_cast %swap3A_544 : vector<1x16xf32> to vector<16xf32>
      %swap3A_546 = vector.shape_cast %add3A_541 : vector<16xf32> to vector<1x16xf32>
      tpu.vector_store %arg15[%swap3A_542, %swap3A_543], %swap3A_546 {add = true, strides = array<i32>} : memref<64x128xf32, #tpu.memory_space<vmem>>, vector<1x16xf32>,
      %get3A_547 = arith.index_cast %scan3A_505 : i32 to index
      %get3A_548 = arith.constant 48 : index
      %get3A_549 = tpu.vector_load %arg16[%get3A_547, %get3A_548] {strides = array<i32>} : memref<64x128xf32, #tpu.memory_space<vmem>>, vector<1x16xf32>,
      %get3A_550 = vector.shape_cast %get3A_549 : vector<1x16xf32> to vector<16xf32>
      %get3A_551 = arith.index_cast %scan3A_505 : i32 to index
      %get3A_552 = arith.constant 48 : index
      %get3A_553 = tpu.vector_load %arg17[%get3A_551, %get3A_552] {strides = array<i32>} : memref<64x128xf32, #tpu.memory_space<vmem>>, vector<1x16xf32>,
      %get3A_554 = vector.shape_cast %get3A_553 : vector<1x16xf32> to vector<16xf32>
      %add3A_555 = arith.addf %get3A_550, %get3A_554 : vector<16xf32>
      %swap3A_556 = arith.index_cast %scan3A_505 : i32 to index
      %swap3A_557 = arith.constant 48 : index
      %swap3A_558 = tpu.vector_load %arg15[%swap3A_556, %swap3A_557] {strides = array<i32>} : memref<64x128xf32, #tpu.memory_space<vmem>>, vector<1x16xf32>,
      %swap3A_559 = vector.shape_cast %swap3A_558 : vector<1x16xf32> to vector<16xf32>
      %swap3A_560 = vector.shape_cast %add3A_555 : vector<16xf32> to vector<1x16xf32>
      tpu.vector_store %arg15[%swap3A_556, %swap3A_557], %swap3A_560 {add = true, strides = array<i32>} : memref<64x128xf32, #tpu.memory_space<vmem>>, vector<1x16xf32>,
      %get3A_561 = arith.index_cast %scan3A_505 : i32 to index
      %get3A_562 = arith.constant 64 : index
      %get3A_563 = tpu.vector_load %arg16[%get3A_561, %get3A_562] {strides = array<i32>} : memref<64x128xf32, #tpu.memory_space<vmem>>, vector<1x16xf32>,
      %get3A_564 = vector.shape_cast %get3A_563 : vector<1x16xf32> to vector<16xf32>
      %get3A_565 = arith.index_cast %scan3A_505 : i32 to index
      %get3A_566 = arith.constant 64 : index
      %get3A_567 = tpu.vector_load %arg17[%get3A_565, %get3A_566] {strides = array<i32>} : memref<64x128xf32, #tpu.memory_space<vmem>>, vector<1x16xf32>,
      %get3A_568 = vector.shape_cast %get3A_567 : vector<1x16xf32> to vector<16xf32>
      %add3A_569 = arith.addf %get3A_564, %get3A_568 : vector<16xf32>
      %swap3A_570 = arith.index_cast %scan3A_505 : i32 to index
      %swap3A_571 = arith.constant 64 : index
      %swap3A_572 = tpu.vector_load %arg15[%swap3A_570, %swap3A_571] {strides = array<i32>} : memref<64x128xf32, #tpu.memory_space<vmem>>, vector<1x16xf32>,
      %swap3A_573 = vector.shape_cast %swap3A_572 : vector<1x16xf32> to vector<16xf32>
      %swap3A_574 = vector.shape_cast %add3A_569 : vector<16xf32> to vector<1x16xf32>
      tpu.vector_store %arg15[%swap3A_570, %swap3A_571], %swap3A_574 {add = true, strides = array<i32>} : memref<64x128xf32, #tpu.memory_space<vmem>>, vector<1x16xf32>,
      %get3A_575 = arith.index_cast %scan3A_505 : i32 to index
      %get3A_576 = arith.constant 80 : index
      %get3A_577 = tpu.vector_load %arg16[%get3A_575, %get3A_576] {strides = array<i32>} : memref<64x128xf32, #tpu.memory_space<vmem>>, vector<1x16xf32>,
      %get3A_578 = vector.shape_cast %get3A_577 : vector<1x16xf32> to vector<16xf32>
      %get3A_579 = arith.index_cast %scan3A_505 : i32 to index
      %get3A_580 = arith.constant 80 : index
      %get3A_581 = tpu.vector_load %arg17[%get3A_579, %get3A_580] {strides = array<i32>} : memref<64x128xf32, #tpu.memory_space<vmem>>, vector<1x16xf32>,
      %get3A_582 = vector.shape_cast %get3A_581 : vector<1x16xf32> to vector<16xf32>
      %add3A_583 = arith.addf %get3A_578, %get3A_582 : vector<16xf32>
      %swap3A_584 = arith.index_cast %scan3A_505 : i32 to index
      %swap3A_585 = arith.constant 80 : index
      %swap3A_586 = tpu.vector_load %arg15[%swap3A_584, %swap3A_585] {strides = array<i32>} : memref<64x128xf32, #tpu.memory_space<vmem>>, vector<1x16xf32>,
      %swap3A_587 = vector.shape_cast %swap3A_586 : vector<1x16xf32> to vector<16xf32>
      %swap3A_588 = vector.shape_cast %add3A_583 : vector<16xf32> to vector<1x16xf32>
      tpu.vector_store %arg15[%swap3A_584, %swap3A_585], %swap3A_588 {add = true, strides = array<i32>} : memref<64x128xf32, #tpu.memory_space<vmem>>, vector<1x16xf32>,
      %get3A_589 = arith.index_cast %scan3A_505 : i32 to index
      %get3A_590 = arith.constant 96 : index
      %get3A_591 = tpu.vector_load %arg16[%get3A_589, %get3A_590] {strides = array<i32>} : memref<64x128xf32, #tpu.memory_space<vmem>>, vector<1x16xf32>,
      %get3A_592 = vector.shape_cast %get3A_591 : vector<1x16xf32> to vector<16xf32>
      %get3A_593 = arith.index_cast %scan3A_505 : i32 to index
      %get3A_594 = arith.constant 96 : index
      %get3A_595 = tpu.vector_load %arg17[%get3A_593, %get3A_594] {strides = array<i32>} : memref<64x128xf32, #tpu.memory_space<vmem>>, vector<1x16xf32>,
      %get3A_596 = vector.shape_cast %get3A_595 : vector<1x16xf32> to vector<16xf32>
      %add3A_597 = arith.addf %get3A_592, %get3A_596 : vector<16xf32>
      %swap3A_598 = arith.index_cast %scan3A_505 : i32 to index
      %swap3A_599 = arith.constant 96 : index
      %swap3A_600 = tpu.vector_load %arg15[%swap3A_598, %swap3A_599] {strides = array<i32>} : memref<64x128xf32, #tpu.memory_space<vmem>>, vector<1x16xf32>,
      %swap3A_601 = vector.shape_cast %swap3A_600 : vector<1x16xf32> to vector<16xf32>
      %swap3A_602 = vector.shape_cast %add3A_597 : vector<16xf32> to vector<1x16xf32>
      tpu.vector_store %arg15[%swap3A_598, %swap3A_599], %swap3A_602 {add = true, strides = array<i32>} : memref<64x128xf32, #tpu.memory_space<vmem>>, vector<1x16xf32>,
      %get3A_603 = arith.index_cast %scan3A_505 : i32 to index
      %get3A_604 = arith.constant 112 : index
      %get3A_605 = tpu.vector_load %arg16[%get3A_603, %get3A_604] {strides = array<i32>} : memref<64x128xf32, #tpu.memory_space<vmem>>, vector<1x16xf32>,
      %get3A_606 = vector.shape_cast %get3A_605 : vector<1x16xf32> to vector<16xf32>
      %get3A_607 = arith.index_cast %scan3A_505 : i32 to index
      %get3A_608 = arith.constant 112 : index
      %get3A_609 = tpu.vector_load %arg17[%get3A_607, %get3A_608] {strides = array<i32>} : memref<64x128xf32, #tpu.memory_space<vmem>>, vector<1x16xf32>,
      %get3A_610 = vector.shape_cast %get3A_609 : vector<1x16xf32> to vector<16xf32>
      %add3A_611 = arith.addf %get3A_606, %get3A_610 : vector<16xf32>
      %swap3A_612 = arith.index_cast %scan3A_505 : i32 to index
      %swap3A_613 = arith.constant 112 : index
      %swap3A_614 = tpu.vector_load %arg15[%swap3A_612, %swap3A_613] {strides = array<i32>} : memref<64x128xf32, #tpu.memory_space<vmem>>, vector<1x16xf32>,
      %swap3A_615 = vector.shape_cast %swap3A_614 : vector<1x16xf32> to vector<16xf32>
      %swap3A_616 = vector.shape_cast %add3A_611 : vector<16xf32> to vector<1x16xf32>
      tpu.vector_store %arg15[%swap3A_612, %swap3A_613], %swap3A_616 {add = true, strides = array<i32>} : memref<64x128xf32, #tpu.memory_space<vmem>>, vector<1x16xf32>,
      %scan3A_617 = arith.constant 0 : i32
      scf.yield %scan3A_617 : i32
    }
    %scan3A_490 = arith.constant 64 : i32
    %add3A_491 = arith.constant 448 : i32
    %add3A_492 = arith.addi %mul3A_2, %add3A_491 : i32
    %dma_start3A_493 = arith.constant 0 : i32
    %dma_start3A_494 = tpu.memref_slice %arg8[%add3A_492, %dma_start3A_493] : memref<16384x128xf32, #tpu.memory_space<hbm>> -> memref<64x128xf32, #tpu.memory_space<hbm>>
    %dma_start3A_495 = arith.constant 0 : i32
    %dma_start3A_496 = tpu.memref_slice %arg8[%add3A_492, %dma_start3A_495] : memref<16384x128xf32, #tpu.memory_space<hbm>> -> memref<64x128xf32, #tpu.memory_space<hbm>>
    tpu.enqueue_dma source(%arg15 : memref<64x128xf32, #tpu.memory_space<vmem>>) target(%dma_start3A_496 : memref<64x128xf32, #tpu.memory_space<hbm>>) target_semaphore(%arg24 : memref<!tpu.dma_semaphore, #tpu.memory_space<semaphore_mem>>)
    %dma_wait3A_497 = arith.constant 0 : i32
    %dma_wait3A_498 = tpu.memref_slice %arg8[%add3A_464, %dma_wait3A_497] : memref<16384x128xf32, #tpu.memory_space<hbm>> -> memref<64x128xf32, #tpu.memory_space<hbm>>
    %dma_wait3A_499 = arith.constant 0 : i32
    %dma_wait3A_500 = tpu.memref_slice %arg8[%add3A_464, %dma_wait3A_499] : memref<16384x128xf32, #tpu.memory_space<hbm>> -> memref<64x128xf32, #tpu.memory_space<hbm>>
    tpu.wait_dma2 semaphore(%arg24 : memref<!tpu.dma_semaphore, #tpu.memory_space<semaphore_mem>>) src(%arg12 : memref<64x128xf32, #tpu.memory_space<vmem>>) dst(%dma_wait3A_500 : memref<64x128xf32, #tpu.memory_space<hbm>>)
    %dma_wait3A_501 = arith.constant 0 : i32
    %dma_wait3A_502 = tpu.memref_slice %arg8[%add3A_492, %dma_wait3A_501] : memref<16384x128xf32, #tpu.memory_space<hbm>> -> memref<64x128xf32, #tpu.memory_space<hbm>>
    %dma_wait3A_503 = arith.constant 0 : i32
    %dma_wait3A_504 = tpu.memref_slice %arg8[%add3A_492, %dma_wait3A_503] : memref<16384x128xf32, #tpu.memory_space<hbm>> -> memref<64x128xf32, #tpu.memory_space<hbm>>
    tpu.wait_dma2 semaphore(%arg24 : memref<!tpu.dma_semaphore, #tpu.memory_space<semaphore_mem>>) src(%arg15 : memref<64x128xf32, #tpu.memory_space<vmem>>) dst(%dma_wait3A_504 : memref<64x128xf32, #tpu.memory_space<hbm>>)
    return
  }
}

module attributes {stable_mosaic.version = 14 : i64} {
  func.func @_mlp_body(%arg0: i32, %arg1: memref<8192x128xf32, #tpu.memory_space<vmem>>, %arg2: memref<3x128xf32, #tpu.memory_space<vmem>>, %arg3: memref<3x1xf32, #tpu.memory_space<vmem>>, %arg4: memref<3x8192xf32, #tpu.memory_space<vmem>>) attributes {dimension_semantics = [#tpu.dimension_semantics<arbitrary>], iteration_bounds = array<i64: 2>, scalar_prefetch = 0 : i64, scratch_operands = 0 : i64, tpu.core_type = #tpu.core_type<tc>, window_params = [{transform_indices = @transform_0, window_bounds = array<i64: 8192, 128>}, {pipeline_mode = #tpu.pipeline_mode<synchronous>, transform_indices = @transform_1, window_bounds = array<i64: 3, 128>}, {pipeline_mode = #tpu.pipeline_mode<synchronous>, transform_indices = @transform_2, window_bounds = array<i64: 3, 1>}, {transform_indices = @transform_3, window_bounds = array<i64: 3, 8192>}]} {
    %get3A = arith.constant 0 : index
    %get3A_0 = arith.constant 0 : index
    %get3A_1 = vector.load %arg1[%get3A, %get3A_0] : memref<8192x128xf32, #tpu.memory_space<vmem>>, vector<8192x128xf32>
    %tanh3A = math.tanh %get3A_1 : vector<8192x128xf32>
    %get3A_2 = arith.constant 0 : index
    %get3A_3 = arith.constant 0 : index
    %get3A_4 = vector.load %arg2[%get3A_2, %get3A_3] : memref<3x128xf32, #tpu.memory_space<vmem>>, vector<3x128xf32>
    %dot_general3A = arith.constant dense<0.000000e+00> : vector<3x8192xf32>
    %dot_general3A_5 = tpu.matmul %get3A_4, %tanh3A, %dot_general3A {dimension_numbers = #tpu.dot_dimension_numbers<[1], [1], [0], [0], [0, 0, 1, 0], [], []>, transpose_lhs_hint = false} : vector<3x128xf32>, vector<8192x128xf32>, vector<3x8192xf32> -> vector<3x8192xf32>
    %get3A_6 = arith.constant 0 : index
    %get3A_7 = arith.constant 0 : index
    %get3A_8 = vector.load %arg3[%get3A_6, %get3A_7] : memref<3x1xf32, #tpu.memory_space<vmem>>, vector<3x1xf32>
    %add3A = vector.broadcast %get3A_8 : vector<3x1xf32> to vector<3x8192xf32>
    %add3A_9 = arith.addf %dot_general3A_5, %add3A : vector<3x8192xf32>
    %swap3A = arith.constant 0 : index
    %swap3A_10 = arith.constant 0 : index
    %swap3A_11 = vector.load %arg4[%swap3A, %swap3A_10] : memref<3x8192xf32, #tpu.memory_space<vmem>>, vector<3x8192xf32>
    tpu.vector_store %arg4[%swap3A, %swap3A_10], %add3A_9 {strides = array<i32>} : memref<3x8192xf32, #tpu.memory_space<vmem>>, vector<3x8192xf32>,
    return
  }
  func.func @transform_0(%arg0: i32) -> (i32, i32) {
    %c0_i32 = arith.constant 0 : i32
    %c0_i32_0 = arith.constant 0 : i32
    return %arg0, %c0_i32 : i32, i32
  }
  func.func @transform_1(%arg0: i32) -> (i32, i32) {
    %c0_i32 = arith.constant 0 : i32
    %c0_i32_0 = arith.constant 0 : i32
    %c0_i32_1 = arith.constant 0 : i32
    return %c0_i32, %c0_i32_0 : i32, i32
  }
  func.func @transform_2(%arg0: i32) -> (i32, i32) {
    %c0_i32 = arith.constant 0 : i32
    %c0_i32_0 = arith.constant 0 : i32
    %c0_i32_1 = arith.constant 0 : i32
    return %c0_i32, %c0_i32_0 : i32, i32
  }
  func.func @transform_3(%arg0: i32) -> (i32, i32) {
    %c0_i32 = arith.constant 0 : i32
    %c0_i32_0 = arith.constant 0 : i32
    return %c0_i32, %arg0 : i32, i32
  }
}

module attributes {stable_mosaic.version = 14 : i64} {
  func.func @_tables_body(%arg0: memref<1000x128xf32, #tpu.memory_space<vmem>>, %arg1: memref<384x128xf32, #tpu.memory_space<vmem>>, %arg2: memref<1x128xf32, #tpu.memory_space<vmem>>, %arg3: memref<1000x128xf32, #tpu.memory_space<vmem>>, %arg4: memref<1000x128xf32, #tpu.memory_space<vmem>>, %arg5: memref<1000x128xf32, #tpu.memory_space<vmem>>) attributes {dimension_semantics = [], scalar_prefetch = 0 : i64, scratch_operands = 0 : i64, tpu.core_type = #tpu.core_type<tc>} {
    %get3A = arith.constant 0 : index
    %get3A_0 = arith.constant 0 : index
    %get3A_1 = vector.load %arg0[%get3A, %get3A_0] : memref<1000x128xf32, #tpu.memory_space<vmem>>, vector<1000x128xf32>
    %get3A_2 = arith.constant 0 : index
    %get3A_3 = arith.constant 0 : index
    %get3A_4 = vector.load %arg2[%get3A_2, %get3A_3] : memref<1x128xf32, #tpu.memory_space<vmem>>, vector<1x128xf32>
    %mul3A = arith.constant 0.333333343 : f32
    %mul3A_5 = vector.broadcast %mul3A : f32 to vector<1x128xf32>
    %mul3A_6 = arith.mulf %get3A_4, %mul3A_5 : vector<1x128xf32>
    %get3A_7 = arith.constant 0 : index
    %get3A_8 = arith.constant 0 : index
    %get3A_9 = vector.load %arg1[%get3A_7, %get3A_8] : memref<384x128xf32, #tpu.memory_space<vmem>>, vector<128x128xf32>
    %dot_general3A = arith.constant dense<0.000000e+00> : vector<1000x128xf32>
    %dot_general3A_10 = tpu.matmul %get3A_1, %get3A_9, %dot_general3A {dimension_numbers = #tpu.dot_dimension_numbers<[1], [0], [0], [1], [0, 0, 1, 1], [], []>, transpose_lhs_hint = false} : vector<1000x128xf32>, vector<128x128xf32>, vector<1000x128xf32> -> vector<1000x128xf32>
    %add3A = vector.broadcast %mul3A_6 : vector<1x128xf32> to vector<1000x128xf32>
    %add3A_11 = arith.addf %dot_general3A_10, %add3A : vector<1000x128xf32>
    %swap3A = arith.constant 0 : index
    %swap3A_12 = arith.constant 0 : index
    %swap3A_13 = vector.load %arg3[%swap3A, %swap3A_12] : memref<1000x128xf32, #tpu.memory_space<vmem>>, vector<1000x128xf32>
    tpu.vector_store %arg3[%swap3A, %swap3A_12], %add3A_11 {strides = array<i32>} : memref<1000x128xf32, #tpu.memory_space<vmem>>, vector<1000x128xf32>,
    %get3A_14 = arith.constant 128 : index
    %get3A_15 = arith.constant 0 : index
    %get3A_16 = vector.load %arg1[%get3A_14, %get3A_15] : memref<384x128xf32, #tpu.memory_space<vmem>>, vector<128x128xf32>
    %dot_general3A_17 = arith.constant dense<0.000000e+00> : vector<1000x128xf32>
    %dot_general3A_18 = tpu.matmul %get3A_1, %get3A_16, %dot_general3A_17 {dimension_numbers = #tpu.dot_dimension_numbers<[1], [0], [0], [1], [0, 0, 1, 1], [], []>, transpose_lhs_hint = false} : vector<1000x128xf32>, vector<128x128xf32>, vector<1000x128xf32> -> vector<1000x128xf32>
    %add3A_19 = vector.broadcast %mul3A_6 : vector<1x128xf32> to vector<1000x128xf32>
    %add3A_20 = arith.addf %dot_general3A_18, %add3A_19 : vector<1000x128xf32>
    %swap3A_21 = arith.constant 0 : index
    %swap3A_22 = arith.constant 0 : index
    %swap3A_23 = vector.load %arg4[%swap3A_21, %swap3A_22] : memref<1000x128xf32, #tpu.memory_space<vmem>>, vector<1000x128xf32>
    tpu.vector_store %arg4[%swap3A_21, %swap3A_22], %add3A_20 {strides = array<i32>} : memref<1000x128xf32, #tpu.memory_space<vmem>>, vector<1000x128xf32>,
    %get3A_24 = arith.constant 256 : index
    %get3A_25 = arith.constant 0 : index
    %get3A_26 = vector.load %arg1[%get3A_24, %get3A_25] : memref<384x128xf32, #tpu.memory_space<vmem>>, vector<128x128xf32>
    %dot_general3A_27 = arith.constant dense<0.000000e+00> : vector<1000x128xf32>
    %dot_general3A_28 = tpu.matmul %get3A_1, %get3A_26, %dot_general3A_27 {dimension_numbers = #tpu.dot_dimension_numbers<[1], [0], [0], [1], [0, 0, 1, 1], [], []>, transpose_lhs_hint = false} : vector<1000x128xf32>, vector<128x128xf32>, vector<1000x128xf32> -> vector<1000x128xf32>
    %add3A_29 = vector.broadcast %mul3A_6 : vector<1x128xf32> to vector<1000x128xf32>
    %add3A_30 = arith.addf %dot_general3A_28, %add3A_29 : vector<1000x128xf32>
    %swap3A_31 = arith.constant 0 : index
    %swap3A_32 = arith.constant 0 : index
    %swap3A_33 = vector.load %arg5[%swap3A_31, %swap3A_32] : memref<1000x128xf32, #tpu.memory_space<vmem>>, vector<1000x128xf32>
    tpu.vector_store %arg5[%swap3A_31, %swap3A_32], %add3A_30 {strides = array<i32>} : memref<1000x128xf32, #tpu.memory_space<vmem>>, vector<1000x128xf32>,
    return
  }
}

</mosaic_0001>

<sc_bundles>
// kernel: kernel.5.cloned.1.call-start
scs
__scs_entry_jumppad:
0x0: {  	(pc) =	sbr.rel $0x88, $3  }
0x1: {  	(tag) =	ssettag $0x0;
	lr =	simm.s32 $0x1  }
0x2: {  	[smem:$0x3F9B] =	sst lr;
	_ =	strace $0xD0000000  }
0x3: {  	_ = 	snop  }
0x4: {  	_ = 	snop  }
0x5: {  	_ = 	snop  }
0x6: {  	_ = 	snop  }
0x7: {  	_ = 	snop  }
__scs_overlays_trampoline_lowered:
0x8: {  	[smem:$0x3FAA] =	sst s0  }
0x9: {  	[smem:$0x3FAB] =	sst s1  }
0xa: {  	[smem:$0x3FAC] =	sst s2  }
0xb: {  	[smem:$0x3FAD] =	sst s3  }
0xc: {  	[smem:$0x3FAE] =	sst s4  }
0xd: {  	[smem:$0x3FAF] =	sst s5  }
0xe: {  	[smem:$0x3FB0] =	sst s6  }
0xf: {  	[smem:$0x3FB1] =	sst s7  }
0x10: {  	[smem:$0x3FB2] =	sst s8  }
0x11: {  	[smem:$0x3FB3] =	sst s9;
	s0 =	simm.s32 @!p0 $0x0  }
0x12: {  	s1 =	sld [smem:$0x3F99];
	s0 =	simm.s32 @p0 $0x1  }
0x13: {  	[smem:$0x3FB4] =	sst s0;
	s0 =	simm.s32 @!p1 $0x0  }
0x14: {  	s2 =	sld [smem:$0x3F98];
	s0 =	simm.s32 @p1 $0x1  }
0x15: {  	[smem:$0x3FB5] =	sst s0;
	s0 =	simm.s32 @!p2 $0x0  }
0x16: {  	s3 =	sld [smem:$0x3FDB];
	s0 =	simm.s32 @p2 $0x1  }
0x17: {  	s4 =	simm.s32 $0x1BF5;
	[smem:$0x3FB7] =	sst s0  }
0x18: {  	s0 =	sld [smem:$0x3F9A];
	_ =	swait.ge [sflag:s4], $0x0  }
0x19: {  	s7 =	sld [smem:$0x3F9B]  }
0x1a: {  	s8 =	sadd.s32 $0xFFFFE003, lr  }
0x1b: {  	s9 =	sadd.s32 $0xFFFFFEF7, lr;
	s5 =	simm.s32 $0xFFFFFFFF;
	p2 =	slt.u32 s8, $0xFFFFF086  }
0x1c: {  	p1 =	slt.u32 s9, $0xF7A;
	s5 =	simm.s32 @!p2 $0x0  }
0x1d: {  	s5 =	simm.s32 @p1 $0x1;
	p0 =	seq.s32 s7, s2  }
0x1e: {  	s7 =	smul.u32 @!p0 $0xF7A, s2;
	p2 =	seq.s32 @!p0 s5, $0x0  }
0x1f: {  	s9 =	smul.u32 $0xF7A, s1;
	s8 =	simm.s32 @!p0 $0x1BF5;
	p2 =	por !p2, p0  }
0x20: {  	[sflag:s8] =	ssyncset.s32 @!p0 $0xFFFFF086;
	s6 =	sadd.s32 @!p0 s3, s7;
	s7 =	simm.s32 @!p0 $0x108  }
0x21: {  	s3 =	sadd.s32 s3, s9;
	s6 =	sadd.s32 @!p0 $0x88, s6;
	s7 =	simm.s32 @p2 $0x1082  }
0x22: {  	[simem:s7], [sflag:s8] =	dma.local @!p0 [hbm:s6], $0xF7A  }
0x23: {  	s9 =	sor.u32 $0xD0000000, s2;
	s6 =	simm.s32 $0x108;
	_ =	swait.ge @!p0 [sflag:s8], $0x0  }
0x24: {  	s3 =	sadd.s32 $0x88, s3;
	s6 =	simm.s32 @!p1 $0x1082;
	[sflag:s4] =	ssyncset.s32 $0xFFFFF086  }
0x25: {  	[simem:s6], [sflag:s4] =	dma.local [hbm:s3], $0xF7A  }
0x26: {  	[smem:$0x3F9B] =	sst s1;
	(tag) =	ssettag s2;
	_ =	strace s9  }
0x27: {  	s1 =	sld [smem:$0x3FAB]  }
0x28: {  	s2 =	sld [smem:$0x3FAC]  }
0x29: {  	s4 =	sld [smem:$0x3FAE]  }
0x2a: {  	p0 =	seq.s32 s5, $0x0;
	s5 =	sld [smem:$0x3FAF]  }
0x2b: {  	s6 =	sld [smem:$0x3FB0]  }
0x2c: {  	s7 =	sld [smem:$0x3FB1]  }
0x2d: {  	s3 =	simm.s32 $0x108;
	s8 =	sld [smem:$0x3FB2]  }
0x2e: {  	s3 =	simm.s32 @!p0 $0x1082;
	s9 =	sld [smem:$0x3FB3]  }
0x2f: {  	lr =	sadd.s32 s0, s3;
	s0 =	sld [smem:$0x3FAA]  }
0x30: {  	s3 =	sld [smem:$0x3FAD]  }
0x31: {  	[smem:$0x3FB6] =	sst s10  }
0x32: {  	s10 =	sld [smem:$0x3FB4];
	_ =	sdelay $0x3  }
0x33: {  	p0 =	seq.s32 s10, $0x1;
	s10 =	sld [smem:$0x3FB6];
	_ =	sdelay $0x3  }
0x34: {  	[smem:$0x3FB6] =	sst s10  }
0x35: {  	s10 =	sld [smem:$0x3FB5];
	_ =	sdelay $0x3  }
0x36: {  	p1 =	seq.s32 s10, $0x1;
	s10 =	sld [smem:$0x3FB6];
	_ =	sdelay $0x3  }
0x37: {  	[smem:$0x3FB6] =	sst s10  }
0x38: {  	s10 =	sld [smem:$0x3FB7]  }
0x39: {  	_ = 	snop;
	(pc) =	sbr.ind lr, $3  }
0x3a: {  	_ = 	snop  }
0x3b: {  	_ = 	snop  }
0x3c: {  	p2 =	seq.s32 s10, $0x1;
	s10 =	sld [smem:$0x3FB6]  }
0x3d: {  	_ =	shalt  }
0x3e: {  	_ =	shalt  }
0x3f: {  	_ =	shalt  }
0x40: {  	_ =	shalt  }
0x41: {  	_ =	shalt  }
0x42: {  	_ =	shalt  }
0x43: {  	_ =	shalt  }
0x44: {  	_ =	shalt  }
0x45: {  	_ =	shalt  }
0x46: {  	_ =	shalt  }
0x47: {  	_ =	shalt  }
0x48: {  	_ =	shalt  }
0x49: {  	_ =	shalt  }
0x4a: {  	_ =	shalt  }
0x4b: {  	_ =	shalt  }
0x4c: {  	_ =	shalt  }
0x4d: {  	_ =	shalt  }
0x4e: {  	_ =	shalt  }
0x4f: {  	_ =	shalt  }
0x50: {  	_ =	shalt  }
0x51: {  	_ =	shalt  }
0x52: {  	_ =	shalt  }
0x53: {  	_ =	shalt  }
0x54: {  	_ =	shalt  }
0x55: {  	_ =	shalt  }
0x56: {  	_ =	shalt  }
0x57: {  	_ =	shalt  }
0x58: {  	_ =	shalt  }
0x59: {  	_ =	shalt  }
0x5a: {  	_ =	shalt  }
0x5b: {  	_ =	shalt  }
0x5c: {  	_ =	shalt  }
0x5d: {  	_ =	shalt  }
0x5e: {  	_ =	shalt  }
0x5f: {  	_ =	shalt  }
0x60: {  	_ =	shalt  }
0x61: {  	_ =	shalt  }
0x62: {  	_ =	shalt  }
0x63: {  	_ =	shalt  }
0x64: {  	_ =	shalt  }
0x65: {  	_ =	shalt  }
0x66: {  	_ =	shalt  }
0x67: {  	_ =	shalt  }
0x68: {  	_ =	shalt  }
0x69: {  	_ =	shalt  }
0x6a: {  	_ =	shalt  }
0x6b: {  	_ =	shalt  }
0x6c: {  	_ =	shalt  }
0x6d: {  	_ =	shalt  }
0x6e: {  	_ =	shalt  }
0x6f: {  	_ =	shalt  }
0x70: {  	_ =	shalt  }
0x71: {  	_ =	shalt  }
0x72: {  	_ =	shalt  }
0x73: {  	_ =	shalt  }
0x74: {  	_ =	shalt  }
0x75: {  	_ =	shalt  }
0x76: {  	_ =	shalt  }
0x77: {  	_ =	shalt  }
0x78: {  	_ =	shalt  }
0x79: {  	_ =	shalt  }
0x7a: {  	_ =	shalt  }
0x7b: {  	_ =	shalt  }
0x7c: {  	_ =	shalt  }
0x7d: {  	_ =	shalt  }
0x7e: {  	_ =	shalt  }
0x7f: {  	_ =	shalt  }
0x80: {  	_ =	shalt  }
0x81: {  	_ =	shalt  }
0x82: {  	_ =	shalt  }
0x83: {  	_ =	shalt  }
0x84: {  	_ =	shalt  }
0x85: {  	_ =	shalt  }
0x86: {  	_ =	shalt  }
0x87: {  	_ =	shalt  }
.Lfunc_end0:
.L_simem_size_0:
called_computation_lowered:
.L_overlay_start_0:
0x88: {  	s2 =	sld [smem:$0x3FD9]  }
0x89: {  	s3 =	sld [smem:$0x3FFE];
	_ =	sdelay $0x1  }
0x8a: {  	s1 =	srdreg.scid  }
0x8b: {  	s0 =	sand.u32 $0x1, s1  }
0x8c: {  	s17 =	sshll.u32 s0, $0xA;
	s2 =	sadd.s32 s3, s2  }
0x8d: {  	s2 =	sadd.s32 s2, s17  }
0x8e: {  	[smem:$0x3FC2] =	sst s2  }
0x8f: {  	_ = 	snop  }
0x90: {  	s2 =	sld [smem:$0x3FD0];
	(tm) =	ssettm $0x1  }
0x91: {  	s18 =	sld [smem:$0x3FFB];
	_ =	sdelay $0x3  }
0x92: {  	_ =	strace s18  }
0x93: {  	s3 =	sld [smem:$0x3FFC];
	_ =	sdelay $0x3  }
0x94: {  	_ =	strace s3  }
0x95: {  	s3 =	sld [smem:$0x3FFD];
	_ =	sdelay $0x3  }
0x96: {  	_ =	strace s3  }
0x97: {  	_ =	strace $0x8FFFFFFF  }
0x98: {  	s19 =	sld [smem:$0x3FDB];
	_ =	sdelay $0x1  }
0x99: {  	s4 =	simm.s32 $_scs_section_size  }
0x9a: {  	s5 =	simm.s32 $_size__tile_overlayer_lowered;
	s6 =	simm.s32 $_tile_overlayer_lowered  }
0x9b: {  	s22 =	simm.s32 $0x1BFF;
	s21 =	sshll.u32 s6, $0x1;
	s3 =	sadd.s32 s4, s19  }
0x9c: {  	s7 =	simm.s32 $0x0;
	s20 =	sshll.u32 s5, $0x1;
	s5 =	sadd.s32 s21, s3  }
0x9d: {  	[timem:s7], [sflag:s22] =	dma.local [hbm:s5], s20  }
0x9e: {  	_ =	swait.ge [sflag:s22], s20  }
0x9f: {  	s4 =	ssub.s32 $0x0, s20;
	[sflag:s22] =	ssyncset.done $0x0  }
0xa0: {  	[sflag:s22] =	ssyncadd.s32 s4;
	_ =	sdelay $0x1  }
0xa1: {  	s23 =	simm.s32 $0x1B8B  }
0xa2: {  	_ =	swait.ge [sflag:s23], $0x1  }
0xa3: {  	[sflag:s23] =	ssyncset.done $0x0  }
0xa4: {  	s25 =	simm.s32 $0x1B8E;
	s24 =	sld [smem:$0x3FFE];
	[sflag:s23] =	ssyncadd.s32 $0xFFFFFFFF  }
0xa5: {  	s26 =	simm.s32 $execute0_lowered;
	[smem:$0x3FD2] =	sst s25  }
0xa6: {  	s5 =	sshll.u32 s26, $0x1;
	_ =	strace $0x80000046;
	[dreg:$0x1] =	wrdreg $0xFFFFFFFF  }
0xa7: {  	s28 =	simm.s32 $_size_execute0_lowered;
	s3 =	sadd.s32 s3, s5;
	[dreg:$0x0] =	wrdreg $0x0  }
0xa8: {  	s5 =	sshll.u32 s28, $0x1;
	[dreg:$0x2] =	wrdreg s3  }
0xa9: {  	[dreg:$0x3] =	wrdreg s5  }
0xaa: {  	[dreg:$0x4] =	wrdreg $0xC0  }
0xab: {  	_ =	task [dreg:s7], $0x5FFFF  }
0xac: {  	[dreg:$0x1] =	wrdreg $0xFFFFFFFF  }
0xad: {  	[dreg:$0x0] =	wrdreg $0x60  }
0xae: {  	[dreg:$0x2] =	wrdreg s24  }
0xaf: {  	[dreg:$0x3] =	wrdreg s2  }
0xb0: {  	[dreg:$0x4] =	wrdreg $0xC6000  }
0xb1: {  	[dreg:$0x5] =	wrdreg $0xE5400  }
0xb2: {  	[dreg:$0x6] =	wrdreg $0x104800  }
0xb3: {  	[dreg:$0x7] =	wrdreg $0x9  }
0xb4: {  	_ =	task.clear_ibuf [dreg:s7], $0x8FFFF;
	_ =	strace $0x90000046  }
0xb5: {  	s29 =	simm.s32 $0x9;
	_ =	strace $0x80000048  }
0xb6: {  	_ =	swait.ge [sflag:s29], $0x1  }
0xb7: {  	[sflag:s29] =	ssyncadd.s32 $0xFFFFFFFF  }
0xb8: {  	_ =	strace $0x90000048  }
0xb9: {  	_ =	sfence  }
0xba: {  	s30 =	sld [smem:$0x0];
	_ =	sdelay $0x2  }
0xbb: {  	s31 =	sshll.u32 s1, $0xD;
	s1 =	sshrl.u32 s1, $0x2  }
0xbc: {  	s3 =	sand.u32 $0x4000, s31;
	s1 =	sadd.s32 s1, s30  }
0xbd: {  	s0 =	sor.u32 s3, s0;
	s1 =	sshll.u32 s1, $0x11  }
0xbe: {  	s0 =	sor.u32 s1, s0  }
0xbf: {  	s0 =	sadd.s32 $0x8F2B, s0  }
0xc0: {  	[sflag:s0] =	ssyncadd.remote.s32 $0x1  }
0xc1: {  	_ =	sfence.sel $0xFFFF  }
0xc2: {  	[dreg:$0x0] =	wrdreg $0xFFFFFFFF;
	(pc) =	sbr.abs _section_cstart, $3  }
0xc3: {  	[dreg:$0x1] =	wrdreg $0xFFFFFFFF  }
0xc4: {  	_ =	task.clear_ibuf [dreg:s7], $0x2FFFF;
	_ =	strace $0x9FFFFFFF  }
0xc5: {  	(tm) =	ssettm $0x7FFFFFFF  }
tec
execute0_lowered:
.L_overlay_start_1:
0x0: {  	(tag) =	ssettag $0x1  }
0x1: {  	s7 =	stileid.u32  }
0x2: {  	p0 =	sgt.s32 s7, $0x1  }
0x3: {  	p1 =	seq.s32 @p0 s7, $0x2  }
0x4: {  	p2 =	por !p1, !p0  }
0x5: {  	s0 =	simm.s32 @!p2 $0x0  }
0x6: {  	p1 =	por p1, !p0;
	s0 =	simm.s32 @p2 $0x1  }
0x7: {  	p2 =	seq.s32 @!p0 s7, $0x0;
	[smem:$0x7DE] =	sst s0;
	s0 =	simm.s32 @!p1 $0x0  }
0x8: {  	s0 =	simm.s32 @p1 $0x1;
	p1 =	por !p2, p0  }
0x9: {  	[smem:$0x7E1] =	sst s0;
	s0 =	simm.s32 @!p1 $0x0  }
0xa: {  	p3 =	sgt.s32 s7, $0x5;
	p0 =	por p2, p0;
	s0 =	simm.s32 @p1 $0x1  }
0xb: {  	p1 =	seq.s32 @p3 s7, $0x6;
	[smem:$0x7D8] =	sst s0;
	s0 =	simm.s32 @!p0 $0x0  }
0xc: {  	s0 =	simm.s32 @p0 $0x1;
	p0 =	por !p1, !p3  }
0xd: {  	[smem:$0x7E4] =	sst s0;
	s0 =	simm.s32 @!p0 $0x0  }
0xe: {  	p1 =	por p1, !p3;
	s0 =	simm.s32 @p0 $0x1  }
0xf: {  	[smem:$0x7E7] =	sst s0;
	s0 =	simm.s32 @!p1 $0x0  }
0x10: {  	s0 =	simm.s32 @p1 $0x1;
	p1 =	seq.s32 @!p3 s7, $0x4  }
0x11: {  	p2 =	por !p1, p3  }
0x12: {  	[smem:$0x7EA] =	sst s0;
	s0 =	simm.s32 @!p2 $0x0  }
0x13: {  	p0 =	sgt.s32 s7, $0xB;
	p1 =	por p1, p3;
	s0 =	simm.s32 @p2 $0x1  }
0x14: {  	p4 =	sgt.s32 @p0 s7, $0xD;
	[smem:$0x7ED] =	sst s0;
	s0 =	simm.s32 @!p1 $0x0  }
0x15: {  	s3 =	rddreg [dreg:$0x1];
	s0 =	simm.s32 @p1 $0x1;
	p1 =	por !p4, !p0  }
0x16: {  	s2 =	rddreg [dreg:$0x3];
	p2 =	seq.s32 @!p1 s7, $0xE;
	p1 =	por p4, !p0  }
0x17: {  	s5 =	simm.s32 $0x0;
	p5 =	seq.s32 @!p1 s7, $0xC;
	p1 =	por @p0 !p2, !p4  }
0x18: {  	[smem:$0x7FF] =	sst s5;
	s1 =	simm.s32 @!p1 $0x0  }
0x19: {  	[smem:$0x7F0] =	sst s0;
	s1 =	simm.s32 @p1 $0x1;
	p1 =	por @p0 p2, !p4  }
0x1a: {  	p6 =	sgt.s32 @!p0 s7, $0x9;
	[smem:$0x7D9] =	sst s1;
	s1 =	simm.s32 @!p1 $0x0  }
0x1b: {  	s0 =	rddreg [dreg:$0x0];
	p3 =	por @p0 p5, p4;
	s1 =	simm.s32 @p1 $0x1  }
0x1c: {  	p1 =	por @p0 !p5, p4;
	p5 =	por !p6, p0;
	s6 =	sld [smem:$0x7D9]  }
0x1d: {  	[smem:$0x7DA] =	sst s1;
	s1 =	simm.s32 @!p1 $0x0;
	p5 =	seq.s32 @!p5 s7, $0xA  }
0x1e: {  	s1 =	simm.s32 @p1 $0x1;
	p1 =	por p6, p0;
	p4 =	por @!p0 !p5, !p6  }
0x1f: {  	p5 =	por @!p0 p5, !p6;
	s17 =	sld [smem:$0x7DA];
	p1 =	seq.s32 @!p1 s7, $0x8  }
0x20: {  	[smem:$0x7DB] =	sst s1;
	p2 =	por @!p0 !p1, p6;
	p1 =	por @!p0 p1, p6  }
0x21: {  	s1 =	rddreg [dreg:$0x2];
	p6 =	seq.s32 s6, $0x1;
	s4 =	simm.s32 @!p1 $0x0  }
0x22: {  	s18 =	sld [smem:$0x7DB];
	s4 =	simm.s32 @p1 $0x1;
	p1 =	por p6, !p0  }
0x23: {  	p6 =	seq.s32 s17, $0x1;
	[smem:$0x7DC] =	sst s4;
	s6 =	simm.s32 @!p1 $0x0  }
0x24: {  	s4 =	rddreg [dreg:$0x4];
	s6 =	simm.s32 @p1 $0x1;
	p1 =	por p6, !p0  }
0x25: {  	[smem:$0x7F3] =	sst s6;
	s6 =	simm.s32 @!p1 $0x0  }
0x26: {  	s19 =	sld [smem:$0x7DC];
	s6 =	simm.s32 @p1 $0x1  }
0x27: {  	s8 =	sadd.s32 $0x2A00, s0;
	[smem:$0x7F5] =	sst s6  }
0x28: {  	s21 =	sadd.s32 $0x6A00, s0;
	_ =	strace $0x80000047;
	[dreg:$0x6] =	wrdreg s8  }
0x29: {  	s9 =	sadd.s32 $0xAA00, s0;
	[dreg:$0x7] =	wrdreg s21  }
0x2a: {  	s26 =	sadd.s32 $0x6200, s0;
	[dreg:$0x8] =	wrdreg s9  }
0x2b: {  	s11 =	sadd.s32 $0x5200, s0;
	[dreg:$0xc] =	wrdreg s26  }
0x2c: {  	s12 =	sadd.s32 $0x4A00, s0;
	[dreg:$0xf] =	wrdreg s11  }
0x2d: {  	s13 =	sadd.s32 $0x4200, s0;
	[dreg:$0x10] =	wrdreg s12  }
0x2e: {  	s20 =	srdreg.scid;
	s14 =	sadd.s32 $0x3A00, s0;
	[dreg:$0x11] =	wrdreg s13  }
0x2f: {  	s15 =	sadd.s32 $0x3200, s0;
	s16 =	sadd.s32 $0xA200, s0;
	[dreg:$0x12] =	wrdreg s14  }
0x30: {  	s17 =	sadd.s32 $0x9A00, s0;
	p6 =	seq.s32 s18, $0x1;
	[dreg:$0x13] =	wrdreg s15  }
0x31: {  	s18 =	sadd.s32 $0x9200, s0;
	p1 =	por p6, !p0;
	[dreg:$0x14] =	wrdreg s16  }
0x32: {  	p6 =	por p5, p0;
	p5 =	por p2, p0;
	[dreg:$0x15] =	wrdreg s17  }
0x33: {  	p2 =	seq.s32 s19, $0x1;
	s19 =	sadd.s32 $0x8A00, s0;
	[dreg:$0x16] =	wrdreg s18  }
0x34: {  	s6 =	sand.u32 $0x1, s20;
	s20 =	sadd.s32 $0x8200, s0;
	[dreg:$0x17] =	wrdreg s19  }
0x35: {  	s9 =	sadd.s32 $0x5A00, s0;
	[dreg:$0x18] =	wrdreg s20  }
0x36: {  	s21 =	sadd.s32 $0x7A00, s0;
	[dreg:$0xe] =	wrdreg s9  }
0x37: {  	s26 =	sadd.s32 $0xCA00, s0;
	[dreg:$0x19] =	wrdreg s21  }
0x38: {  	s30 =	simm.s32 $0x6600;
	s31 =	simm.s32 $0x8600;
	[dreg:$0x1e] =	wrdreg s26  }
0x39: {  	s28 =	simm.s32 $0x4;
	s29 =	simm.s32 $0x3;
	s9 =	sld [smem:$0x7DE]  }
0x3a: {  	p3 =	por p3, !p0;
	p4 =	por p4, p0;
	s11 =	sld [smem:$0x7E1]  }
0x3b: {  	s7 =	sshll.u32 s7, $0xA;
	p2 =	por p2, p0;
	s20 =	sld [smem:$0x7E4]  }
0x3c: {  	s22 =	sshll.u32 s6, $0x9;
	s6 =	ssub.s32 $0x2, s6;
	s21 =	sld [smem:$0x7E7]  }
0x3d: {  	s7 =	sor.u32 s22, s7;
	s22 =	sadd.s32 $0x7200, s0;
	s26 =	sld [smem:$0x7F5]  }
0x3e: {  	s23 =	sshrl.u32 s6, $0x1;
	s8 =	sshrl.u32 s7, $0x3;
	[dreg:$0x1a] =	wrdreg s22  }
0x3f: {  	s6 =	ssub.s32 s6, s23;
	s23 =	sadd.s32 $0xB200, s0;
	s22 =	sld [smem:$0x7EA]  }
0x40: {  	s7 =	sshll.u32 s7, $0x4;
	s10 =	sadd.s32 s8, s0;
	[dreg:$0x1b] =	wrdreg s23  }
0x41: {  	s7 =	sadd.s32 s7, s0;
	s3 =	sadd.s32 s3, s8;
	s23 =	sld [smem:$0x7ED]  }
0x42: {  	s8 =	sadd.s32 $0xE200, s0;
	s19 =	smax.u32 s6, $0x1;
	[dreg:$0xb] =	wrdreg s3  }
0x43: {  	s6 =	sadd.s32 $0x8000, s4;
	s24 =	sadd.s32 $0x2200, s10;
	[dreg:$0xd] =	wrdreg s8  }
0x44: {  	s25 =	sadd.s32 $0x1A00, s10;
	s10 =	stileid.u32;
	[dreg:$0x9] =	wrdreg s24  }
0x45: {  	s8 =	sadd.s32 $0xD200, s0;
	s12 =	sadd.s32 $0xEE00, s7;
	[dreg:$0xa] =	wrdreg s25  }
0x46: {  	s13 =	sadd.s32 $0xF200, s7;
	s24 =	sadd.s32 $0xBA00, s0;
	[dreg:$0x1f] =	wrdreg s8  }
0x47: {  	s3 =	sadd.s32 $0x8000, s1;
	s25 =	sadd.s32 $0xC200, s0;
	[dreg:$0x1c] =	wrdreg s24  }
0x48: {  	p0 =	seq.s32 s9, $0x1;
	s0 =	sadd.s32 $0xDA00, s0;
	[dreg:$0x1d] =	wrdreg s25  }
0x49: {  	s14 =	sadd.s32 $0xF600, s7;
	s3 =	sshrl.u32 @!p0 s3, $0x3;
	[smem:$0x7DD] =	sst s0  }
0x4a: {  	s15 =	sadd.s32 $0xFA00, s7;
	s16 =	sadd.s32 $0xFE00, s7;
	[smem:$0x7DF] =	sst s3  }
0x4b: {  	s0 =	sadd.s32 $0xC000, s1;
	s3 =	sshrl.u32 @!p0 s6, $0x3;
	s24 =	sld [smem:$0x7F0]  }
0x4c: {  	p0 =	seq.s32 s11, $0x1;
	s6 =	sadd.s32 $0xC000, s4;
	s25 =	sld [smem:$0x7F3]  }
0x4d: {  	[smem:$0x7E0] =	sst s3;
	s0 =	sshrl.u32 @!p0 s0, $0x3;
	s6 =	sshrl.u32 @!p0 s6, $0x3  }
0x4e: {  	p0 =	seq.s32 s20, $0x1;
	[smem:$0x7E2] =	sst s0;
	s0 =	sadd.s32 $0x4000, s1  }
0x4f: {  	s17 =	sadd.s32 $0x10200, s7;
	[smem:$0x7E3] =	sst s6;
	s0 =	sshrl.u32 @!p0 s0, $0x3  }
0x50: {  	s3 =	sadd.s32 $0x4000, s4;
	s6 =	sadd.s32 $0x18000, s4;
	[smem:$0x7E5] =	sst s0  }
0x51: {  	s0 =	sshrl.u32 @!p0 s3, $0x3;
	s3 =	sadd.s32 $0x18000, s1;
	p0 =	seq.s32 s21, $0x1  }
0x52: {  	[smem:$0x7E6] =	sst s0;
	s0 =	sadd.s32 $0x1C000, s1;
	s3 =	sshrl.u32 @!p0 s3, $0x3  }
0x53: {  	[smem:$0x7E8] =	sst s3;
	s3 =	sshrl.u32 @!p0 s6, $0x3;
	p0 =	seq.s32 s22, $0x1  }
0x54: {  	s18 =	sadd.s32 $0x10600, s7;
	[smem:$0x7E9] =	sst s3;
	s0 =	sshrl.u32 @!p0 s0, $0x3  }
0x55: {  	s8 =	sadd.s32 $0xEA00, s7;
	[smem:$0x7EB] =	sst s0;
	s0 =	sadd.s32 $0x1C000, s4  }
0x56: {  	s3 =	sadd.s32 $0x10000, s1;
	s0 =	sshrl.u32 @!p0 s0, $0x3;
	p0 =	seq.s32 s23, $0x1  }
0x57: {  	s6 =	sadd.s32 $0x10000, s4;
	[smem:$0x7EC] =	sst s0;
	s0 =	sshrl.u32 @!p0 s3, $0x3  }
0x58: {  	s7 =	simm.s32 $0x0;
	[smem:$0x7EE] =	sst s0;
	s0 =	sshrl.u32 @!p0 s6, $0x3  }
0x59: {  	p0 =	seq.s32 s24, $0x1;
	[smem:$0x7EF] =	sst s0;
	s0 =	sadd.s32 $0x14000, s1  }
0x5a: {  	s3 =	sadd.s32 $0x18000, s2;
	s6 =	sadd.s32 $0x14000, s4;
	s0 =	sshrl.u32 @!p0 s0, $0x3  }
0x5b: {  	[smem:$0x7F1] =	sst s0;
	s0 =	sshrl.u32 @!p0 s6, $0x3;
	p0 =	seq.s32 s25, $0x1  }
0x5c: {  	s20 =	simm.s32 $0x200;
	[smem:$0x7F2] =	sst s0;
	s0 =	sshrl.u32 @!p0 s3, $0x3  }
0x5d: {  	p0 =	seq.s32 s26, $0x1;
	[smem:$0x7F4] =	sst s0;
	s0 =	sadd.s32 $0x1C000, s2  }
0x5e: {  	s21 =	simm.s32 $0x400;
	s6 =	sadd.s32 $0x10000, s2;
	s0 =	sshrl.u32 @!p0 s0, $0x3  }
0x5f: {  	s3 =	sadd.s32 $0x14000, s2;
	[smem:$0x7F6] =	sst s0;
	s0 =	sshrl.u32 @!p1 s6, $0x3  }
0x60: {  	s22 =	simm.s32 $0x1;
	[smem:$0x7F7] =	sst s0;
	s0 =	sshrl.u32 @!p3 s3, $0x3  }
0x61: {  	s23 =	simm.s32 $0x40;
	[smem:$0x7F8] =	sst s0;
	s0 =	sadd.s32 $0xC000, s2  }
0x62: {  	s24 =	simm.s32 $0x600;
	s6 =	sadd.s32 $0x4000, s2;
	s0 =	sshrl.u32 @!p6 s0, $0x3  }
0x63: {  	p0 =	sgt.s32 s10, $0x7;
	[smem:$0x7FA] =	sst s0;
	s0 =	sshrl.u32 @!p2 s6, $0x3  }
0x64: {  	s25 =	simm.s32 $0x2600;
	[smem:$0x7FB] =	sst s0;
	s0 =	simm.s32 @!p0 $0x0  }
0x65: {  	s3 =	sadd.s32 $0x8000, s2;
	s0 =	simm.s32 @p0 $0x1;
	p0 =	sgt.s32 s10, $0x3  }
0x66: {  	s3 =	sshrl.u32 @!p4 s3, $0x3;
	[smem:$0x7FC] =	sst s0;
	s0 =	simm.s32 @!p0 $0x0  }
0x67: {  	s26 =	simm.s32 $0x4600;
	[smem:$0x7F9] =	sst s3;
	s0 =	simm.s32 @p0 $0x1  }
0x68: {  	s3 =	simm.s32 $0xA600;
	s6 =	simm.s32 $0x2;
	[smem:$0x7FD] =	sst s0  }
.LBB2_1:
0x69: {  	s0 =	rddreg [dreg:$0x9]  }
0x6a: {  	[tilespmem:s5], [sflag:$0x1] =	stream.linear.gather [hbm4b:s0+s5], $0x200, $0x38;
	[tilespmem:$0x123C0] =	vst v63  }
0x6b: {  	s11 =	rddreg [dreg:$0xa]  }
0x6c: {  	[tilespmem:s20], [sflag:$0x1] =	stream.linear.gather [hbm4b:s11+s5], $0x200, $0x38;
	[tilespmem:$0x123C0] =	vst v63  }
0x6d: {  	s11 =	sld [smem:$0x7FC];
	_ =	sdelay $0x2  }
0x6e: {  	p0 =	seq.s32 s11, $0x1  }
.Ltmp0:
0x6f: {  	_ = 	snop;
	(pc) =	sbr.rel @p0 .LBB2_5-.Ltmp0, $3  }
0x70: {  	_ =	sdelay $0x1  }
0x71: {  	s9 =	rddreg [dreg:$0xb]  }
0x72: {  	[tilespmem:s21], [sflag:$0x1] =	stream.linear.gather [hbm4b:s9+s5], $0x200, $0x38;
	[tilespmem:$0x123C0] =	vst v63  }
0x73: {  	s0 =	sld [smem:$0x7FD];
	_ =	sdelay $0x2  }
0x74: {  	p0 =	seq.s32 s0, $0x1  }
.Ltmp1:
0x75: {  	_ = 	snop;
	(pc) =	sbr.rel @p0 .LBB2_4-.Ltmp1, $1  }
0x76: {  	_ =	sdelay $0x3  }
0x77: {  	s0 =	sld [smem:$0x7DE];
	_ =	sdelay $0x1  }
0x78: {  	s11 =	sld [smem:$0x7DF]  }
0x79: {  	s9 =	rddreg [dreg:$0x12];
	s20 =	smov.u32 s19;
	p0 =	seq.s32 s0, $0x1  }
0x7a: {  	s19 =	smov.u32 s18;
	s18 =	smov.u32 s17;
	s0 =	simm.s32 @!p0 $0x1C85  }
0x7b: {  	[spmem:s11], [sflag:s0] =	dma.local @!p0 [hbm:s9], $0x800  }
0x7c: {  	s17 =	smov.u32 s16;
	s16 =	smov.u32 s15;
	s0 =	simm.s32 @!p0 $0x5  }
0x7d: {  	s15 =	smov.u32 s14;
	s14 =	smov.u32 s13;
	_ =	swait.ge @!p0 [sflag:s0], $0x800  }
0x7e: {  	s13 =	smov.u32 s12;
	s12 =	smov.u32 s8;
	s8 =	sld [smem:$0x7E0]  }
0x7f: {  	s9 =	sshll.u32 @!p0 s10, $0x6;
	[sflag:s0] =	ssyncset.done @!p0 $0x0  }
0x80: {  	s9 =	sor.u32 @!p0 $0x1C05, s9;
	s11 =	rddreg [dreg:$0x1c];
	[sflag:s0] =	ssyncadd.s32 @!p0 $0xFFFFF800  }
0x81: {  	[spmem:s8], [sflag:s9] =	dma.local @!p0 [hbm:s11], $0x800  }
0x82: {  	_ =	swait.ge @!p0 [sflag:s0], $0x800  }
0x83: {  	s9 =	sld [smem:$0x7E1];
	_ =	sdelay $0x1  }
0x84: {  	[sflag:s0] =	ssyncset.done @!p0 $0x0;
	s11 =	sld [smem:$0x7E2]  }
0x85: {  	[sflag:s0] =	ssyncadd.s32 @!p0 $0xFFFFF800;
	p0 =	seq.s32 s9, $0x1  }
0x86: {  	s9 =	rddreg [dreg:$0x11];
	s0 =	simm.s32 @!p0 $0x1CC5  }
0x87: {  	[spmem:s11], [sflag:s0] =	dma.local @!p0 [hbm:s9], $0x800  }
0x88: {  	s0 =	simm.s32 @!p0 $0x5  }
0x89: {  	_ =	swait.ge @!p0 [sflag:s0], $0x800  }
0x8a: {  	s11 =	sld [smem:$0x7E3]  }
0x8b: {  	s9 =	sshll.u32 @!p0 s10, $0x6;
	[sflag:s0] =	ssyncset.done @!p0 $0x0  }
0x8c: {  	s9 =	sor.u32 @!p0 $0x1C05, s9;
	s10 =	rddreg [dreg:$0x1d];
	[sflag:s0] =	ssyncadd.s32 @!p0 $0xFFFFF800  }
0x8d: {  	[spmem:s11], [sflag:s9] =	dma.local @!p0 [hbm:s10], $0x800  }
0x8e: {  	_ =	swait.ge @!p0 [sflag:s0], $0x800  }
0x8f: {  	s11 =	sld [smem:$0x7D8];
	_ =	sdelay $0x1  }
0x90: {  	[sflag:s0] =	ssyncset.done @!p0 $0x0  }
0x91: {  	[sflag:s0] =	ssyncadd.s32 @!p0 $0xFFFFF800;
	p0 =	seq.s32 s11, $0x1  }
0x92: {  	s10 =	rddreg [dreg:$0x6];
	s0 =	sshrl.u32 @!p0 s1, $0x3;
	s9 =	simm.s32 @!p0 $0x1C05  }
0x93: {  	[spmem:s0], [sflag:s9] =	dma.local @!p0 [hbm:s10], $0x800  }
0x94: {  	s8 =	smov.u32 s12;
	s0 =	simm.s32 @!p0 $0x5  }
0x95: {  	s12 =	smov.u32 s13;
	s13 =	smov.u32 s14;
	_ =	swait.ge @!p0 [sflag:s0], $0x800  }
0x96: {  	s14 =	smov.u32 s15;
	s15 =	smov.u32 s16;
	[sflag:s0] =	ssyncset.done @!p0 $0x0  }
0x97: {  	s10 =	sshrl.u32 @!p0 s4, $0x3;
	s11 =	rddreg [dreg:$0x8];
	[sflag:s0] =	ssyncadd.s32 @!p0 $0xFFFFF800  }
0x98: {  	[spmem:s10], [sflag:s9] =	dma.local @!p0 [hbm:s11], $0x800  }
0x99: {  	s16 =	smov.u32 s17;
	s17 =	smov.u32 s18;
	_ =	swait.ge @!p0 [sflag:s0], $0x800  }
0x9a: {  	s18 =	smov.u32 s19;
	s19 =	smov.u32 s20;
	s20 =	sld [smem:$0x7E4]  }
0x9b: {  	_ = 	snop  }
0x9c: {  	[sflag:s0] =	ssyncset.done @!p0 $0x0;
	s11 =	sld [smem:$0x7E5]  }
0x9d: {  	[sflag:s0] =	ssyncadd.s32 @!p0 $0xFFFFF800;
	p0 =	seq.s32 s20, $0x1  }
0x9e: {  	s9 =	rddreg [dreg:$0x13];
	s0 =	simm.s32 @!p0 $0x1C45  }
0x9f: {  	[spmem:s11], [sflag:s0] =	dma.local @!p0 [hbm:s9], $0x800  }
0xa0: {  	s0 =	simm.s32 @!p0 $0x5  }
0xa1: {  	s10 =	stileid.u32;
	_ =	swait.ge @!p0 [sflag:s0], $0x800  }
0xa2: {  	s9 =	sshll.u32 @!p0 s10, $0x6;
	s20 =	sld [smem:$0x7E6]  }
0xa3: {  	s9 =	sor.u32 @!p0 $0x1C05, s9;
	[sflag:s0] =	ssyncset.done @!p0 $0x0  }
.Ltmp2:
0xa4: {  	s11 =	rddreg [dreg:$0x1b];
	[sflag:s0] =	ssyncadd.s32 @!p0 $0xFFFFF800;
	(pc) =	sbr.rel .LBB2_6-.Ltmp2, $4  }
0xa5: {  	[spmem:s20], [sflag:s9] =	dma.local @!p0 [hbm:s11], $0x800  }
0xa6: {  	_ =	swait.ge @!p0 [sflag:s0], $0x800  }
0xa7: {  	[sflag:s0] =	ssyncset.done @!p0 $0x0  }
0xa8: {  	s20 =	simm.s32 $0x200;
	[sflag:s0] =	ssyncadd.s32 @!p0 $0xFFFFF800  }
.LBB2_5:
0xa9: {  	s0 =	sld [smem:$0x7F3];
	_ =	sdelay $0x1  }
0xaa: {  	s11 =	sld [smem:$0x7F4]  }
0xab: {  	p0 =	seq.s32 s0, $0x1  }
0xac: {  	s9 =	rddreg [dreg:$0x15];
	s0 =	simm.s32 @!p0 $0x1F85  }
0xad: {  	[spmem:s11], [sflag:s0] =	dma.local @!p0 [hbm:s9], $0x800  }
0xae: {  	s0 =	simm.s32 @!p0 $0x5  }
0xaf: {  	_ =	swait.ge @!p0 [sflag:s0], $0x800  }
0xb0: {  	s11 =	sld [smem:$0x7F5];
	_ =	sdelay $0x1  }
0xb1: {  	[sflag:s0] =	ssyncset.done @!p0 $0x0  }
0xb2: {  	[sflag:s0] =	ssyncadd.s32 @!p0 $0xFFFFF800;
	p0 =	seq.s32 s11, $0x1;
	s11 =	sld [smem:$0x7F6]  }
0xb3: {  	_ = 	snop  }
0xb4: {  	s9 =	rddreg [dreg:$0x14];
	s0 =	simm.s32 @!p0 $0x1FC5  }
0xb5: {  	[spmem:s11], [sflag:s0] =	dma.local @!p0 [hbm:s9], $0x680  }
0xb6: {  	s0 =	simm.s32 @!p0 $0x5  }
0xb7: {  	_ =	swait.ge @!p0 [sflag:s0], $0x680  }
0xb8: {  	s11 =	sld [smem:$0x7F7]  }
0xb9: {  	[sflag:s0] =	ssyncset.done @!p0 $0x0  }
0xba: {  	s9 =	rddreg [dreg:$0x17];
	[sflag:s0] =	ssyncadd.s32 @!p0 $0xFFFFF980;
	s0 =	simm.s32 @!p1 $0x1F05  }
0xbb: {  	[spmem:s11], [sflag:s0] =	dma.local @!p1 [hbm:s9], $0x800  }
0xbc: {  	s0 =	simm.s32 @!p1 $0x5  }
0xbd: {  	_ =	swait.ge @!p1 [sflag:s0], $0x800  }
0xbe: {  	s11 =	sld [smem:$0x7F8]  }
0xbf: {  	[sflag:s0] =	ssyncset.done @!p1 $0x0  }
0xc0: {  	s9 =	rddreg [dreg:$0x16];
	[sflag:s0] =	ssyncadd.s32 @!p1 $0xFFFFF800;
	s0 =	simm.s32 @!p3 $0x1F45  }
0xc1: {  	[spmem:s11], [sflag:s0] =	dma.local @!p3 [hbm:s9], $0x800  }
0xc2: {  	s0 =	simm.s32 @!p3 $0x5  }
0xc3: {  	_ =	swait.ge @!p3 [sflag:s0], $0x800  }
0xc4: {  	s11 =	sld [smem:$0x7F9]  }
0xc5: {  	[sflag:s0] =	ssyncset.done @!p3 $0x0  }
0xc6: {  	s9 =	rddreg [dreg:$0x19];
	[sflag:s0] =	ssyncadd.s32 @!p3 $0xFFFFF800;
	s0 =	simm.s32 @!p4 $0x1E85  }
0xc7: {  	[spmem:s11], [sflag:s0] =	dma.local @!p4 [hbm:s9], $0x800  }
0xc8: {  	s0 =	simm.s32 @!p4 $0x5  }
0xc9: {  	_ =	swait.ge @!p4 [sflag:s0], $0x800  }
0xca: {  	s11 =	sld [smem:$0x7FA]  }
0xcb: {  	[sflag:s0] =	ssyncset.done @!p4 $0x0  }
0xcc: {  	s9 =	rddreg [dreg:$0x18];
	[sflag:s0] =	ssyncadd.s32 @!p4 $0xFFFFF800;
	s0 =	simm.s32 @!p6 $0x1EC5  }
0xcd: {  	[spmem:s11], [sflag:s0] =	dma.local @!p6 [hbm:s9], $0x800  }
0xce: {  	s0 =	simm.s32 @!p6 $0x5  }
0xcf: {  	_ =	swait.ge @!p6 [sflag:s0], $0x800  }
0xd0: {  	s9 =	simm.s32 @!p5 $0x1E05;
	[sflag:s0] =	ssyncset.done @!p6 $0x0  }
0xd1: {  	s11 =	rddreg [dreg:$0x7];
	[sflag:s0] =	ssyncadd.s32 @!p6 $0xFFFFF800;
	s0 =	sshrl.u32 @!p5 s2, $0x3  }
0xd2: {  	[spmem:s0], [sflag:s9] =	dma.local @!p5 [hbm:s11], $0x800  }
0xd3: {  	s0 =	simm.s32 @!p5 $0x5  }
0xd4: {  	_ =	swait.ge @!p5 [sflag:s0], $0x800  }
0xd5: {  	s11 =	sld [smem:$0x7FB]  }
0xd6: {  	[sflag:s0] =	ssyncset.done @!p5 $0x0  }
0xd7: {  	s9 =	rddreg [dreg:$0x1a];
	[sflag:s0] =	ssyncadd.s32 @!p5 $0xFFFFF800;
	s0 =	simm.s32 @!p2 $0x1E45  }
0xd8: {  	[spmem:s11], [sflag:s0] =	dma.local @!p2 [hbm:s9], $0x800  }
.Ltmp3:
0xd9: {  	_ = 	snop;
	(pc) =	sbr.rel .LBB2_6-.Ltmp3, $4  }
0xda: {  	s0 =	simm.s32 @!p2 $0x5  }
0xdb: {  	_ =	swait.ge @!p2 [sflag:s0], $0x800  }
0xdc: {  	[sflag:s0] =	ssyncset.done @!p2 $0x0  }
0xdd: {  	[sflag:s0] =	ssyncadd.s32 @!p2 $0xFFFFF800  }
.LBB2_4:
0xde: {  	s0 =	sld [smem:$0x7E7];
	_ =	sdelay $0x1  }
0xdf: {  	s11 =	sld [smem:$0x7E8]  }
0xe0: {  	p0 =	seq.s32 s0, $0x1  }
0xe1: {  	s9 =	rddreg [dreg:$0xe];
	s0 =	simm.s32 @!p0 $0x1D85  }
0xe2: {  	[spmem:s11], [sflag:s0] =	dma.local @!p0 [hbm:s9], $0x800  }
0xe3: {  	s0 =	simm.s32 @!p0 $0x5  }
0xe4: {  	_ =	swait.ge @!p0 [sflag:s0], $0x800  }
0xe5: {  	s11 =	sld [smem:$0x7DD]  }
0xe6: {  	s20 =	sld [smem:$0x7E9]  }
0xe7: {  	s9 =	sshll.u32 @!p0 s10, $0x6;
	[sflag:s0] =	ssyncset.done @!p0 $0x0  }
0xe8: {  	s9 =	sor.u32 @!p0 $0x1C05, s9;
	[sflag:s0] =	ssyncadd.s32 @!p0 $0xFFFFF800  }
0xe9: {  	[spmem:s20], [sflag:s9] =	dma.local @!p0 [hbm:s11], $0x800  }
0xea: {  	_ =	swait.ge @!p0 [sflag:s0], $0x800  }
0xeb: {  	s9 =	sld [smem:$0x7EA];
	_ =	sdelay $0x1  }
0xec: {  	[sflag:s0] =	ssyncset.done @!p0 $0x0;
	s11 =	sld [smem:$0x7EB]  }
0xed: {  	[sflag:s0] =	ssyncadd.s32 @!p0 $0xFFFFF800;
	p0 =	seq.s32 s9, $0x1  }
0xee: {  	s9 =	rddreg [dreg:$0xc];
	s0 =	simm.s32 @!p0 $0x1DC5  }
0xef: {  	[spmem:s11], [sflag:s0] =	dma.local @!p0 [hbm:s9], $0x680  }
0xf0: {  	s9 =	simm.s32 @!p0 $0x5  }
0xf1: {  	_ =	swait.ge @!p0 [sflag:s9], $0x680  }
0xf2: {  	s20 =	sld [smem:$0x7EC]  }
0xf3: {  	[sflag:s9] =	ssyncset.done @!p0 $0x0  }
0xf4: {  	s11 =	rddreg [dreg:$0xd];
	[sflag:s9] =	ssyncadd.s32 @!p0 $0xFFFFF980  }
0xf5: {  	[spmem:s20], [sflag:s0] =	dma.local @!p0 [hbm:s11], $0x680  }
0xf6: {  	_ =	swait.ge @!p0 [sflag:s9], $0x680  }
0xf7: {  	s11 =	sld [smem:$0x7ED];
	_ =	sdelay $0x1  }
0xf8: {  	[sflag:s9] =	ssyncset.done @!p0 $0x0  }
0xf9: {  	[sflag:s9] =	ssyncadd.s32 @!p0 $0xFFFFF980;
	p0 =	seq.s32 s11, $0x1;
	s11 =	sld [smem:$0x7EE]  }
0xfa: {  	_ = 	snop  }
0xfb: {  	s9 =	rddreg [dreg:$0x10];
	s0 =	simm.s32 @!p0 $0x1D05  }
0xfc: {  	[spmem:s11], [sflag:s0] =	dma.local @!p0 [hbm:s9], $0x800  }
0xfd: {  	s0 =	simm.s32 @!p0 $0x5  }
0xfe: {  	_ =	swait.ge @!p0 [sflag:s0], $0x800  }
0xff: {  	s20 =	sld [smem:$0x7EF]  }
0x100: {  	s9 =	sshll.u32 @!p0 s10, $0x6;
	[sflag:s0] =	ssyncset.done @!p0 $0x0  }
0x101: {  	s9 =	sor.u32 @!p0 $0x1C05, s9;
	s11 =	rddreg [dreg:$0x1e];
	[sflag:s0] =	ssyncadd.s32 @!p0 $0xFFFFF800  }
0x102: {  	[spmem:s20], [sflag:s9] =	dma.local @!p0 [hbm:s11], $0x800  }
0x103: {  	_ =	swait.ge @!p0 [sflag:s0], $0x800  }
0x104: {  	s20 =	sld [smem:$0x7F0];
	_ =	sdelay $0x1  }
0x105: {  	[sflag:s0] =	ssyncset.done @!p0 $0x0;
	s11 =	sld [smem:$0x7F1]  }
0x106: {  	[sflag:s0] =	ssyncadd.s32 @!p0 $0xFFFFF800;
	p0 =	seq.s32 s20, $0x1  }
0x107: {  	s9 =	rddreg [dreg:$0xf];
	s0 =	simm.s32 @!p0 $0x1D45  }
0x108: {  	[spmem:s11], [sflag:s0] =	dma.local @!p0 [hbm:s9], $0x800  }
0x109: {  	s0 =	simm.s32 @!p0 $0x5  }
0x10a: {  	_ =	swait.ge @!p0 [sflag:s0], $0x800  }
0x10b: {  	s20 =	sld [smem:$0x7F2]  }
0x10c: {  	s9 =	sshll.u32 @!p0 s10, $0x6;
	[sflag:s0] =	ssyncset.done @!p0 $0x0  }
0x10d: {  	s9 =	sor.u32 @!p0 $0x1C05, s9;
	s11 =	rddreg [dreg:$0x1f];
	[sflag:s0] =	ssyncadd.s32 @!p0 $0xFFFFF800  }
0x10e: {  	[spmem:s20], [sflag:s9] =	dma.local @!p0 [hbm:s11], $0x800  }
0x10f: {  	_ =	swait.ge @!p0 [sflag:s0], $0x800  }
0x110: {  	[sflag:s0] =	ssyncset.done @!p0 $0x0  }
0x111: {  	s20 =	simm.s32 $0x200;
	[sflag:s0] =	ssyncadd.s32 @!p0 $0xFFFFF800  }
.LBB2_6:
0x112: {  	[bflag:$0x0] =	sbarrier.arrive $0xFFFF  }
0x113: {  	_ =	swait.ge [sflag:s22], $0x200  }
0x114: {  	[sflag:s22] =	ssyncset.done $0x0  }
0x115: {  	[sflag:s22] =	ssyncadd.s32 $0xFFFFFE00  }
0x116: {  	_ =	swait.ge [sflag:s22], $0x200  }
0x117: {  	[sflag:s22] =	ssyncset.done $0x0  }
0x118: {  	[sflag:s22] =	ssyncadd.s32 $0xFFFFFE00  }
0x119: {  	_ =	swait.ge [sflag:s22], $0x200  }
0x11a: {  	[sflag:s22] =	ssyncset.done $0x0  }
0x11b: {  	s0 =	simm.s32 $0x0;
	[sflag:s22] =	ssyncadd.s32 $0xFFFFFE00  }
0x11c: {  	[tilespmem:s24], [sflag:$0x2] =	stream.indirect.gather [spmem:s1], $0x80, s0, s23, $0xb8;
	[tilespmem:$0x123C0] =	vst v63  }
0x11d: {  	_ = 	snop  }
0x11e: {  	[tilespmem:s25], [sflag:$0x2] =	stream.indirect.gather [spmem:s2], $0x80, s20, s23, $0xb8;
	[tilespmem:$0x123C0] =	vst v63  }
0x11f: {  	_ = 	snop  }
0x120: {  	[tilespmem:s26], [sflag:$0x2] =	stream.indirect.gather [spmem:s4], $0x80, s21, s23, $0xb8;
	[tilespmem:$0x123C0] =	vst v63  }
0x121: {  	_ = 	snop  }
0x122: {  	[tilespmem:s30], [sflag:$0x3] =	stream.indirect.gather [spmem:s1], $0x80, s23, s23, $0xb8;
	[tilespmem:$0x123C0] =	vst v63  }
0x123: {  	s9 =	simm.s32 $0x240  }
0x124: {  	[tilespmem:s31], [sflag:$0x3] =	stream.indirect.gather [spmem:s2], $0x80, s9, s23, $0xb8;
	[tilespmem:$0x123C0] =	vst v63  }
0x125: {  	s11 =	simm.s32 $0x440  }
0x126: {  	[tilespmem:s3], [sflag:$0x3] =	stream.indirect.gather [spmem:s4], $0x80, s11, s23, $0xb8;
	[tilespmem:$0x123C0] =	vst v63  }
0x127: {  	_ =	swait.ge [sflag:s6], $0x2000  }
0x128: {  	[sflag:s6] =	ssyncset.done $0x0  }
0x129: {  	[sflag:s6] =	ssyncadd.s32 $0xFFFFE000  }
0x12a: {  	_ =	swait.ge [sflag:s6], $0x2000  }
0x12b: {  	[sflag:s6] =	ssyncset.done $0x0  }
0x12c: {  	[sflag:s6] =	ssyncadd.s32 $0xFFFFE000  }
0x12d: {  	_ =	swait.ge [sflag:s6], $0x2000  }
0x12e: {  	[sflag:s6] =	ssyncset.done $0x0  }
0x12f: {  	s0 =	simm.s32 $0x0;
	[sflag:s6] =	ssyncadd.s32 $0xFFFFE000  }
0x130: {  	s9 =	simm.s32 $0x200;
	v0 =	vld [tilespmem:s0+$0x2670]  }
.LBB2_7:
0x131: {  	p0 =	sne.s32 s9, $0x7E00;
	v1 =	vld [tilespmem:s0+$0x4670]  }
0x132: {  	v2 =	vld [tilespmem:s0+$0x2600]  }
0x133: {  	v3 =	vld [tilespmem:s0+$0x4600]  }
0x134: {  	v4 =	vld [tilespmem:s0+$0x2610]  }
0x135: {  	v5 =	vld [tilespmem:s0+$0x4610]  }
0x136: {  	v6 =	vld [tilespmem:s0+$0x2620];
	v0 =	vadd.f32 v1, v0  }
0x137: {  	v1 =	vld [tilespmem:s0+$0x4620]  }
0x138: {  	v2 =	vadd.f32 v3, v2;
	[tilespmem:s0+$0x670] =	vst.add.f32.msk $0xffff, v0  }
0x139: {  	v0 =	vld [tilespmem:s0+$0x2630]  }
0x13a: {  	v3 =	vadd.f32 v5, v4;
	v4 =	vld [tilespmem:s0+$0x4630]  }
0x13b: {  	v5 =	vld [tilespmem:s0+$0x2640]  }
0x13c: {  	v1 =	vadd.f32 v1, v6;
	v6 =	vld [tilespmem:s0+$0x4640]  }
0x13d: {  	v7 =	vld [tilespmem:s0+$0x2650]  }
0x13e: {  	v8 =	vld [tilespmem:s0+$0x4650]  }
0x13f: {  	v0 =	vadd.f32 v4, v0;
	v4 =	vld [tilespmem:s0+$0x2660]  }
0x140: {  	v9 =	vld [tilespmem:s0+$0x4660]  }
0x141: {  	[tilespmem:s0+$0x600] =	vst.add.f32.msk $0xffff, v2;
	v2 =	vadd.f32 v6, v5  }
0x142: {  	[tilespmem:s0+$0x610] =	vst.add.f32.msk $0xffff, v3  }
0x143: {  	[tilespmem:s0+$0x620] =	vst.add.f32.msk $0xffff, v1;
	v1 =	vadd.f32 v8, v7  }
.Ltmp4:
0x144: {  	[tilespmem:s0+$0x630] =	vst.add.f32.msk $0xffff, v0;
	(pc) =	sbr.rel @p0 .LBB2_7-.Ltmp4, $4  }
0x145: {  	[tilespmem:s0+$0x640] =	vst.add.f32.msk $0xffff, v2;
	v0 =	vadd.f32 v9, v4  }
0x146: {  	[tilespmem:s0+$0x650] =	vst.add.f32.msk $0xffff, v1  }
0x147: {  	[tilespmem:s0+$0x660] =	vst.add.f32.msk $0xffff, v0;
	s0 =	sshra.s32 s9, $0x2  }
0x148: {  	s9 =	sadd.s32 $0x200, s9;
	v0 =	vld [tilespmem:s0+$0x2670]  }
0x149: {  	v1 =	vld [tilespmem:s0+$0x4670]  }
0x14a: {  	v2 =	vld [tilespmem:s0+$0x2600]  }
0x14b: {  	v3 =	vld [tilespmem:s0+$0x4600]  }
0x14c: {  	v4 =	vld [tilespmem:s0+$0x2610]  }
0x14d: {  	v5 =	vld [tilespmem:s0+$0x4610]  }
0x14e: {  	v6 =	vld [tilespmem:s0+$0x2620]  }
0x14f: {  	v7 =	vld [tilespmem:s0+$0x4630]  }
0x150: {  	v8 =	vld [tilespmem:s0+$0x2640]  }
0x151: {  	v9 =	vld [tilespmem:s0+$0x4640]  }
0x152: {  	v10 =	vld [tilespmem:s0+$0x2650]  }
0x153: {  	v11 =	vld [tilespmem:s0+$0x4650];
	v0 =	vadd.f32 v1, v0  }
0x154: {  	v1 =	vld [tilespmem:s0+$0x4620]  }
0x155: {  	[tilespmem:s0+$0x670] =	vst.add.f32.msk $0xffff, v0  }
0x156: {  	v0 =	vld [tilespmem:s0+$0x2630]  }
0x157: {  	v63 =	vld [tilespmem:s0+$0x4660];
	v2 =	vadd.f32 v3, v2  }
0x158: {  	v3 =	vld [tilespmem:s0+$0x2660];
	v4 =	vadd.f32 v5, v4  }
0x159: {  	[tilespmem:s0+$0x600] =	vst.add.f32.msk $0xffff, v2;
	v2 =	vadd.f32 v9, v8  }
0x15a: {  	[tilespmem:s0+$0x610] =	vst.add.f32.msk $0xffff, v4;
	v1 =	vadd.f32 v1, v6  }
0x15b: {  	[tilespmem:s0+$0x640] =	vst.add.f32.msk $0xffff, v2;
	v0 =	vadd.f32 v7, v0  }
0x15c: {  	[tilespmem:s0+$0x620] =	vst.add.f32.msk $0xffff, v1;
	v1 =	vadd.f32 v11, v10  }
0x15d: {  	[tilespmem:s0+$0x630] =	vst.add.f32.msk $0xffff, v0;
	v0 =	vadd.f32 v63, v3  }
0x15e: {  	[tilespmem:s0+$0x650] =	vst.add.f32.msk $0xffff, v1  }
0x15f: {  	s9 =	simm.s32 $0x0;
	[tilespmem:s0+$0x660] =	vst.add.f32.msk $0xffff, v0  }
0x160: {  	[hbm4b:s8+s9] =	stream.linear.scatter [tilespmem:s24], [sflag:$0x4], $0x2000, $0x38;
	[tilespmem:$0x123C0] =	vst v63  }
0x161: {  	_ =	swait.ge [sflag:s28], $0x2000  }
0x162: {  	[sflag:s28] =	ssyncset.done $0x0  }
0x163: {  	s11 =	simm.s32 $0x80;
	[sflag:s28] =	ssyncadd.s32 $0xFFFFE000  }
0x164: {  	[tilespmem:s24], [sflag:$0x2] =	stream.indirect.gather [spmem:s1], $0x80, s11, s23, $0xb8;
	[tilespmem:$0x123C0] =	vst v63  }
0x165: {  	s9 =	simm.s32 $0x280  }
0x166: {  	[tilespmem:s25], [sflag:$0x2] =	stream.indirect.gather [spmem:s2], $0x80, s9, s23, $0xb8;
	[tilespmem:$0x123C0] =	vst v63  }
0x167: {  	s11 =	simm.s32 $0x480  }
0x168: {  	[tilespmem:s26], [sflag:$0x2] =	stream.indirect.gather [spmem:s4], $0x80, s11, s23, $0xb8;
	[tilespmem:$0x123C0] =	vst v63  }
0x169: {  	_ =	swait.ge [sflag:s29], $0x2000  }
0x16a: {  	[sflag:s29] =	ssyncset.done $0x0  }
0x16b: {  	[sflag:s29] =	ssyncadd.s32 $0xFFFFE000  }
0x16c: {  	_ =	swait.ge [sflag:s29], $0x2000  }
0x16d: {  	[sflag:s29] =	ssyncset.done $0x0  }
0x16e: {  	[sflag:s29] =	ssyncadd.s32 $0xFFFFE000  }
0x16f: {  	_ =	swait.ge [sflag:s29], $0x2000  }
0x170: {  	[sflag:s29] =	ssyncset.done $0x0  }
0x171: {  	s0 =	simm.s32 $0x0;
	[sflag:s29] =	ssyncadd.s32 $0xFFFFE000  }
0x172: {  	s9 =	simm.s32 $0x200;
	v0 =	vld [tilespmem:s0+$0x8670]  }
.LBB2_9:
0x173: {  	p0 =	sne.s32 s9, $0x7E00;
	v1 =	vld [tilespmem:s0+$0xA670]  }
0x174: {  	v2 =	vld [tilespmem:s0+$0x8600]  }
0x175: {  	v3 =	vld [tilespmem:s0+$0xA600]  }
0x176: {  	v4 =	vld [tilespmem:s0+$0x8610]  }
0x177: {  	v5 =	vld [tilespmem:s0+$0xA610]  }
0x178: {  	v6 =	vld [tilespmem:s0+$0x8620];
	v0 =	vadd.f32 v1, v0  }
0x179: {  	v1 =	vld [tilespmem:s0+$0xA620]  }
0x17a: {  	v2 =	vadd.f32 v3, v2;
	[tilespmem:s0+$0x6670] =	vst.add.f32.msk $0xffff, v0  }
0x17b: {  	v0 =	vld [tilespmem:s0+$0x8630]  }
0x17c: {  	v3 =	vadd.f32 v5, v4;
	v4 =	vld [tilespmem:s0+$0xA630]  }
0x17d: {  	v5 =	vld [tilespmem:s0+$0x8640]  }
0x17e: {  	v1 =	vadd.f32 v1, v6;
	v6 =	vld [tilespmem:s0+$0xA640]  }
0x17f: {  	v7 =	vld [tilespmem:s0+$0x8650]  }
0x180: {  	v8 =	vld [tilespmem:s0+$0xA650]  }
0x181: {  	v0 =	vadd.f32 v4, v0;
	v4 =	vld [tilespmem:s0+$0x8660]  }
0x182: {  	v9 =	vld [tilespmem:s0+$0xA660]  }
0x183: {  	[tilespmem:s0+$0x6600] =	vst.add.f32.msk $0xffff, v2;
	v2 =	vadd.f32 v6, v5  }
0x184: {  	[tilespmem:s0+$0x6610] =	vst.add.f32.msk $0xffff, v3  }
0x185: {  	[tilespmem:s0+$0x6620] =	vst.add.f32.msk $0xffff, v1;
	v1 =	vadd.f32 v8, v7  }
.Ltmp5:
0x186: {  	[tilespmem:s0+$0x6630] =	vst.add.f32.msk $0xffff, v0;
	(pc) =	sbr.rel @p0 .LBB2_9-.Ltmp5, $4  }
0x187: {  	[tilespmem:s0+$0x6640] =	vst.add.f32.msk $0xffff, v2;
	v0 =	vadd.f32 v9, v4  }
0x188: {  	[tilespmem:s0+$0x6650] =	vst.add.f32.msk $0xffff, v1  }
0x189: {  	[tilespmem:s0+$0x6660] =	vst.add.f32.msk $0xffff, v0;
	s0 =	sshra.s32 s9, $0x2  }
0x18a: {  	s9 =	sadd.s32 $0x200, s9;
	v0 =	vld [tilespmem:s0+$0x8670]  }
0x18b: {  	v1 =	vld [tilespmem:s0+$0xA670]  }
0x18c: {  	v2 =	vld [tilespmem:s0+$0x8600]  }
0x18d: {  	v3 =	vld [tilespmem:s0+$0xA600]  }
0x18e: {  	v4 =	vld [tilespmem:s0+$0x8610]  }
0x18f: {  	v5 =	vld [tilespmem:s0+$0xA610]  }
0x190: {  	v6 =	vld [tilespmem:s0+$0x8620]  }
0x191: {  	v7 =	vld [tilespmem:s0+$0xA630]  }
0x192: {  	v8 =	vld [tilespmem:s0+$0x8640]  }
0x193: {  	v9 =	vld [tilespmem:s0+$0xA640]  }
0x194: {  	v10 =	vld [tilespmem:s0+$0x8650]  }
0x195: {  	v11 =	vld [tilespmem:s0+$0xA650];
	v0 =	vadd.f32 v1, v0  }
0x196: {  	v1 =	vld [tilespmem:s0+$0xA620]  }
0x197: {  	[tilespmem:s0+$0x6670] =	vst.add.f32.msk $0xffff, v0  }
0x198: {  	v0 =	vld [tilespmem:s0+$0x8630]  }
0x199: {  	v63 =	vld [tilespmem:s0+$0xA660];
	v2 =	vadd.f32 v3, v2  }
0x19a: {  	v3 =	vld [tilespmem:s0+$0x8660];
	v4 =	vadd.f32 v5, v4  }
0x19b: {  	[tilespmem:s0+$0x6600] =	vst.add.f32.msk $0xffff, v2;
	v2 =	vadd.f32 v9, v8  }
0x19c: {  	[tilespmem:s0+$0x6610] =	vst.add.f32.msk $0xffff, v4;
	v1 =	vadd.f32 v1, v6  }
0x19d: {  	[tilespmem:s0+$0x6640] =	vst.add.f32.msk $0xffff, v2;
	v0 =	vadd.f32 v7, v0  }
0x19e: {  	[tilespmem:s0+$0x6620] =	vst.add.f32.msk $0xffff, v1;
	v1 =	vadd.f32 v11, v10  }
0x19f: {  	[tilespmem:s0+$0x6630] =	vst.add.f32.msk $0xffff, v0;
	v0 =	vadd.f32 v63, v3  }
0x1a0: {  	[tilespmem:s0+$0x6650] =	vst.add.f32.msk $0xffff, v1  }
0x1a1: {  	s9 =	simm.s32 $0x0;
	[tilespmem:s0+$0x6660] =	vst.add.f32.msk $0xffff, v0  }
0x1a2: {  	[hbm4b:s12+s9] =	stream.linear.scatter [tilespmem:s30], [sflag:$0x4], $0x2000, $0x38;
	[tilespmem:$0x123C0] =	vst v63  }
0x1a3: {  	_ =	swait.ge [sflag:s28], $0x2000  }
0x1a4: {  	[sflag:s28] =	ssyncset.done $0x0  }
0x1a5: {  	s11 =	simm.s32 $0xC0;
	[sflag:s28] =	ssyncadd.s32 $0xFFFFE000  }
0x1a6: {  	[tilespmem:s30], [sflag:$0x3] =	stream.indirect.gather [spmem:s1], $0x80, s11, s23, $0xb8;
	[tilespmem:$0x123C0] =	vst v63  }
0x1a7: {  	s9 =	simm.s32 $0x2C0  }
0x1a8: {  	[tilespmem:s31], [sflag:$0x3] =	stream.indirect.gather [spmem:s2], $0x80, s9, s23, $0xb8;
	[tilespmem:$0x123C0] =	vst v63  }
0x1a9: {  	s11 =	simm.s32 $0x4C0  }
0x1aa: {  	[tilespmem:s3], [sflag:$0x3] =	stream.indirect.gather [spmem:s4], $0x80, s11, s23, $0xb8;
	[tilespmem:$0x123C0] =	vst v63  }
0x1ab: {  	_ =	swait.ge [sflag:s6], $0x2000  }
0x1ac: {  	[sflag:s6] =	ssyncset.done $0x0  }
0x1ad: {  	[sflag:s6] =	ssyncadd.s32 $0xFFFFE000  }
0x1ae: {  	_ =	swait.ge [sflag:s6], $0x2000  }
0x1af: {  	[sflag:s6] =	ssyncset.done $0x0  }
0x1b0: {  	[sflag:s6] =	ssyncadd.s32 $0xFFFFE000  }
0x1b1: {  	_ =	swait.ge [sflag:s6], $0x2000  }
0x1b2: {  	[sflag:s6] =	ssyncset.done $0x0  }
0x1b3: {  	s0 =	simm.s32 $0x0;
	[sflag:s6] =	ssyncadd.s32 $0xFFFFE000  }
0x1b4: {  	s9 =	simm.s32 $0x200;
	v0 =	vld [tilespmem:s0+$0x2670]  }
.LBB2_11:
0x1b5: {  	p0 =	sne.s32 s9, $0x7E00;
	v1 =	vld [tilespmem:s0+$0x4670]  }
0x1b6: {  	v2 =	vld [tilespmem:s0+$0x2600]  }
0x1b7: {  	v3 =	vld [tilespmem:s0+$0x4600]  }
0x1b8: {  	v4 =	vld [tilespmem:s0+$0x2610]  }
0x1b9: {  	v5 =	vld [tilespmem:s0+$0x4610]  }
0x1ba: {  	v6 =	vld [tilespmem:s0+$0x2620];
	v0 =	vadd.f32 v1, v0  }
0x1bb: {  	v1 =	vld [tilespmem:s0+$0x4620]  }
0x1bc: {  	v2 =	vadd.f32 v3, v2;
	[tilespmem:s0+$0x670] =	vst.add.f32.msk $0xffff, v0  }
0x1bd: {  	v0 =	vld [tilespmem:s0+$0x2630]  }
0x1be: {  	v3 =	vadd.f32 v5, v4;
	v4 =	vld [tilespmem:s0+$0x4630]  }
0x1bf: {  	v5 =	vld [tilespmem:s0+$0x2640]  }
0x1c0: {  	v1 =	vadd.f32 v1, v6;
	v6 =	vld [tilespmem:s0+$0x4640]  }
0x1c1: {  	v7 =	vld [tilespmem:s0+$0x2650]  }
0x1c2: {  	v8 =	vld [tilespmem:s0+$0x4650]  }
0x1c3: {  	v0 =	vadd.f32 v4, v0;
	v4 =	vld [tilespmem:s0+$0x2660]  }
0x1c4: {  	v9 =	vld [tilespmem:s0+$0x4660]  }
0x1c5: {  	[tilespmem:s0+$0x600] =	vst.add.f32.msk $0xffff, v2;
	v2 =	vadd.f32 v6, v5  }
0x1c6: {  	[tilespmem:s0+$0x610] =	vst.add.f32.msk $0xffff, v3  }
0x1c7: {  	[tilespmem:s0+$0x620] =	vst.add.f32.msk $0xffff, v1;
	v1 =	vadd.f32 v8, v7  }
.Ltmp6:
0x1c8: {  	[tilespmem:s0+$0x630] =	vst.add.f32.msk $0xffff, v0;
	(pc) =	sbr.rel @p0 .LBB2_11-.Ltmp6, $4  }
0x1c9: {  	[tilespmem:s0+$0x640] =	vst.add.f32.msk $0xffff, v2;
	v0 =	vadd.f32 v9, v4  }
0x1ca: {  	[tilespmem:s0+$0x650] =	vst.add.f32.msk $0xffff, v1  }
0x1cb: {  	[tilespmem:s0+$0x660] =	vst.add.f32.msk $0xffff, v0;
	s0 =	sshra.s32 s9, $0x2  }
0x1cc: {  	s9 =	sadd.s32 $0x200, s9;
	v0 =	vld [tilespmem:s0+$0x2670]  }
0x1cd: {  	v1 =	vld [tilespmem:s0+$0x4670]  }
0x1ce: {  	v2 =	vld [tilespmem:s0+$0x2600]  }
0x1cf: {  	v3 =	vld [tilespmem:s0+$0x4600]  }
0x1d0: {  	v4 =	vld [tilespmem:s0+$0x2610]  }
0x1d1: {  	v5 =	vld [tilespmem:s0+$0x4610]  }
0x1d2: {  	v6 =	vld [tilespmem:s0+$0x2620]  }
0x1d3: {  	v7 =	vld [tilespmem:s0+$0x4630]  }
0x1d4: {  	v8 =	vld [tilespmem:s0+$0x2640]  }
0x1d5: {  	v9 =	vld [tilespmem:s0+$0x4640]  }
0x1d6: {  	v10 =	vld [tilespmem:s0+$0x2650]  }
0x1d7: {  	v11 =	vld [tilespmem:s0+$0x4650];
	v0 =	vadd.f32 v1, v0  }
0x1d8: {  	v1 =	vld [tilespmem:s0+$0x4620]  }
0x1d9: {  	[tilespmem:s0+$0x670] =	vst.add.f32.msk $0xffff, v0  }
0x1da: {  	v0 =	vld [tilespmem:s0+$0x2630]  }
0x1db: {  	v63 =	vld [tilespmem:s0+$0x4660];
	v2 =	vadd.f32 v3, v2  }
0x1dc: {  	v3 =	vld [tilespmem:s0+$0x2660];
	v4 =	vadd.f32 v5, v4  }
0x1dd: {  	[tilespmem:s0+$0x600] =	vst.add.f32.msk $0xffff, v2;
	v2 =	vadd.f32 v9, v8  }
0x1de: {  	[tilespmem:s0+$0x610] =	vst.add.f32.msk $0xffff, v4;
	v1 =	vadd.f32 v1, v6  }
0x1df: {  	[tilespmem:s0+$0x640] =	vst.add.f32.msk $0xffff, v2;
	v0 =	vadd.f32 v7, v0  }
0x1e0: {  	[tilespmem:s0+$0x620] =	vst.add.f32.msk $0xffff, v1;
	v1 =	vadd.f32 v11, v10  }
0x1e1: {  	[tilespmem:s0+$0x630] =	vst.add.f32.msk $0xffff, v0;
	v0 =	vadd.f32 v63, v3  }
0x1e2: {  	[tilespmem:s0+$0x650] =	vst.add.f32.msk $0xffff, v1  }
0x1e3: {  	s9 =	simm.s32 $0x0;
	[tilespmem:s0+$0x660] =	vst.add.f32.msk $0xffff, v0  }
0x1e4: {  	[hbm4b:s13+s9] =	stream.linear.scatter [tilespmem:s24], [sflag:$0x4], $0x2000, $0x38;
	[tilespmem:$0x123C0] =	vst v63  }
0x1e5: {  	_ =	swait.ge [sflag:s28], $0x2000  }
0x1e6: {  	[sflag:s28] =	ssyncset.done $0x0  }
0x1e7: {  	s11 =	simm.s32 $0x100;
	[sflag:s28] =	ssyncadd.s32 $0xFFFFE000  }
0x1e8: {  	[tilespmem:s24], [sflag:$0x2] =	stream.indirect.gather [spmem:s1], $0x80, s11, s23, $0xb8;
	[tilespmem:$0x123C0] =	vst v63  }
0x1e9: {  	s9 =	simm.s32 $0x300  }
0x1ea: {  	[tilespmem:s25], [sflag:$0x2] =	stream.indirect.gather [spmem:s2], $0x80, s9, s23, $0xb8;
	[tilespmem:$0x123C0] =	vst v63  }
0x1eb: {  	s11 =	simm.s32 $0x500  }
0x1ec: {  	[tilespmem:s26], [sflag:$0x2] =	stream.indirect.gather [spmem:s4], $0x80, s11, s23, $0xb8;
	[tilespmem:$0x123C0] =	vst v63  }
0x1ed: {  	_ =	swait.ge [sflag:s29], $0x2000  }
0x1ee: {  	[sflag:s29] =	ssyncset.done $0x0  }
0x1ef: {  	[sflag:s29] =	ssyncadd.s32 $0xFFFFE000  }
0x1f0: {  	_ =	swait.ge [sflag:s29], $0x2000  }
0x1f1: {  	[sflag:s29] =	ssyncset.done $0x0  }
0x1f2: {  	[sflag:s29] =	ssyncadd.s32 $0xFFFFE000  }
0x1f3: {  	_ =	swait.ge [sflag:s29], $0x2000  }
0x1f4: {  	[sflag:s29] =	ssyncset.done $0x0  }
0x1f5: {  	s0 =	simm.s32 $0x0;
	[sflag:s29] =	ssyncadd.s32 $0xFFFFE000  }
0x1f6: {  	s9 =	simm.s32 $0x200;
	v0 =	vld [tilespmem:s0+$0x8670]  }
.LBB2_13:
0x1f7: {  	p0 =	sne.s32 s9, $0x7E00;
	v1 =	vld [tilespmem:s0+$0xA670]  }
0x1f8: {  	v2 =	vld [tilespmem:s0+$0x8600]  }
0x1f9: {  	v3 =	vld [tilespmem:s0+$0xA600]  }
0x1fa: {  	v4 =	vld [tilespmem:s0+$0x8610]  }
0x1fb: {  	v5 =	vld [tilespmem:s0+$0xA610]  }
0x1fc: {  	v6 =	vld [tilespmem:s0+$0x8620];
	v0 =	vadd.f32 v1, v0  }
0x1fd: {  	v1 =	vld [tilespmem:s0+$0xA620]  }
0x1fe: {  	v2 =	vadd.f32 v3, v2;
	[tilespmem:s0+$0x6670] =	vst.add.f32.msk $0xffff, v0  }
0x1ff: {  	v0 =	vld [tilespmem:s0+$0x8630]  }
0x200: {  	v3 =	vadd.f32 v5, v4;
	v4 =	vld [tilespmem:s0+$0xA630]  }
0x201: {  	v5 =	vld [tilespmem:s0+$0x8640]  }
0x202: {  	v1 =	vadd.f32 v1, v6;
	v6 =	vld [tilespmem:s0+$0xA640]  }
0x203: {  	v7 =	vld [tilespmem:s0+$0x8650]  }
0x204: {  	v8 =	vld [tilespmem:s0+$0xA650]  }
0x205: {  	v0 =	vadd.f32 v4, v0;
	v4 =	vld [tilespmem:s0+$0x8660]  }
0x206: {  	v9 =	vld [tilespmem:s0+$0xA660]  }
0x207: {  	[tilespmem:s0+$0x6600] =	vst.add.f32.msk $0xffff, v2;
	v2 =	vadd.f32 v6, v5  }
0x208: {  	[tilespmem:s0+$0x6610] =	vst.add.f32.msk $0xffff, v3  }
0x209: {  	[tilespmem:s0+$0x6620] =	vst.add.f32.msk $0xffff, v1;
	v1 =	vadd.f32 v8, v7  }
.Ltmp7:
0x20a: {  	[tilespmem:s0+$0x6630] =	vst.add.f32.msk $0xffff, v0;
	(pc) =	sbr.rel @p0 .LBB2_13-.Ltmp7, $4  }
0x20b: {  	[tilespmem:s0+$0x6640] =	vst.add.f32.msk $0xffff, v2;
	v0 =	vadd.f32 v9, v4  }
0x20c: {  	[tilespmem:s0+$0x6650] =	vst.add.f32.msk $0xffff, v1  }
0x20d: {  	[tilespmem:s0+$0x6660] =	vst.add.f32.msk $0xffff, v0;
	s0 =	sshra.s32 s9, $0x2  }
0x20e: {  	s9 =	sadd.s32 $0x200, s9;
	v0 =	vld [tilespmem:s0+$0x8670]  }
0x20f: {  	v1 =	vld [tilespmem:s0+$0xA670]  }
0x210: {  	v2 =	vld [tilespmem:s0+$0x8600]  }
0x211: {  	v3 =	vld [tilespmem:s0+$0xA600]  }
0x212: {  	v4 =	vld [tilespmem:s0+$0x8610]  }
0x213: {  	v5 =	vld [tilespmem:s0+$0xA610]  }
0x214: {  	v6 =	vld [tilespmem:s0+$0x8620]  }
0x215: {  	v7 =	vld [tilespmem:s0+$0xA630]  }
0x216: {  	v8 =	vld [tilespmem:s0+$0x8640]  }
0x217: {  	v9 =	vld [tilespmem:s0+$0xA640]  }
0x218: {  	v10 =	vld [tilespmem:s0+$0x8650]  }
0x219: {  	v11 =	vld [tilespmem:s0+$0xA650];
	v0 =	vadd.f32 v1, v0  }
0x21a: {  	v1 =	vld [tilespmem:s0+$0xA620]  }
0x21b: {  	[tilespmem:s0+$0x6670] =	vst.add.f32.msk $0xffff, v0  }
0x21c: {  	v0 =	vld [tilespmem:s0+$0x8630]  }
0x21d: {  	v63 =	vld [tilespmem:s0+$0xA660];
	v2 =	vadd.f32 v3, v2  }
0x21e: {  	v3 =	vld [tilespmem:s0+$0x8660];
	v4 =	vadd.f32 v5, v4  }
0x21f: {  	[tilespmem:s0+$0x6600] =	vst.add.f32.msk $0xffff, v2;
	v2 =	vadd.f32 v9, v8  }
0x220: {  	[tilespmem:s0+$0x6610] =	vst.add.f32.msk $0xffff, v4;
	v1 =	vadd.f32 v1, v6  }
0x221: {  	[tilespmem:s0+$0x6640] =	vst.add.f32.msk $0xffff, v2;
	v0 =	vadd.f32 v7, v0  }
0x222: {  	[tilespmem:s0+$0x6620] =	vst.add.f32.msk $0xffff, v1;
	v1 =	vadd.f32 v11, v10  }
0x223: {  	[tilespmem:s0+$0x6630] =	vst.add.f32.msk $0xffff, v0;
	v0 =	vadd.f32 v63, v3  }
0x224: {  	[tilespmem:s0+$0x6650] =	vst.add.f32.msk $0xffff, v1  }
0x225: {  	s9 =	simm.s32 $0x0;
	[tilespmem:s0+$0x6660] =	vst.add.f32.msk $0xffff, v0  }
0x226: {  	[hbm4b:s14+s9] =	stream.linear.scatter [tilespmem:s30], [sflag:$0x4], $0x2000, $0x38;
	[tilespmem:$0x123C0] =	vst v63  }
0x227: {  	_ =	swait.ge [sflag:s28], $0x2000  }
0x228: {  	[sflag:s28] =	ssyncset.done $0x0  }
0x229: {  	s11 =	simm.s32 $0x140;
	[sflag:s28] =	ssyncadd.s32 $0xFFFFE000  }
0x22a: {  	[tilespmem:s30], [sflag:$0x3] =	stream.indirect.gather [spmem:s1], $0x80, s11, s23, $0xb8;
	[tilespmem:$0x123C0] =	vst v63  }
0x22b: {  	s9 =	simm.s32 $0x340  }
0x22c: {  	[tilespmem:s31], [sflag:$0x3] =	stream.indirect.gather [spmem:s2], $0x80, s9, s23, $0xb8;
	[tilespmem:$0x123C0] =	vst v63  }
0x22d: {  	s11 =	simm.s32 $0x540  }
0x22e: {  	[tilespmem:s3], [sflag:$0x3] =	stream.indirect.gather [spmem:s4], $0x80, s11, s23, $0xb8;
	[tilespmem:$0x123C0] =	vst v63  }
0x22f: {  	_ =	swait.ge [sflag:s6], $0x2000  }
0x230: {  	[sflag:s6] =	ssyncset.done $0x0  }
0x231: {  	[sflag:s6] =	ssyncadd.s32 $0xFFFFE000  }
0x232: {  	_ =	swait.ge [sflag:s6], $0x2000  }
0x233: {  	[sflag:s6] =	ssyncset.done $0x0  }
0x234: {  	[sflag:s6] =	ssyncadd.s32 $0xFFFFE000  }
0x235: {  	_ =	swait.ge [sflag:s6], $0x2000  }
0x236: {  	[sflag:s6] =	ssyncset.done $0x0  }
0x237: {  	s0 =	simm.s32 $0x0;
	[sflag:s6] =	ssyncadd.s32 $0xFFFFE000  }
0x238: {  	s9 =	simm.s32 $0x200;
	v0 =	vld [tilespmem:s0+$0x2670]  }
.LBB2_15:
0x239: {  	p0 =	sne.s32 s9, $0x7E00;
	v1 =	vld [tilespmem:s0+$0x4670]  }
0x23a: {  	v2 =	vld [tilespmem:s0+$0x2600]  }
0x23b: {  	v3 =	vld [tilespmem:s0+$0x4600]  }
0x23c: {  	v4 =	vld [tilespmem:s0+$0x2610]  }
0x23d: {  	v5 =	vld [tilespmem:s0+$0x4610]  }
0x23e: {  	v6 =	vld [tilespmem:s0+$0x2620];
	v0 =	vadd.f32 v1, v0  }
0x23f: {  	v1 =	vld [tilespmem:s0+$0x4620]  }
0x240: {  	v2 =	vadd.f32 v3, v2;
	[tilespmem:s0+$0x670] =	vst.add.f32.msk $0xffff, v0  }
0x241: {  	v0 =	vld [tilespmem:s0+$0x2630]  }
0x242: {  	v3 =	vadd.f32 v5, v4;
	v4 =	vld [tilespmem:s0+$0x4630]  }
0x243: {  	v5 =	vld [tilespmem:s0+$0x2640]  }
0x244: {  	v1 =	vadd.f32 v1, v6;
	v6 =	vld [tilespmem:s0+$0x4640]  }
0x245: {  	v7 =	vld [tilespmem:s0+$0x2650]  }
0x246: {  	v8 =	vld [tilespmem:s0+$0x4650]  }
0x247: {  	v0 =	vadd.f32 v4, v0;
	v4 =	vld [tilespmem:s0+$0x2660]  }
0x248: {  	v9 =	vld [tilespmem:s0+$0x4660]  }
0x249: {  	[tilespmem:s0+$0x600] =	vst.add.f32.msk $0xffff, v2;
	v2 =	vadd.f32 v6, v5  }
0x24a: {  	[tilespmem:s0+$0x610] =	vst.add.f32.msk $0xffff, v3  }
0x24b: {  	[tilespmem:s0+$0x620] =	vst.add.f32.msk $0xffff, v1;
	v1 =	vadd.f32 v8, v7  }
.Ltmp8:
0x24c: {  	[tilespmem:s0+$0x630] =	vst.add.f32.msk $0xffff, v0;
	(pc) =	sbr.rel @p0 .LBB2_15-.Ltmp8, $4  }
0x24d: {  	[tilespmem:s0+$0x640] =	vst.add.f32.msk $0xffff, v2;
	v0 =	vadd.f32 v9, v4  }
0x24e: {  	[tilespmem:s0+$0x650] =	vst.add.f32.msk $0xffff, v1  }
0x24f: {  	[tilespmem:s0+$0x660] =	vst.add.f32.msk $0xffff, v0;
	s0 =	sshra.s32 s9, $0x2  }
0x250: {  	s9 =	sadd.s32 $0x200, s9;
	v0 =	vld [tilespmem:s0+$0x2670]  }
0x251: {  	v1 =	vld [tilespmem:s0+$0x4670]  }
0x252: {  	v2 =	vld [tilespmem:s0+$0x2600]  }
0x253: {  	v3 =	vld [tilespmem:s0+$0x4600]  }
0x254: {  	v4 =	vld [tilespmem:s0+$0x2610]  }
0x255: {  	v5 =	vld [tilespmem:s0+$0x4610]  }
0x256: {  	v6 =	vld [tilespmem:s0+$0x2620]  }
0x257: {  	v7 =	vld [tilespmem:s0+$0x4630]  }
0x258: {  	v8 =	vld [tilespmem:s0+$0x2640]  }
0x259: {  	v9 =	vld [tilespmem:s0+$0x4640]  }
0x25a: {  	v10 =	vld [tilespmem:s0+$0x2650]  }
0x25b: {  	v11 =	vld [tilespmem:s0+$0x4650];
	v0 =	vadd.f32 v1, v0  }
0x25c: {  	v1 =	vld [tilespmem:s0+$0x4620]  }
0x25d: {  	[tilespmem:s0+$0x670] =	vst.add.f32.msk $0xffff, v0  }
0x25e: {  	v0 =	vld [tilespmem:s0+$0x2630]  }
0x25f: {  	v63 =	vld [tilespmem:s0+$0x4660];
	v2 =	vadd.f32 v3, v2  }
0x260: {  	v3 =	vld [tilespmem:s0+$0x2660];
	v4 =	vadd.f32 v5, v4  }
0x261: {  	[tilespmem:s0+$0x600] =	vst.add.f32.msk $0xffff, v2;
	v2 =	vadd.f32 v9, v8  }
0x262: {  	[tilespmem:s0+$0x610] =	vst.add.f32.msk $0xffff, v4;
	v1 =	vadd.f32 v1, v6  }
0x263: {  	[tilespmem:s0+$0x640] =	vst.add.f32.msk $0xffff, v2;
	v0 =	vadd.f32 v7, v0  }
0x264: {  	[tilespmem:s0+$0x620] =	vst.add.f32.msk $0xffff, v1;
	v1 =	vadd.f32 v11, v10  }
0x265: {  	[tilespmem:s0+$0x630] =	vst.add.f32.msk $0xffff, v0;
	v0 =	vadd.f32 v63, v3  }
0x266: {  	[tilespmem:s0+$0x650] =	vst.add.f32.msk $0xffff, v1  }
0x267: {  	s9 =	simm.s32 $0x0;
	[tilespmem:s0+$0x660] =	vst.add.f32.msk $0xffff, v0  }
0x268: {  	[hbm4b:s15+s9] =	stream.linear.scatter [tilespmem:s24], [sflag:$0x4], $0x2000, $0x38;
	[tilespmem:$0x123C0] =	vst v63  }
0x269: {  	_ =	swait.ge [sflag:s28], $0x2000  }
0x26a: {  	[sflag:s28] =	ssyncset.done $0x0  }
0x26b: {  	s11 =	simm.s32 $0x180;
	[sflag:s28] =	ssyncadd.s32 $0xFFFFE000  }
0x26c: {  	[tilespmem:s24], [sflag:$0x2] =	stream.indirect.gather [spmem:s1], $0x80, s11, s23, $0xb8;
	[tilespmem:$0x123C0] =	vst v63  }
0x26d: {  	s9 =	simm.s32 $0x380  }
0x26e: {  	[tilespmem:s25], [sflag:$0x2] =	stream.indirect.gather [spmem:s2], $0x80, s9, s23, $0xb8;
	[tilespmem:$0x123C0] =	vst v63  }
0x26f: {  	s11 =	simm.s32 $0x580  }
0x270: {  	[tilespmem:s26], [sflag:$0x2] =	stream.indirect.gather [spmem:s4], $0x80, s11, s23, $0xb8;
	[tilespmem:$0x123C0] =	vst v63  }
0x271: {  	_ =	swait.ge [sflag:s29], $0x2000  }
0x272: {  	[sflag:s29] =	ssyncset.done $0x0  }
0x273: {  	[sflag:s29] =	ssyncadd.s32 $0xFFFFE000  }
0x274: {  	_ =	swait.ge [sflag:s29], $0x2000  }
0x275: {  	[sflag:s29] =	ssyncset.done $0x0  }
0x276: {  	[sflag:s29] =	ssyncadd.s32 $0xFFFFE000  }
0x277: {  	_ =	swait.ge [sflag:s29], $0x2000  }
0x278: {  	[sflag:s29] =	ssyncset.done $0x0  }
0x279: {  	s0 =	simm.s32 $0x0;
	[sflag:s29] =	ssyncadd.s32 $0xFFFFE000  }
0x27a: {  	s9 =	simm.s32 $0x200;
	v0 =	vld [tilespmem:s0+$0x8670]  }
.LBB2_17:
0x27b: {  	p0 =	sne.s32 s9, $0x7E00;
	v1 =	vld [tilespmem:s0+$0xA670]  }
0x27c: {  	v2 =	vld [tilespmem:s0+$0x8600]  }
0x27d: {  	v3 =	vld [tilespmem:s0+$0xA600]  }
0x27e: {  	v4 =	vld [tilespmem:s0+$0x8610]  }
0x27f: {  	v5 =	vld [tilespmem:s0+$0xA610]  }
0x280: {  	v6 =	vld [tilespmem:s0+$0x8620];
	v0 =	vadd.f32 v1, v0  }
0x281: {  	v1 =	vld [tilespmem:s0+$0xA620]  }
0x282: {  	v2 =	vadd.f32 v3, v2;
	[tilespmem:s0+$0x6670] =	vst.add.f32.msk $0xffff, v0  }
0x283: {  	v0 =	vld [tilespmem:s0+$0x8630]  }
0x284: {  	v3 =	vadd.f32 v5, v4;
	v4 =	vld [tilespmem:s0+$0xA630]  }
0x285: {  	v5 =	vld [tilespmem:s0+$0x8640]  }
0x286: {  	v1 =	vadd.f32 v1, v6;
	v6 =	vld [tilespmem:s0+$0xA640]  }
0x287: {  	v7 =	vld [tilespmem:s0+$0x8650]  }
0x288: {  	v8 =	vld [tilespmem:s0+$0xA650]  }
0x289: {  	v0 =	vadd.f32 v4, v0;
	v4 =	vld [tilespmem:s0+$0x8660]  }
0x28a: {  	v9 =	vld [tilespmem:s0+$0xA660]  }
0x28b: {  	[tilespmem:s0+$0x6600] =	vst.add.f32.msk $0xffff, v2;
	v2 =	vadd.f32 v6, v5  }
0x28c: {  	[tilespmem:s0+$0x6610] =	vst.add.f32.msk $0xffff, v3  }
0x28d: {  	[tilespmem:s0+$0x6620] =	vst.add.f32.msk $0xffff, v1;
	v1 =	vadd.f32 v8, v7  }
.Ltmp9:
0x28e: {  	[tilespmem:s0+$0x6630] =	vst.add.f32.msk $0xffff, v0;
	(pc) =	sbr.rel @p0 .LBB2_17-.Ltmp9, $4  }
0x28f: {  	[tilespmem:s0+$0x6640] =	vst.add.f32.msk $0xffff, v2;
	v0 =	vadd.f32 v9, v4  }
0x290: {  	[tilespmem:s0+$0x6650] =	vst.add.f32.msk $0xffff, v1  }
0x291: {  	[tilespmem:s0+$0x6660] =	vst.add.f32.msk $0xffff, v0;
	s0 =	sshra.s32 s9, $0x2  }
0x292: {  	s9 =	sadd.s32 $0x200, s9;
	v0 =	vld [tilespmem:s0+$0x8670]  }
0x293: {  	v1 =	vld [tilespmem:s0+$0xA670]  }
0x294: {  	v2 =	vld [tilespmem:s0+$0x8600]  }
0x295: {  	v3 =	vld [tilespmem:s0+$0xA600]  }
0x296: {  	v4 =	vld [tilespmem:s0+$0x8610]  }
0x297: {  	v5 =	vld [tilespmem:s0+$0xA610]  }
0x298: {  	v6 =	vld [tilespmem:s0+$0x8620]  }
0x299: {  	v7 =	vld [tilespmem:s0+$0xA630]  }
0x29a: {  	v8 =	vld [tilespmem:s0+$0x8640]  }
0x29b: {  	v9 =	vld [tilespmem:s0+$0xA640]  }
0x29c: {  	v10 =	vld [tilespmem:s0+$0x8650]  }
0x29d: {  	v11 =	vld [tilespmem:s0+$0xA650];
	v0 =	vadd.f32 v1, v0  }
0x29e: {  	v1 =	vld [tilespmem:s0+$0xA620]  }
0x29f: {  	[tilespmem:s0+$0x6670] =	vst.add.f32.msk $0xffff, v0  }
0x2a0: {  	v0 =	vld [tilespmem:s0+$0x8630]  }
0x2a1: {  	v63 =	vld [tilespmem:s0+$0xA660];
	v2 =	vadd.f32 v3, v2  }
0x2a2: {  	v3 =	vld [tilespmem:s0+$0x8660];
	v4 =	vadd.f32 v5, v4  }
0x2a3: {  	[tilespmem:s0+$0x6600] =	vst.add.f32.msk $0xffff, v2;
	v2 =	vadd.f32 v9, v8  }
0x2a4: {  	[tilespmem:s0+$0x6610] =	vst.add.f32.msk $0xffff, v4;
	v1 =	vadd.f32 v1, v6  }
0x2a5: {  	[tilespmem:s0+$0x6640] =	vst.add.f32.msk $0xffff, v2;
	v0 =	vadd.f32 v7, v0  }
0x2a6: {  	[tilespmem:s0+$0x6620] =	vst.add.f32.msk $0xffff, v1;
	v1 =	vadd.f32 v11, v10  }
0x2a7: {  	[tilespmem:s0+$0x6630] =	vst.add.f32.msk $0xffff, v0;
	v0 =	vadd.f32 v63, v3  }
0x2a8: {  	[tilespmem:s0+$0x6650] =	vst.add.f32.msk $0xffff, v1  }
0x2a9: {  	s9 =	simm.s32 $0x0;
	[tilespmem:s0+$0x6660] =	vst.add.f32.msk $0xffff, v0  }
0x2aa: {  	[hbm4b:s16+s9] =	stream.linear.scatter [tilespmem:s30], [sflag:$0x4], $0x2000, $0x38;
	[tilespmem:$0x123C0] =	vst v63  }
0x2ab: {  	_ =	swait.ge [sflag:s28], $0x2000  }
0x2ac: {  	[sflag:s28] =	ssyncset.done $0x0  }
0x2ad: {  	s11 =	simm.s32 $0x1C0;
	[sflag:s28] =	ssyncadd.s32 $0xFFFFE000  }
0x2ae: {  	[tilespmem:s30], [sflag:$0x3] =	stream.indirect.gather [spmem:s1], $0x80, s11, s23, $0xb8;
	[tilespmem:$0x123C0] =	vst v63  }
0x2af: {  	s9 =	simm.s32 $0x3C0  }
0x2b0: {  	[tilespmem:s31], [sflag:$0x3] =	stream.indirect.gather [spmem:s2], $0x80, s9, s23, $0xb8;
	[tilespmem:$0x123C0] =	vst v63  }
0x2b1: {  	s11 =	simm.s32 $0x5C0  }
0x2b2: {  	[tilespmem:s3], [sflag:$0x3] =	stream.indirect.gather [spmem:s4], $0x80, s11, s23, $0xb8;
	[tilespmem:$0x123C0] =	vst v63  }
0x2b3: {  	_ =	swait.ge [sflag:s6], $0x2000  }
0x2b4: {  	[sflag:s6] =	ssyncset.done $0x0  }
0x2b5: {  	[sflag:s6] =	ssyncadd.s32 $0xFFFFE000  }
0x2b6: {  	_ =	swait.ge [sflag:s6], $0x2000  }
0x2b7: {  	[sflag:s6] =	ssyncset.done $0x0  }
0x2b8: {  	[sflag:s6] =	ssyncadd.s32 $0xFFFFE000  }
0x2b9: {  	_ =	swait.ge [sflag:s6], $0x2000  }
0x2ba: {  	[sflag:s6] =	ssyncset.done $0x0  }
0x2bb: {  	s0 =	simm.s32 $0x0;
	[sflag:s6] =	ssyncadd.s32 $0xFFFFE000  }
0x2bc: {  	s9 =	simm.s32 $0x200;
	v0 =	vld [tilespmem:s0+$0x2670]  }
.LBB2_19:
0x2bd: {  	p0 =	sne.s32 s9, $0x7E00;
	v1 =	vld [tilespmem:s0+$0x4670]  }
0x2be: {  	v2 =	vld [tilespmem:s0+$0x2600]  }
0x2bf: {  	v3 =	vld [tilespmem:s0+$0x4600]  }
0x2c0: {  	v4 =	vld [tilespmem:s0+$0x2610]  }
0x2c1: {  	v5 =	vld [tilespmem:s0+$0x4610]  }
0x2c2: {  	v6 =	vld [tilespmem:s0+$0x2620];
	v0 =	vadd.f32 v1, v0  }
0x2c3: {  	v1 =	vld [tilespmem:s0+$0x4620]  }
0x2c4: {  	v2 =	vadd.f32 v3, v2;
	[tilespmem:s0+$0x670] =	vst.add.f32.msk $0xffff, v0  }
0x2c5: {  	v0 =	vld [tilespmem:s0+$0x2630]  }
0x2c6: {  	v3 =	vadd.f32 v5, v4;
	v4 =	vld [tilespmem:s0+$0x4630]  }
0x2c7: {  	v5 =	vld [tilespmem:s0+$0x2640]  }
0x2c8: {  	v1 =	vadd.f32 v1, v6;
	v6 =	vld [tilespmem:s0+$0x4640]  }
0x2c9: {  	v7 =	vld [tilespmem:s0+$0x2650]  }
0x2ca: {  	v8 =	vld [tilespmem:s0+$0x4650]  }
0x2cb: {  	v0 =	vadd.f32 v4, v0;
	v4 =	vld [tilespmem:s0+$0x2660]  }
0x2cc: {  	v9 =	vld [tilespmem:s0+$0x4660]  }
0x2cd: {  	[tilespmem:s0+$0x600] =	vst.add.f32.msk $0xffff, v2;
	v2 =	vadd.f32 v6, v5  }
0x2ce: {  	[tilespmem:s0+$0x610] =	vst.add.f32.msk $0xffff, v3  }
0x2cf: {  	[tilespmem:s0+$0x620] =	vst.add.f32.msk $0xffff, v1;
	v1 =	vadd.f32 v8, v7  }
.Ltmp10:
0x2d0: {  	[tilespmem:s0+$0x630] =	vst.add.f32.msk $0xffff, v0;
	(pc) =	sbr.rel @p0 .LBB2_19-.Ltmp10, $4  }
0x2d1: {  	[tilespmem:s0+$0x640] =	vst.add.f32.msk $0xffff, v2;
	v0 =	vadd.f32 v9, v4  }
0x2d2: {  	[tilespmem:s0+$0x650] =	vst.add.f32.msk $0xffff, v1  }
0x2d3: {  	[tilespmem:s0+$0x660] =	vst.add.f32.msk $0xffff, v0;
	s0 =	sshra.s32 s9, $0x2  }
0x2d4: {  	s9 =	sadd.s32 $0x200, s9;
	v0 =	vld [tilespmem:s0+$0x2670]  }
0x2d5: {  	v1 =	vld [tilespmem:s0+$0x4670]  }
0x2d6: {  	v2 =	vld [tilespmem:s0+$0x2600]  }
0x2d7: {  	v3 =	vld [tilespmem:s0+$0x4600]  }
0x2d8: {  	v4 =	vld [tilespmem:s0+$0x2610]  }
0x2d9: {  	v5 =	vld [tilespmem:s0+$0x4610]  }
0x2da: {  	v6 =	vld [tilespmem:s0+$0x2620]  }
0x2db: {  	v7 =	vld [tilespmem:s0+$0x4630]  }
0x2dc: {  	v8 =	vld [tilespmem:s0+$0x2640]  }
0x2dd: {  	v9 =	vld [tilespmem:s0+$0x4640]  }
0x2de: {  	v10 =	vld [tilespmem:s0+$0x2650]  }
0x2df: {  	v11 =	vld [tilespmem:s0+$0x4650];
	v0 =	vadd.f32 v1, v0  }
0x2e0: {  	v1 =	vld [tilespmem:s0+$0x4620]  }
0x2e1: {  	[tilespmem:s0+$0x670] =	vst.add.f32.msk $0xffff, v0  }
0x2e2: {  	v0 =	vld [tilespmem:s0+$0x2630]  }
0x2e3: {  	v63 =	vld [tilespmem:s0+$0x4660];
	v2 =	vadd.f32 v3, v2  }
0x2e4: {  	v3 =	vld [tilespmem:s0+$0x2660];
	v4 =	vadd.f32 v5, v4  }
0x2e5: {  	[tilespmem:s0+$0x600] =	vst.add.f32.msk $0xffff, v2;
	v2 =	vadd.f32 v9, v8  }
0x2e6: {  	[tilespmem:s0+$0x610] =	vst.add.f32.msk $0xffff, v4;
	v1 =	vadd.f32 v1, v6  }
0x2e7: {  	[tilespmem:s0+$0x640] =	vst.add.f32.msk $0xffff, v2;
	v0 =	vadd.f32 v7, v0  }
0x2e8: {  	[tilespmem:s0+$0x620] =	vst.add.f32.msk $0xffff, v1;
	v1 =	vadd.f32 v11, v10  }
0x2e9: {  	[tilespmem:s0+$0x630] =	vst.add.f32.msk $0xffff, v0;
	v0 =	vadd.f32 v63, v3  }
0x2ea: {  	[tilespmem:s0+$0x650] =	vst.add.f32.msk $0xffff, v1  }
0x2eb: {  	s11 =	simm.s32 $0x0;
	[tilespmem:s0+$0x660] =	vst.add.f32.msk $0xffff, v0  }
0x2ec: {  	[hbm4b:s17+s11] =	stream.linear.scatter [tilespmem:s24], [sflag:$0x4], $0x2000, $0x38;
	[tilespmem:$0x123C0] =	vst v63  }
0x2ed: {  	_ =	swait.ge [sflag:s29], $0x2000  }
0x2ee: {  	[sflag:s29] =	ssyncset.done $0x0  }
0x2ef: {  	[sflag:s29] =	ssyncadd.s32 $0xFFFFE000  }
0x2f0: {  	_ =	swait.ge [sflag:s29], $0x2000  }
0x2f1: {  	[sflag:s29] =	ssyncset.done $0x0  }
0x2f2: {  	[sflag:s29] =	ssyncadd.s32 $0xFFFFE000  }
0x2f3: {  	_ =	swait.ge [sflag:s29], $0x2000  }
0x2f4: {  	[sflag:s29] =	ssyncset.done $0x0  }
0x2f5: {  	s0 =	simm.s32 $0x0;
	[sflag:s29] =	ssyncadd.s32 $0xFFFFE000  }
0x2f6: {  	s9 =	simm.s32 $0x200;
	v0 =	vld [tilespmem:s0+$0x8670]  }
.LBB2_21:
0x2f7: {  	p0 =	sne.s32 s9, $0x7E00;
	v1 =	vld [tilespmem:s0+$0xA670]  }
0x2f8: {  	v2 =	vld [tilespmem:s0+$0x8600]  }
0x2f9: {  	v3 =	vld [tilespmem:s0+$0xA600]  }
0x2fa: {  	v4 =	vld [tilespmem:s0+$0x8610]  }
0x2fb: {  	v5 =	vld [tilespmem:s0+$0xA610]  }
0x2fc: {  	v6 =	vld [tilespmem:s0+$0x8620];
	v0 =	vadd.f32 v1, v0  }
0x2fd: {  	v1 =	vld [tilespmem:s0+$0xA620]  }
0x2fe: {  	v2 =	vadd.f32 v3, v2;
	[tilespmem:s0+$0x6670] =	vst.add.f32.msk $0xffff, v0  }
0x2ff: {  	v0 =	vld [tilespmem:s0+$0x8630]  }
0x300: {  	v3 =	vadd.f32 v5, v4;
	v4 =	vld [tilespmem:s0+$0xA630]  }
0x301: {  	v5 =	vld [tilespmem:s0+$0x8640]  }
0x302: {  	v1 =	vadd.f32 v1, v6;
	v6 =	vld [tilespmem:s0+$0xA640]  }
0x303: {  	v7 =	vld [tilespmem:s0+$0x8650]  }
0x304: {  	v8 =	vld [tilespmem:s0+$0xA650]  }
0x305: {  	v0 =	vadd.f32 v4, v0;
	v4 =	vld [tilespmem:s0+$0x8660]  }
0x306: {  	v9 =	vld [tilespmem:s0+$0xA660]  }
0x307: {  	[tilespmem:s0+$0x6600] =	vst.add.f32.msk $0xffff, v2;
	v2 =	vadd.f32 v6, v5  }
0x308: {  	[tilespmem:s0+$0x6610] =	vst.add.f32.msk $0xffff, v3  }
0x309: {  	[tilespmem:s0+$0x6620] =	vst.add.f32.msk $0xffff, v1;
	v1 =	vadd.f32 v8, v7  }
.Ltmp11:
0x30a: {  	[tilespmem:s0+$0x6630] =	vst.add.f32.msk $0xffff, v0;
	(pc) =	sbr.rel @p0 .LBB2_21-.Ltmp11, $4  }
0x30b: {  	[tilespmem:s0+$0x6640] =	vst.add.f32.msk $0xffff, v2;
	v0 =	vadd.f32 v9, v4  }
0x30c: {  	[tilespmem:s0+$0x6650] =	vst.add.f32.msk $0xffff, v1  }
0x30d: {  	[tilespmem:s0+$0x6660] =	vst.add.f32.msk $0xffff, v0;
	s0 =	sshra.s32 s9, $0x2  }
0x30e: {  	s9 =	sadd.s32 $0x200, s9;
	v0 =	vld [tilespmem:s0+$0x8670]  }
0x30f: {  	v1 =	vld [tilespmem:s0+$0xA670]  }
0x310: {  	v2 =	vld [tilespmem:s0+$0x8600]  }
0x311: {  	v3 =	vld [tilespmem:s0+$0xA600]  }
0x312: {  	v4 =	vld [tilespmem:s0+$0x8610]  }
0x313: {  	v5 =	vld [tilespmem:s0+$0xA610]  }
0x314: {  	v6 =	vld [tilespmem:s0+$0x8620]  }
0x315: {  	v57 =	vld [tilespmem:s0+$0xA620]  }
0x316: {  	v58 =	vld [tilespmem:s0+$0x8630]  }
0x317: {  	v7 =	vld [tilespmem:s0+$0xA630]  }
0x318: {  	v8 =	vld [tilespmem:s0+$0x8640]  }
0x319: {  	v9 =	vld [tilespmem:s0+$0xA640]  }
0x31a: {  	v10 =	vld [tilespmem:s0+$0x8650]  }
0x31b: {  	v11 =	vld [tilespmem:s0+$0xA650]  }
0x31c: {  	v59 =	vld [tilespmem:s0+$0x8660];
	v0 =	vadd.f32 v1, v0  }
0x31d: {  	v60 =	vld [tilespmem:s0+$0xA660];
	v2 =	vadd.f32 v3, v2  }
0x31e: {  	v4 =	vadd.f32 v5, v4;
	[tilespmem:s0+$0x6670] =	vst.add.f32.msk $0xffff, v0  }
0x31f: {  	v1 =	vadd.f32 v57, v6;
	[tilespmem:s0+$0x6600] =	vst.add.f32.msk $0xffff, v2  }
0x320: {  	v61 =	vadd.f32 v9, v8;
	[tilespmem:s0+$0x6610] =	vst.add.f32.msk $0xffff, v4  }
0x321: {  	v62 =	vadd.f32 v11, v10;
	[tilespmem:s0+$0x6620] =	vst.add.f32.msk $0xffff, v1  }
0x322: {  	v63 =	vadd.f32 v60, v59;
	[tilespmem:s0+$0x6640] =	vst.add.f32.msk $0xffff, v61  }
0x323: {  	v0 =	vadd.f32 v7, v58;
	[tilespmem:s0+$0x6650] =	vst.add.f32.msk $0xffff, v62  }
0x324: {  	[tilespmem:s0+$0x6660] =	vst.add.f32.msk $0xffff, v63  }
0x325: {  	s7 =	sadd.s32 $0x1, s7;
	[tilespmem:s0+$0x6630] =	vst.add.f32.msk $0xffff, v0  }
0x326: {  	[hbm4b:s18+s5] =	stream.linear.scatter [tilespmem:s30], [sflag:$0x4], $0x2000, $0x38;
	[tilespmem:$0x123C0] =	vst v63  }
0x327: {  	p0 =	sne.s32 s7, s19;
	_ =	swait.ge [sflag:s28], $0x2000  }
.Ltmp12:
0x328: {  	[sflag:s28] =	ssyncset.done $0x0;
	(pc) =	sbr.rel @p0 .LBB2_1-.Ltmp12, $4  }
0x329: {  	[sflag:s28] =	ssyncadd.s32 $0xFFFFE000  }
0x32a: {  	_ =	swait.ge [sflag:s28], $0x2000  }
0x32b: {  	[sflag:s28] =	ssyncset.done $0x0  }
0x32c: {  	[sflag:s28] =	ssyncadd.s32 $0xFFFFE000  }
0x32d: {  	_ =	sfence.sel $0x180000  }
0x32e: {  	[bflag:$0x0] =	sbarrier.arrive $0xFFFF  }
0x32f: {  	_ =	strace $0x90000047  }
0x330: {  	[bflag:$0x2] =	sbarrier.arrive $0xFFFF  }
0x331: {  	p0 =	sne.s32 s10, $0x0;
	s0 =	rddreg [dreg:$0x5]  }
0x332: {  	s0 =	sadd.s32 @!p0 $0x100000, s0  }
0x333: {  	[sflag:s0] =	ssyncadd.tile.s32 @!p0 $0x1;
	_ =	shalt  }
.Lfunc_end2:
_tile_overlayer_lowered:
.L_overlay_start_2:
0x334: {  	(tag) =	ssettag $0x2  }
0x335: {  	s0 =	rddreg [dreg:$0x0];
	s2 =	stileid.u32  }
0x336: {  	s1 =	rddreg [dreg:$0x1];
	p0 =	sne.s32 s2, $0x0  }
0x337: {  	s3 =	rddreg [dreg:$0x2];
	[bflag:$0x3] =	sbarrier.arrive $0xFFFF;
	s2 =	simm.s32 @!p0 $0x1C05  }
0x338: {  	[timem:s3], [sflag:s2] =	dma.local @!p0 [hbm:s0], s1  }
0x339: {  	s0 =	simm.s32 @!p0 $0x5  }
0x33a: {  	_ =	swait.ge @!p0 [sflag:s0], s1  }
0x33b: {  	s1 =	ssub.s32 @!p0 $0x0, s1;
	[sflag:s0] =	ssyncset.done @!p0 $0x0  }
0x33c: {  	[sflag:s0] =	ssyncadd.s32 @!p0 s1  }
0x33d: {  	[bflag:$0x3] =	sbarrier.arrive $0xFFFF  }
0x33e: {  	_ =	shalt  }

</sc_bundles>
